<compile_context>
chip_gen: v7x
topology: tpu7x:2x2x1
jax: 0.10.2.dev20260603
libtpu: 0.0.44.dev20260713+nightly
codegen_flags: <defaults>
</compile_context>

<pallas_src>
import jax
import jax.numpy as jnp
import numpy as np
from jax import lax
from jax.experimental import pallas as pl
from jax.experimental.pallas import tpu as pltpu
from jax.experimental.pallas import tpu_sc as plsc

EMBED_DIM = 32
SCALE = float(np.sqrt(np.float32(EMBED_DIM)))

NROWS = 16384
SEQ = 50
NUM_WORKERS = 32
B_PER_W = NROWS // NUM_WORKERS
JBLK = 128
J_PER_W = B_PER_W // JBLK
N_CHUNKS = SEQ * J_PER_W
NBUF = 4


def _embed_body(xt_hbm, table_hbm, out_hbm, idx_v, g_v, t_v, *sems):
    gsems = sems[:NBUF]
    osems = sems[NBUF:]
    wid = lax.axis_index("s") * 2 + lax.axis_index("c")
    b0 = wid * B_PER_W

    for k in range(J_PER_W):
        pltpu.sync_copy(xt_hbm.at[:, pl.ds(b0 + k * JBLK, JBLK)],
                        idx_v.at[pl.ds(k * SEQ, SEQ)])

    def fire_gather(c, b):
        pltpu.async_copy(table_hbm.at[idx_v.at[c]], g_v.at[b], gsems[b])

    def wait_gather(c, b):
        pltpu.make_async_copy(
            table_hbm.at[idx_v.at[c]], g_v.at[b], gsems[b]).wait()

    def out_slices(c):
        k = c // SEQ
        s = c - k * SEQ
        return s, (wid * J_PER_W + k)

    def fire_out(c, b):
        s, j = out_slices(c)
        pltpu.async_copy(
            t_v.at[b, :, :, pl.ds(0, JBLK)], out_hbm.at[s, :, j], osems[b])

    def wait_out(c, b):
        s, j = out_slices(c)
        pltpu.make_async_copy(
            t_v.at[b, :, :, pl.ds(0, JBLK)], out_hbm.at[s, :, j],
            osems[b]).wait()

    def transpose_scale(b):
        iota = lax.iota(jnp.int32, 16)
        didx = [iota, iota + 16]
        ci = [d >> 3 for d in didx]
        cr = [d & 7 for d in didx]

        def tok(l, carry):
            cl = jnp.full((16,), l, jnp.int32)
            for h in range(2):
                vals = g_v[b, l, pl.ds(16 * h, 16)]
                plsc.store_scatter(t_v.at[b], [ci[h], cr[h], cl],
                                   vals * SCALE)
            return carry

        lax.fori_loop(0, JBLK, tok, 0, unroll=8)

    for b in range(NBUF):
        fire_gather(b, b)

    @pl.loop(0, N_CHUNKS, step=NBUF)
    def step(c0):
        for b in range(NBUF):
            c = c0 + b
            wait_gather(c, b)

            @pl.when(c >= NBUF)
            def _():
                wait_out(c - NBUF, b)

            transpose_scale(b)
            fire_out(c, b)

            @pl.when(c + NBUF < N_CHUNKS)
            def _():
                fire_gather(c + NBUF, b)

    for b in range(NBUF):
        wait_out(N_CHUNKS - NBUF + b, b)


@jax.jit
def _embed(xt, table):
    mesh = plsc.VectorSubcoreMesh(core_axis_name="c", subcore_axis_name="s")
    f = pl.kernel(
        _embed_body,
        mesh=mesh,
        out_type=jax.ShapeDtypeStruct((SEQ, 4, NROWS // JBLK, 8, JBLK),
                                      jnp.float32),
        scratch_types=[
            pltpu.VMEM((N_CHUNKS, JBLK), jnp.int32),
            pltpu.VMEM((NBUF, JBLK, EMBED_DIM), jnp.float32),
            pltpu.VMEM((NBUF, 4, 8, JBLK + 1), jnp.float32),
        ] + [pltpu.SemaphoreType.DMA] * (2 * NBUF),
        compiler_params=pltpu.CompilerParams(
            use_tc_tiling_on_sc=False, needs_layout_passes=False),
    )
    return f(xt, table)


def kernel(x, table):
    xt = x.T.astype(jnp.int32)
    x5 = _embed(xt, table)
    out = jnp.transpose(x5, (2, 4, 0, 1, 3)).reshape(NROWS, SEQ, EMBED_DIM)
    return out

# --- scband reference (transcript-rebuilt; emitter-appended) ---
"""Pipeline reference for scband-input-embedding-32882269618686 (READ-ONLY COPY).

The authoritative reference and input builder live on the scoring server;
editing this copy changes nothing except your own understanding.
"""

import jax, jax.numpy as jnp
import numpy as np

EMBED_DIM = 32
VOCAB_SIZE = 1000000

def setup_inputs(seed: int = 0) -> dict:
    key = jax.random.key(seed)
    k1, k2 = jax.random.split(key)
    x = jax.random.randint(k1, (16384, 50), 0, VOCAB_SIZE, dtype=jnp.int64)
    table = jax.random.normal(k2, (VOCAB_SIZE, EMBED_DIM), dtype=jnp.float32)
    return {"x": x, "table": table}

def reference(x, table):
    embedded_input = jnp.take(table, x, axis=0)
    scaled_embedded_input = embedded_input * jnp.sqrt(jnp.float32(EMBED_DIM))
    return scaled_embedded_input

if __name__ == "__main__":
    import jax
    _d = setup_inputs()
    print(jax.jit(kernel)(*tuple(_d.values())))

</pallas_src>

<mosaic_0001>
#map = affine_map<(d0, d1) -> (0, 0)>
#map1 = affine_map<(d0, d1) -> (0, 0, 0, 0, 0)>
module attributes {stable_mosaic.version = 14 : i64} {
  func.func @_embed_body(%arg0: i32, %arg1: i32, %arg2: memref<50x16384xi32, #tpu.memory_space<hbm>>, %arg3: memref<1000000x32xf32, #tpu.memory_space<hbm>>, %arg4: memref<50x4x128x8x128xf32, #tpu.memory_space<hbm>>, %arg5: memref<200x128xi32, #tpu.memory_space<vmem>>, %arg6: memref<4x128x32xf32, #tpu.memory_space<vmem>>, %arg7: memref<4x4x8x129xf32, #tpu.memory_space<vmem>>, %arg8: memref<!tpu.dma_semaphore, #tpu.memory_space<semaphore_mem>>, %arg9: memref<!tpu.dma_semaphore, #tpu.memory_space<semaphore_mem>>, %arg10: memref<!tpu.dma_semaphore, #tpu.memory_space<semaphore_mem>>, %arg11: memref<!tpu.dma_semaphore, #tpu.memory_space<semaphore_mem>>, %arg12: memref<!tpu.dma_semaphore, #tpu.memory_space<semaphore_mem>>, %arg13: memref<!tpu.dma_semaphore, #tpu.memory_space<semaphore_mem>>, %arg14: memref<!tpu.dma_semaphore, #tpu.memory_space<semaphore_mem>>, %arg15: memref<!tpu.dma_semaphore, #tpu.memory_space<semaphore_mem>>) attributes {dimension_semantics = [#tpu.dimension_semantics<core_parallel>, #tpu.dimension_semantics<subcore_parallel>], iteration_bounds = array<i64: 2, 16>, scalar_prefetch = 0 : i64, scratch_operands = 11 : i64, tpu.core_type = #tpu.core_type<sc_vector_subcore>, window_params = [{transform_indices = #map}, {transform_indices = #map}, {transform_indices = #map1}]} {
    %mul3A = arith.constant 2 : i32
    %mul3A_0 = arith.muli %arg1, %mul3A : i32
    %add3A = arith.addi %mul3A_0, %arg0 : i32
    %mul3A_1 = arith.constant 512 : i32
    %mul3A_2 = arith.muli %add3A, %mul3A_1 : i32
    %add3A_3 = arith.constant 0 : i32
    %add3A_4 = arith.addi %mul3A_2, %add3A_3 : i32
    "tpu.region"() ({
      %run_scoped3A = tpu.sem_alloc : memref<!tpu.dma_semaphore, #tpu.memory_space<semaphore_mem>>
      %dma_start3A_165 = arith.constant 0 : i32
      %dma_start3A_166 = arith.constant 0 : i32
      %dma_start3A_167 = tpu.memref_slice %arg5[%dma_start3A_165, %dma_start3A_166] : memref<200x128xi32, #tpu.memory_space<vmem>> -> memref<50x128xi32, #tpu.memory_space<vmem>>
      %dma_start3A_168 = arith.constant 0 : i32
      %dma_start3A_169 = tpu.memref_slice %arg2[%dma_start3A_168, %add3A_4] : memref<50x16384xi32, #tpu.memory_space<hbm>> -> memref<50x128xi32, #tpu.memory_space<hbm>>
      %dma_start3A_170 = arith.constant 0 : i32
      %dma_start3A_171 = arith.constant 0 : i32
      %dma_start3A_172 = tpu.memref_slice %arg5[%dma_start3A_170, %dma_start3A_171] : memref<200x128xi32, #tpu.memory_space<vmem>> -> memref<50x128xi32, #tpu.memory_space<vmem>>
      %dma_start3A_173 = arith.constant 0 : i32
      %dma_start3A_174 = tpu.memref_slice %arg2[%dma_start3A_173, %add3A_4] : memref<50x16384xi32, #tpu.memory_space<hbm>> -> memref<50x128xi32, #tpu.memory_space<hbm>>
      tpu.enqueue_dma source(%dma_start3A_174 : memref<50x128xi32, #tpu.memory_space<hbm>>) target(%dma_start3A_172 : memref<50x128xi32, #tpu.memory_space<vmem>>) target_semaphore(%run_scoped3A : memref<!tpu.dma_semaphore, #tpu.memory_space<semaphore_mem>>)
      %dma_wait3A_175 = arith.constant 0 : i32
      %dma_wait3A_176 = arith.constant 0 : i32
      %dma_wait3A_177 = tpu.memref_slice %arg5[%dma_wait3A_175, %dma_wait3A_176] : memref<200x128xi32, #tpu.memory_space<vmem>> -> memref<50x128xi32, #tpu.memory_space<vmem>>
      %dma_wait3A_178 = arith.constant 0 : i32
      %dma_wait3A_179 = tpu.memref_slice %arg2[%dma_wait3A_178, %add3A_4] : memref<50x16384xi32, #tpu.memory_space<hbm>> -> memref<50x128xi32, #tpu.memory_space<hbm>>
      %dma_wait3A_180 = arith.constant 0 : i32
      %dma_wait3A_181 = arith.constant 0 : i32
      %dma_wait3A_182 = tpu.memref_slice %arg5[%dma_wait3A_180, %dma_wait3A_181] : memref<200x128xi32, #tpu.memory_space<vmem>> -> memref<50x128xi32, #tpu.memory_space<vmem>>
      %dma_wait3A_183 = arith.constant 0 : i32
      %dma_wait3A_184 = tpu.memref_slice %arg2[%dma_wait3A_183, %add3A_4] : memref<50x16384xi32, #tpu.memory_space<hbm>> -> memref<50x128xi32, #tpu.memory_space<hbm>>
      tpu.wait_dma2 semaphore(%run_scoped3A : memref<!tpu.dma_semaphore, #tpu.memory_space<semaphore_mem>>) src(%dma_wait3A_184 : memref<50x128xi32, #tpu.memory_space<hbm>>) dst(%dma_wait3A_182 : memref<50x128xi32, #tpu.memory_space<vmem>>)
      tpu.yield
    }) : () -> ()
    %add3A_5 = arith.constant 128 : i32
    %add3A_6 = arith.addi %mul3A_2, %add3A_5 : i32
    "tpu.region"() ({
      %run_scoped3A = tpu.sem_alloc : memref<!tpu.dma_semaphore, #tpu.memory_space<semaphore_mem>>
      %dma_start3A_165 = arith.constant 50 : i32
      %dma_start3A_166 = arith.constant 0 : i32
      %dma_start3A_167 = tpu.memref_slice %arg5[%dma_start3A_165, %dma_start3A_166] : memref<200x128xi32, #tpu.memory_space<vmem>> -> memref<50x128xi32, #tpu.memory_space<vmem>>
      %dma_start3A_168 = arith.constant 0 : i32
      %dma_start3A_169 = tpu.memref_slice %arg2[%dma_start3A_168, %add3A_6] : memref<50x16384xi32, #tpu.memory_space<hbm>> -> memref<50x128xi32, #tpu.memory_space<hbm>>
      %dma_start3A_170 = arith.constant 50 : i32
      %dma_start3A_171 = arith.constant 0 : i32
      %dma_start3A_172 = tpu.memref_slice %arg5[%dma_start3A_170, %dma_start3A_171] : memref<200x128xi32, #tpu.memory_space<vmem>> -> memref<50x128xi32, #tpu.memory_space<vmem>>
      %dma_start3A_173 = arith.constant 0 : i32
      %dma_start3A_174 = tpu.memref_slice %arg2[%dma_start3A_173, %add3A_6] : memref<50x16384xi32, #tpu.memory_space<hbm>> -> memref<50x128xi32, #tpu.memory_space<hbm>>
      tpu.enqueue_dma source(%dma_start3A_174 : memref<50x128xi32, #tpu.memory_space<hbm>>) target(%dma_start3A_172 : memref<50x128xi32, #tpu.memory_space<vmem>>) target_semaphore(%run_scoped3A : memref<!tpu.dma_semaphore, #tpu.memory_space<semaphore_mem>>)
      %dma_wait3A_175 = arith.constant 50 : i32
      %dma_wait3A_176 = arith.constant 0 : i32
      %dma_wait3A_177 = tpu.memref_slice %arg5[%dma_wait3A_175, %dma_wait3A_176] : memref<200x128xi32, #tpu.memory_space<vmem>> -> memref<50x128xi32, #tpu.memory_space<vmem>>
      %dma_wait3A_178 = arith.constant 0 : i32
      %dma_wait3A_179 = tpu.memref_slice %arg2[%dma_wait3A_178, %add3A_6] : memref<50x16384xi32, #tpu.memory_space<hbm>> -> memref<50x128xi32, #tpu.memory_space<hbm>>
      %dma_wait3A_180 = arith.constant 50 : i32
      %dma_wait3A_181 = arith.constant 0 : i32
      %dma_wait3A_182 = tpu.memref_slice %arg5[%dma_wait3A_180, %dma_wait3A_181] : memref<200x128xi32, #tpu.memory_space<vmem>> -> memref<50x128xi32, #tpu.memory_space<vmem>>
      %dma_wait3A_183 = arith.constant 0 : i32
      %dma_wait3A_184 = tpu.memref_slice %arg2[%dma_wait3A_183, %add3A_6] : memref<50x16384xi32, #tpu.memory_space<hbm>> -> memref<50x128xi32, #tpu.memory_space<hbm>>
      tpu.wait_dma2 semaphore(%run_scoped3A : memref<!tpu.dma_semaphore, #tpu.memory_space<semaphore_mem>>) src(%dma_wait3A_184 : memref<50x128xi32, #tpu.memory_space<hbm>>) dst(%dma_wait3A_182 : memref<50x128xi32, #tpu.memory_space<vmem>>)
      tpu.yield
    }) : () -> ()
    %add3A_7 = arith.constant 256 : i32
    %add3A_8 = arith.addi %mul3A_2, %add3A_7 : i32
    "tpu.region"() ({
      %run_scoped3A = tpu.sem_alloc : memref<!tpu.dma_semaphore, #tpu.memory_space<semaphore_mem>>
      %dma_start3A_165 = arith.constant 100 : i32
      %dma_start3A_166 = arith.constant 0 : i32
      %dma_start3A_167 = tpu.memref_slice %arg5[%dma_start3A_165, %dma_start3A_166] : memref<200x128xi32, #tpu.memory_space<vmem>> -> memref<50x128xi32, #tpu.memory_space<vmem>>
      %dma_start3A_168 = arith.constant 0 : i32
      %dma_start3A_169 = tpu.memref_slice %arg2[%dma_start3A_168, %add3A_8] : memref<50x16384xi32, #tpu.memory_space<hbm>> -> memref<50x128xi32, #tpu.memory_space<hbm>>
      %dma_start3A_170 = arith.constant 100 : i32
      %dma_start3A_171 = arith.constant 0 : i32
      %dma_start3A_172 = tpu.memref_slice %arg5[%dma_start3A_170, %dma_start3A_171] : memref<200x128xi32, #tpu.memory_space<vmem>> -> memref<50x128xi32, #tpu.memory_space<vmem>>
      %dma_start3A_173 = arith.constant 0 : i32
      %dma_start3A_174 = tpu.memref_slice %arg2[%dma_start3A_173, %add3A_8] : memref<50x16384xi32, #tpu.memory_space<hbm>> -> memref<50x128xi32, #tpu.memory_space<hbm>>
      tpu.enqueue_dma source(%dma_start3A_174 : memref<50x128xi32, #tpu.memory_space<hbm>>) target(%dma_start3A_172 : memref<50x128xi32, #tpu.memory_space<vmem>>) target_semaphore(%run_scoped3A : memref<!tpu.dma_semaphore, #tpu.memory_space<semaphore_mem>>)
      %dma_wait3A_175 = arith.constant 100 : i32
      %dma_wait3A_176 = arith.constant 0 : i32
      %dma_wait3A_177 = tpu.memref_slice %arg5[%dma_wait3A_175, %dma_wait3A_176] : memref<200x128xi32, #tpu.memory_space<vmem>> -> memref<50x128xi32, #tpu.memory_space<vmem>>
      %dma_wait3A_178 = arith.constant 0 : i32
      %dma_wait3A_179 = tpu.memref_slice %arg2[%dma_wait3A_178, %add3A_8] : memref<50x16384xi32, #tpu.memory_space<hbm>> -> memref<50x128xi32, #tpu.memory_space<hbm>>
      %dma_wait3A_180 = arith.constant 100 : i32
      %dma_wait3A_181 = arith.constant 0 : i32
      %dma_wait3A_182 = tpu.memref_slice %arg5[%dma_wait3A_180, %dma_wait3A_181] : memref<200x128xi32, #tpu.memory_space<vmem>> -> memref<50x128xi32, #tpu.memory_space<vmem>>
      %dma_wait3A_183 = arith.constant 0 : i32
      %dma_wait3A_184 = tpu.memref_slice %arg2[%dma_wait3A_183, %add3A_8] : memref<50x16384xi32, #tpu.memory_space<hbm>> -> memref<50x128xi32, #tpu.memory_space<hbm>>
      tpu.wait_dma2 semaphore(%run_scoped3A : memref<!tpu.dma_semaphore, #tpu.memory_space<semaphore_mem>>) src(%dma_wait3A_184 : memref<50x128xi32, #tpu.memory_space<hbm>>) dst(%dma_wait3A_182 : memref<50x128xi32, #tpu.memory_space<vmem>>)
      tpu.yield
    }) : () -> ()
    %add3A_9 = arith.constant 384 : i32
    %add3A_10 = arith.addi %mul3A_2, %add3A_9 : i32
    "tpu.region"() ({
      %run_scoped3A = tpu.sem_alloc : memref<!tpu.dma_semaphore, #tpu.memory_space<semaphore_mem>>
      %dma_start3A_165 = arith.constant 150 : i32
      %dma_start3A_166 = arith.constant 0 : i32
      %dma_start3A_167 = tpu.memref_slice %arg5[%dma_start3A_165, %dma_start3A_166] : memref<200x128xi32, #tpu.memory_space<vmem>> -> memref<50x128xi32, #tpu.memory_space<vmem>>
      %dma_start3A_168 = arith.constant 0 : i32
      %dma_start3A_169 = tpu.memref_slice %arg2[%dma_start3A_168, %add3A_10] : memref<50x16384xi32, #tpu.memory_space<hbm>> -> memref<50x128xi32, #tpu.memory_space<hbm>>
      %dma_start3A_170 = arith.constant 150 : i32
      %dma_start3A_171 = arith.constant 0 : i32
      %dma_start3A_172 = tpu.memref_slice %arg5[%dma_start3A_170, %dma_start3A_171] : memref<200x128xi32, #tpu.memory_space<vmem>> -> memref<50x128xi32, #tpu.memory_space<vmem>>
      %dma_start3A_173 = arith.constant 0 : i32
      %dma_start3A_174 = tpu.memref_slice %arg2[%dma_start3A_173, %add3A_10] : memref<50x16384xi32, #tpu.memory_space<hbm>> -> memref<50x128xi32, #tpu.memory_space<hbm>>
      tpu.enqueue_dma source(%dma_start3A_174 : memref<50x128xi32, #tpu.memory_space<hbm>>) target(%dma_start3A_172 : memref<50x128xi32, #tpu.memory_space<vmem>>) target_semaphore(%run_scoped3A : memref<!tpu.dma_semaphore, #tpu.memory_space<semaphore_mem>>)
      %dma_wait3A_175 = arith.constant 150 : i32
      %dma_wait3A_176 = arith.constant 0 : i32
      %dma_wait3A_177 = tpu.memref_slice %arg5[%dma_wait3A_175, %dma_wait3A_176] : memref<200x128xi32, #tpu.memory_space<vmem>> -> memref<50x128xi32, #tpu.memory_space<vmem>>
      %dma_wait3A_178 = arith.constant 0 : i32
      %dma_wait3A_179 = tpu.memref_slice %arg2[%dma_wait3A_178, %add3A_10] : memref<50x16384xi32, #tpu.memory_space<hbm>> -> memref<50x128xi32, #tpu.memory_space<hbm>>
      %dma_wait3A_180 = arith.constant 150 : i32
      %dma_wait3A_181 = arith.constant 0 : i32
      %dma_wait3A_182 = tpu.memref_slice %arg5[%dma_wait3A_180, %dma_wait3A_181] : memref<200x128xi32, #tpu.memory_space<vmem>> -> memref<50x128xi32, #tpu.memory_space<vmem>>
      %dma_wait3A_183 = arith.constant 0 : i32
      %dma_wait3A_184 = tpu.memref_slice %arg2[%dma_wait3A_183, %add3A_10] : memref<50x16384xi32, #tpu.memory_space<hbm>> -> memref<50x128xi32, #tpu.memory_space<hbm>>
      tpu.wait_dma2 semaphore(%run_scoped3A : memref<!tpu.dma_semaphore, #tpu.memory_space<semaphore_mem>>) src(%dma_wait3A_184 : memref<50x128xi32, #tpu.memory_space<hbm>>) dst(%dma_wait3A_182 : memref<50x128xi32, #tpu.memory_space<vmem>>)
      tpu.yield
    }) : () -> ()
    %dma_start3A = arith.constant 0 : i32
    %dma_start3A_11 = arith.constant 0 : i32
    %dma_start3A_12 = arith.constant 0 : i32
    %dma_start3A_13 = arith.constant 0 : i32
    %dma_start3A_14 = tpu.memref_slice %arg6[%dma_start3A_11, %dma_start3A_12, %dma_start3A_13] : memref<4x128x32xf32, #tpu.memory_space<vmem>> -> memref<1x128x32xf32, #tpu.memory_space<vmem>>
    %dma_start3A_15 = tpu.memref_squeeze %dma_start3A_14 : memref<1x128x32xf32, #tpu.memory_space<vmem>> -> memref<128x32xf32, #tpu.memory_space<vmem>>
    %dma_start3A_16 = arith.constant 0 : i32
    %dma_start3A_17 = tpu.memref_slice %arg5[%dma_start3A, %dma_start3A_16] : memref<200x128xi32, #tpu.memory_space<vmem>> -> memref<1x128xi32, #tpu.memory_space<vmem>>
    %dma_start3A_18 = tpu.memref_squeeze %dma_start3A_17 : memref<1x128xi32, #tpu.memory_space<vmem>> -> memref<128xi32, #tpu.memory_space<vmem>>
    %dma_start3A_19 = arith.constant 0 : i32
    %dma_start3A_20 = arith.constant 0 : i32
    %dma_start3A_21 = tpu.memref_slice %arg3[%dma_start3A_19, %dma_start3A_20] : memref<1000000x32xf32, #tpu.memory_space<hbm>> -> memref<1000000x32xf32, #tpu.memory_space<hbm>>
    tpu.enqueue_indirect_dma source(%dma_start3A_21 : memref<1000000x32xf32, #tpu.memory_space<hbm>>) target(%dma_start3A_15 : memref<128x32xf32, #tpu.memory_space<vmem>>) offsets(%dma_start3A_18 : memref<128xi32, #tpu.memory_space<vmem>>) semaphore(%arg8 : memref<!tpu.dma_semaphore, #tpu.memory_space<semaphore_mem>>)
    %dma_start3A_22 = arith.constant 1 : i32
    %dma_start3A_23 = arith.constant 1 : i32
    %dma_start3A_24 = arith.constant 0 : i32
    %dma_start3A_25 = arith.constant 0 : i32
    %dma_start3A_26 = tpu.memref_slice %arg6[%dma_start3A_23, %dma_start3A_24, %dma_start3A_25] : memref<4x128x32xf32, #tpu.memory_space<vmem>> -> memref<1x128x32xf32, #tpu.memory_space<vmem>>
    %dma_start3A_27 = tpu.memref_squeeze %dma_start3A_26 : memref<1x128x32xf32, #tpu.memory_space<vmem>> -> memref<128x32xf32, #tpu.memory_space<vmem>>
    %dma_start3A_28 = arith.constant 0 : i32
    %dma_start3A_29 = tpu.memref_slice %arg5[%dma_start3A_22, %dma_start3A_28] : memref<200x128xi32, #tpu.memory_space<vmem>> -> memref<1x128xi32, #tpu.memory_space<vmem>>
    %dma_start3A_30 = tpu.memref_squeeze %dma_start3A_29 : memref<1x128xi32, #tpu.memory_space<vmem>> -> memref<128xi32, #tpu.memory_space<vmem>>
    %dma_start3A_31 = arith.constant 0 : i32
    %dma_start3A_32 = arith.constant 0 : i32
    %dma_start3A_33 = tpu.memref_slice %arg3[%dma_start3A_31, %dma_start3A_32] : memref<1000000x32xf32, #tpu.memory_space<hbm>> -> memref<1000000x32xf32, #tpu.memory_space<hbm>>
    tpu.enqueue_indirect_dma source(%dma_start3A_33 : memref<1000000x32xf32, #tpu.memory_space<hbm>>) target(%dma_start3A_27 : memref<128x32xf32, #tpu.memory_space<vmem>>) offsets(%dma_start3A_30 : memref<128xi32, #tpu.memory_space<vmem>>) semaphore(%arg9 : memref<!tpu.dma_semaphore, #tpu.memory_space<semaphore_mem>>)
    %dma_start3A_34 = arith.constant 2 : i32
    %dma_start3A_35 = arith.constant 2 : i32
    %dma_start3A_36 = arith.constant 0 : i32
    %dma_start3A_37 = arith.constant 0 : i32
    %dma_start3A_38 = tpu.memref_slice %arg6[%dma_start3A_35, %dma_start3A_36, %dma_start3A_37] : memref<4x128x32xf32, #tpu.memory_space<vmem>> -> memref<1x128x32xf32, #tpu.memory_space<vmem>>
    %dma_start3A_39 = tpu.memref_squeeze %dma_start3A_38 : memref<1x128x32xf32, #tpu.memory_space<vmem>> -> memref<128x32xf32, #tpu.memory_space<vmem>>
    %dma_start3A_40 = arith.constant 0 : i32
    %dma_start3A_41 = tpu.memref_slice %arg5[%dma_start3A_34, %dma_start3A_40] : memref<200x128xi32, #tpu.memory_space<vmem>> -> memref<1x128xi32, #tpu.memory_space<vmem>>
    %dma_start3A_42 = tpu.memref_squeeze %dma_start3A_41 : memref<1x128xi32, #tpu.memory_space<vmem>> -> memref<128xi32, #tpu.memory_space<vmem>>
    %dma_start3A_43 = arith.constant 0 : i32
    %dma_start3A_44 = arith.constant 0 : i32
    %dma_start3A_45 = tpu.memref_slice %arg3[%dma_start3A_43, %dma_start3A_44] : memref<1000000x32xf32, #tpu.memory_space<hbm>> -> memref<1000000x32xf32, #tpu.memory_space<hbm>>
    tpu.enqueue_indirect_dma source(%dma_start3A_45 : memref<1000000x32xf32, #tpu.memory_space<hbm>>) target(%dma_start3A_39 : memref<128x32xf32, #tpu.memory_space<vmem>>) offsets(%dma_start3A_42 : memref<128xi32, #tpu.memory_space<vmem>>) semaphore(%arg10 : memref<!tpu.dma_semaphore, #tpu.memory_space<semaphore_mem>>)
    %dma_start3A_46 = arith.constant 3 : i32
    %dma_start3A_47 = arith.constant 3 : i32
    %dma_start3A_48 = arith.constant 0 : i32
    %dma_start3A_49 = arith.constant 0 : i32
    %dma_start3A_50 = tpu.memref_slice %arg6[%dma_start3A_47, %dma_start3A_48, %dma_start3A_49] : memref<4x128x32xf32, #tpu.memory_space<vmem>> -> memref<1x128x32xf32, #tpu.memory_space<vmem>>
    %dma_start3A_51 = tpu.memref_squeeze %dma_start3A_50 : memref<1x128x32xf32, #tpu.memory_space<vmem>> -> memref<128x32xf32, #tpu.memory_space<vmem>>
    %dma_start3A_52 = arith.constant 0 : i32
    %dma_start3A_53 = tpu.memref_slice %arg5[%dma_start3A_46, %dma_start3A_52] : memref<200x128xi32, #tpu.memory_space<vmem>> -> memref<1x128xi32, #tpu.memory_space<vmem>>
    %dma_start3A_54 = tpu.memref_squeeze %dma_start3A_53 : memref<1x128xi32, #tpu.memory_space<vmem>> -> memref<128xi32, #tpu.memory_space<vmem>>
    %dma_start3A_55 = arith.constant 0 : i32
    %dma_start3A_56 = arith.constant 0 : i32
    %dma_start3A_57 = tpu.memref_slice %arg3[%dma_start3A_55, %dma_start3A_56] : memref<1000000x32xf32, #tpu.memory_space<hbm>> -> memref<1000000x32xf32, #tpu.memory_space<hbm>>
    tpu.enqueue_indirect_dma source(%dma_start3A_57 : memref<1000000x32xf32, #tpu.memory_space<hbm>>) target(%dma_start3A_51 : memref<128x32xf32, #tpu.memory_space<vmem>>) offsets(%dma_start3A_54 : memref<128xi32, #tpu.memory_space<vmem>>) semaphore(%arg11 : memref<!tpu.dma_semaphore, #tpu.memory_space<semaphore_mem>>)
    %scan3A = arith.constant 0 : i32
    %scan3A_58 = arith.constant 50 : i32
    %scan3A_59 = arith.addi %scan3A, %scan3A_58 : i32
    %scan3A_60 = arith.constant 1 : i32
    scf.for %scan3A_165 = %scan3A to %scan3A_59 step %scan3A_60  : i32 {
      %mul3A_166 = arith.constant 4 : i32
      %mul3A_167 = arith.muli %scan3A_165, %mul3A_166 : i32
      %add3A_168 = arith.constant 0 : i32
      %add3A_169 = arith.addi %add3A_168, %mul3A_167 : i32
      %add3A_170 = arith.constant 0 : i32
      %add3A_171 = arith.addi %add3A_169, %add3A_170 : i32
      %dma_wait3A_172 = arith.constant 0 : i32
      %dma_wait3A_173 = arith.constant 0 : i32
      %dma_wait3A_174 = arith.constant 0 : i32
      %dma_wait3A_175 = tpu.memref_slice %arg6[%dma_wait3A_172, %dma_wait3A_173, %dma_wait3A_174] : memref<4x128x32xf32, #tpu.memory_space<vmem>> -> memref<1x128x32xf32, #tpu.memory_space<vmem>>
      %dma_wait3A_176 = tpu.memref_squeeze %dma_wait3A_175 : memref<1x128x32xf32, #tpu.memory_space<vmem>> -> memref<128x32xf32, #tpu.memory_space<vmem>>
      %dma_wait3A_177 = arith.constant 0 : i32
      %dma_wait3A_178 = tpu.memref_slice %arg5[%add3A_171, %dma_wait3A_177] : memref<200x128xi32, #tpu.memory_space<vmem>> -> memref<1x128xi32, #tpu.memory_space<vmem>>
      %dma_wait3A_179 = tpu.memref_squeeze %dma_wait3A_178 : memref<1x128xi32, #tpu.memory_space<vmem>> -> memref<128xi32, #tpu.memory_space<vmem>>
      %dma_wait3A_180 = arith.constant 0 : i32
      %dma_wait3A_181 = arith.constant 0 : i32
      %dma_wait3A_182 = tpu.memref_slice %arg3[%dma_wait3A_180, %dma_wait3A_181] : memref<1000000x32xf32, #tpu.memory_space<hbm>> -> memref<1000000x32xf32, #tpu.memory_space<hbm>>
      tpu.wait_indirect_dma semaphore(%arg8 : memref<!tpu.dma_semaphore, #tpu.memory_space<semaphore_mem>>) src(%dma_wait3A_182 : memref<1000000x32xf32, #tpu.memory_space<hbm>>) dst(%dma_wait3A_176 : memref<128x32xf32, #tpu.memory_space<vmem>>)
      %ge3A = arith.constant 4 : i32
      %ge3A_183 = arith.cmpi sge, %add3A_171, %ge3A : i32
      %convert_element_type3A = arith.extui %ge3A_183 : i1 to i32
      %cond3A = arith.constant 0 : i32
      %cond3A_184 = arith.cmpi ne, %convert_element_type3A, %cond3A : i32
      scf.if %cond3A_184 {
        %sub3A_548 = arith.constant 4 : i32
        %sub3A_549 = arith.subi %add3A_171, %sub3A_548 : i32
        %jit3A_550 = arith.constant 50 : i32
        %div3A_551 = arith.divsi %sub3A_549, %jit3A_550 : i32
        %sign3A_552 = arith.constant 0 : i32
        %sign3A_553 = arith.cmpi sgt, %sub3A_549, %sign3A_552 : i32
        %sign3A_554 = arith.extui %sign3A_553 : i1 to i32
        %sign3A_555 = arith.constant 0 : i32
        %sign3A_556 = arith.cmpi slt, %sub3A_549, %sign3A_555 : i32
        %sign3A_557 = arith.extui %sign3A_556 : i1 to i32
        %sign3A_558 = arith.subi %sign3A_554, %sign3A_557 : i32
        %sign3A_559 = arith.constant 0 : i32
        %sign3A_560 = arith.cmpi sgt, %jit3A_550, %sign3A_559 : i32
        %sign3A_561 = arith.extui %sign3A_560 : i1 to i32
        %sign3A_562 = arith.constant 0 : i32
        %sign3A_563 = arith.cmpi slt, %jit3A_550, %sign3A_562 : i32
        %sign3A_564 = arith.extui %sign3A_563 : i1 to i32
        %sign3A_565 = arith.subi %sign3A_561, %sign3A_564 : i32
        %ne3A_566 = arith.cmpi ne, %sign3A_558, %sign3A_565 : i32
        %rem3A_567 = arith.remsi %sub3A_549, %jit3A_550 : i32
        %ne3A_568 = arith.constant 0 : i32
        %ne3A_569 = arith.cmpi ne, %rem3A_567, %ne3A_568 : i32
        %and3A_570 = arith.andi %ne3A_566, %ne3A_569 : i1
        %sub3A_571 = arith.constant 1 : i32
        %sub3A_572 = arith.subi %div3A_551, %sub3A_571 : i32
        %select_n3A_573 = arith.select %and3A_570, %sub3A_572, %div3A_551 : i32
        %mul3A_574 = arith.constant 50 : i32
        %mul3A_575 = arith.muli %select_n3A_573, %mul3A_574 : i32
        %sub3A_576 = arith.subi %sub3A_549, %mul3A_575 : i32
        %mul3A_577 = arith.constant 4 : i32
        %mul3A_578 = arith.muli %add3A, %mul3A_577 : i32
        %add3A_579 = arith.addi %mul3A_578, %select_n3A_573 : i32
        %dma_wait3A_580 = arith.constant 0 : i32
        %dma_wait3A_581 = arith.constant 0 : i32
        %dma_wait3A_582 = arith.constant 0 : i32
        %dma_wait3A_583 = arith.constant 0 : i32
        %dma_wait3A_584 = tpu.memref_slice %arg7[%dma_wait3A_580, %dma_wait3A_581, %dma_wait3A_582, %dma_wait3A_583] : memref<4x4x8x129xf32, #tpu.memory_space<vmem>> -> memref<1x4x8x128xf32, #tpu.memory_space<vmem>>
        %dma_wait3A_585 = tpu.memref_squeeze %dma_wait3A_584 : memref<1x4x8x128xf32, #tpu.memory_space<vmem>> -> memref<4x8x128xf32, #tpu.memory_space<vmem>>
        %dma_wait3A_586 = arith.constant 0 : i32
        %dma_wait3A_587 = arith.constant 0 : i32
        %dma_wait3A_588 = arith.constant 0 : i32
        %dma_wait3A_589 = tpu.memref_slice %arg4[%sub3A_576, %dma_wait3A_586, %add3A_579, %dma_wait3A_587, %dma_wait3A_588] : memref<50x4x128x8x128xf32, #tpu.memory_space<hbm>> -> memref<1x4x1x8x128xf32, #tpu.memory_space<hbm>>
        %dma_wait3A_590 = tpu.memref_squeeze %dma_wait3A_589 : memref<1x4x1x8x128xf32, #tpu.memory_space<hbm>> -> memref<4x8x128xf32, #tpu.memory_space<hbm>>
        %dma_wait3A_591 = arith.constant 0 : i32
        %dma_wait3A_592 = arith.constant 0 : i32
        %dma_wait3A_593 = arith.constant 0 : i32
        %dma_wait3A_594 = tpu.memref_slice %arg4[%sub3A_576, %dma_wait3A_591, %add3A_579, %dma_wait3A_592, %dma_wait3A_593] : memref<50x4x128x8x128xf32, #tpu.memory_space<hbm>> -> memref<1x4x1x8x128xf32, #tpu.memory_space<hbm>>
        %dma_wait3A_595 = tpu.memref_squeeze %dma_wait3A_594 : memref<1x4x1x8x128xf32, #tpu.memory_space<hbm>> -> memref<4x8x128xf32, #tpu.memory_space<hbm>>
        %dma_wait3A_596 = arith.constant 0 : i32
        %dma_wait3A_597 = arith.constant 0 : i32
        %dma_wait3A_598 = arith.constant 0 : i32
        %dma_wait3A_599 = tpu.memref_slice %arg7[%dma_wait3A_580, %dma_wait3A_596, %dma_wait3A_597, %dma_wait3A_598] : memref<4x4x8x129xf32, #tpu.memory_space<vmem>> -> memref<1x4x8x128xf32, #tpu.memory_space<vmem>>
        %dma_wait3A_600 = tpu.memref_squeeze %dma_wait3A_599 : memref<1x4x8x128xf32, #tpu.memory_space<vmem>> -> memref<4x8x128xf32, #tpu.memory_space<vmem>>
        tpu.wait_dma2 semaphore(%arg12 : memref<!tpu.dma_semaphore, #tpu.memory_space<semaphore_mem>>) src(%dma_wait3A_600 : memref<4x8x128xf32, #tpu.memory_space<vmem>>) dst(%dma_wait3A_595 : memref<4x8x128xf32, #tpu.memory_space<hbm>>)
      } else {
      }
      %iota3A = tpu.iota {dimensions = array<i32: 0>} : vector<16xi32>
      %add3A_185 = arith.constant 16 : i32
      %add3A_186 = vector.broadcast %add3A_185 : i32 to vector<16xi32>
      %add3A_187 = arith.addi %iota3A, %add3A_186 : vector<16xi32>
      %shift_right_arithmetic3A = arith.constant 3 : i32
      %shift_right_arithmetic3A_188 = vector.broadcast %shift_right_arithmetic3A : i32 to vector<16xi32>
      %shift_right_arithmetic3A_189 = arith.shrsi %iota3A, %shift_right_arithmetic3A_188 : vector<16xi32>
      %shift_right_arithmetic3A_190 = arith.constant 3 : i32
      %shift_right_arithmetic3A_191 = vector.broadcast %shift_right_arithmetic3A_190 : i32 to vector<16xi32>
      %shift_right_arithmetic3A_192 = arith.shrsi %add3A_187, %shift_right_arithmetic3A_191 : vector<16xi32>
      %and3A = arith.constant 7 : i32
      %and3A_193 = vector.broadcast %and3A : i32 to vector<16xi32>
      %and3A_194 = arith.andi %iota3A, %and3A_193 : vector<16xi32>
      %and3A_195 = arith.constant 7 : i32
      %and3A_196 = vector.broadcast %and3A_195 : i32 to vector<16xi32>
      %and3A_197 = arith.andi %add3A_187, %and3A_196 : vector<16xi32>
      %scan3A_198 = arith.constant 0 : i32
      %scan3A_199 = arith.constant 0 : i32
      %scan3A_200 = arith.constant 128 : i32
      %scan3A_201 = arith.addi %scan3A_199, %scan3A_200 : i32
      %scan3A_202 = arith.constant 8 : i32
      scf.for %scan3A_548 = %scan3A_199 to %scan3A_201 step %scan3A_202  : i32 {
        %broadcast_in_dim3A = vector.broadcast %scan3A_548 : i32 to vector<16xi32>
        %get3A = arith.constant 0 : i32
        %get3A_549 = arith.index_cast %get3A : i32 to index
        %get3A_550 = arith.index_cast %scan3A_548 : i32 to index
        %get3A_551 = arith.constant 0 : index
        %get3A_552 = tpu.vector_load %arg6[%get3A_549, %get3A_550, %get3A_551] {strides = array<i32>} : memref<4x128x32xf32, #tpu.memory_space<vmem>>, vector<16xf32>,
        %mul3A_553 = arith.constant 5.65685415 : f32
        %mul3A_554 = vector.broadcast %mul3A_553 : f32 to vector<16xf32>
        %mul3A_555 = arith.mulf %get3A_552, %mul3A_554 : vector<16xf32>
        %scatter3A = arith.constant 0 : i32
        %scatter3A_556 = arith.constant 0 : i32
        %scatter3A_557 = arith.constant 0 : i32
        %scatter3A_558 = arith.constant 0 : i32
        %scatter3A_559 = tpu.memref_slice %arg7[%scatter3A, %scatter3A_556, %scatter3A_557, %scatter3A_558] : memref<4x4x8x129xf32, #tpu.memory_space<vmem>> -> memref<1x4x8x129xf32, #tpu.memory_space<vmem>>
        %scatter3A_560 = tpu.memref_squeeze %scatter3A_559 : memref<1x4x8x129xf32, #tpu.memory_space<vmem>> -> memref<4x8x129xf32, #tpu.memory_space<vmem>>
        tpu.vector_store_idx %scatter3A_560[%shift_right_arithmetic3A_189, %and3A_194, %broadcast_in_dim3A], %mul3A_555 : memref<4x8x129xf32, #tpu.memory_space<vmem>>[vector<16xi32>, vector<16xi32>, vector<16xi32>], vector<16xf32>,
        %get3A_561 = arith.constant 0 : i32
        %get3A_562 = arith.index_cast %get3A_561 : i32 to index
        %get3A_563 = arith.index_cast %scan3A_548 : i32 to index
        %get3A_564 = arith.constant 16 : index
        %get3A_565 = tpu.vector_load %arg6[%get3A_562, %get3A_563, %get3A_564] {strides = array<i32>} : memref<4x128x32xf32, #tpu.memory_space<vmem>>, vector<16xf32>,
        %mul3A_566 = arith.constant 5.65685415 : f32
        %mul3A_567 = vector.broadcast %mul3A_566 : f32 to vector<16xf32>
        %mul3A_568 = arith.mulf %get3A_565, %mul3A_567 : vector<16xf32>
        %scatter3A_569 = arith.constant 0 : i32
        %scatter3A_570 = arith.constant 0 : i32
        %scatter3A_571 = arith.constant 0 : i32
        %scatter3A_572 = arith.constant 0 : i32
        %scatter3A_573 = tpu.memref_slice %arg7[%scatter3A_569, %scatter3A_570, %scatter3A_571, %scatter3A_572] : memref<4x4x8x129xf32, #tpu.memory_space<vmem>> -> memref<1x4x8x129xf32, #tpu.memory_space<vmem>>
        %scatter3A_574 = tpu.memref_squeeze %scatter3A_573 : memref<1x4x8x129xf32, #tpu.memory_space<vmem>> -> memref<4x8x129xf32, #tpu.memory_space<vmem>>
        tpu.vector_store_idx %scatter3A_574[%shift_right_arithmetic3A_192, %and3A_197, %broadcast_in_dim3A], %mul3A_568 : memref<4x8x129xf32, #tpu.memory_space<vmem>>[vector<16xi32>, vector<16xi32>, vector<16xi32>], vector<16xf32>,
        %scan3A_575 = arith.constant 1 : i32
        %scan3A_576 = arith.addi %scan3A_548, %scan3A_575 : i32
        %broadcast_in_dim3A_577 = vector.broadcast %scan3A_576 : i32 to vector<16xi32>
        %get3A_578 = arith.constant 0 : i32
        %get3A_579 = arith.index_cast %get3A_578 : i32 to index
        %get3A_580 = arith.index_cast %scan3A_576 : i32 to index
        %get3A_581 = arith.constant 0 : index
        %get3A_582 = tpu.vector_load %arg6[%get3A_579, %get3A_580, %get3A_581] {strides = array<i32>} : memref<4x128x32xf32, #tpu.memory_space<vmem>>, vector<16xf32>,
        %mul3A_583 = arith.constant 5.65685415 : f32
        %mul3A_584 = vector.broadcast %mul3A_583 : f32 to vector<16xf32>
        %mul3A_585 = arith.mulf %get3A_582, %mul3A_584 : vector<16xf32>
        %scatter3A_586 = arith.constant 0 : i32
        %scatter3A_587 = arith.constant 0 : i32
        %scatter3A_588 = arith.constant 0 : i32
        %scatter3A_589 = arith.constant 0 : i32
        %scatter3A_590 = tpu.memref_slice %arg7[%scatter3A_586, %scatter3A_587, %scatter3A_588, %scatter3A_589] : memref<4x4x8x129xf32, #tpu.memory_space<vmem>> -> memref<1x4x8x129xf32, #tpu.memory_space<vmem>>
        %scatter3A_591 = tpu.memref_squeeze %scatter3A_590 : memref<1x4x8x129xf32, #tpu.memory_space<vmem>> -> memref<4x8x129xf32, #tpu.memory_space<vmem>>
        tpu.vector_store_idx %scatter3A_591[%shift_right_arithmetic3A_189, %and3A_194, %broadcast_in_dim3A_577], %mul3A_585 : memref<4x8x129xf32, #tpu.memory_space<vmem>>[vector<16xi32>, vector<16xi32>, vector<16xi32>], vector<16xf32>,
        %get3A_592 = arith.constant 0 : i32
        %get3A_593 = arith.index_cast %get3A_592 : i32 to index
        %get3A_594 = arith.index_cast %scan3A_576 : i32 to index
        %get3A_595 = arith.constant 16 : index
        %get3A_596 = tpu.vector_load %arg6[%get3A_593, %get3A_594, %get3A_595] {strides = array<i32>} : memref<4x128x32xf32, #tpu.memory_space<vmem>>, vector<16xf32>,
        %mul3A_597 = arith.constant 5.65685415 : f32
        %mul3A_598 = vector.broadcast %mul3A_597 : f32 to vector<16xf32>
        %mul3A_599 = arith.mulf %get3A_596, %mul3A_598 : vector<16xf32>
        %scatter3A_600 = arith.constant 0 : i32
        %scatter3A_601 = arith.constant 0 : i32
        %scatter3A_602 = arith.constant 0 : i32
        %scatter3A_603 = arith.constant 0 : i32
        %scatter3A_604 = tpu.memref_slice %arg7[%scatter3A_600, %scatter3A_601, %scatter3A_602, %scatter3A_603] : memref<4x4x8x129xf32, #tpu.memory_space<vmem>> -> memref<1x4x8x129xf32, #tpu.memory_space<vmem>>
        %scatter3A_605 = tpu.memref_squeeze %scatter3A_604 : memref<1x4x8x129xf32, #tpu.memory_space<vmem>> -> memref<4x8x129xf32, #tpu.memory_space<vmem>>
        tpu.vector_store_idx %scatter3A_605[%shift_right_arithmetic3A_192, %and3A_197, %broadcast_in_dim3A_577], %mul3A_599 : memref<4x8x129xf32, #tpu.memory_space<vmem>>[vector<16xi32>, vector<16xi32>, vector<16xi32>], vector<16xf32>,
        %scan3A_606 = arith.constant 2 : i32
        %scan3A_607 = arith.addi %scan3A_548, %scan3A_606 : i32
        %broadcast_in_dim3A_608 = vector.broadcast %scan3A_607 : i32 to vector<16xi32>
        %get3A_609 = arith.constant 0 : i32
        %get3A_610 = arith.index_cast %get3A_609 : i32 to index
        %get3A_611 = arith.index_cast %scan3A_607 : i32 to index
        %get3A_612 = arith.constant 0 : index
        %get3A_613 = tpu.vector_load %arg6[%get3A_610, %get3A_611, %get3A_612] {strides = array<i32>} : memref<4x128x32xf32, #tpu.memory_space<vmem>>, vector<16xf32>,
        %mul3A_614 = arith.constant 5.65685415 : f32
        %mul3A_615 = vector.broadcast %mul3A_614 : f32 to vector<16xf32>
        %mul3A_616 = arith.mulf %get3A_613, %mul3A_615 : vector<16xf32>
        %scatter3A_617 = arith.constant 0 : i32
        %scatter3A_618 = arith.constant 0 : i32
        %scatter3A_619 = arith.constant 0 : i32
        %scatter3A_620 = arith.constant 0 : i32
        %scatter3A_621 = tpu.memref_slice %arg7[%scatter3A_617, %scatter3A_618, %scatter3A_619, %scatter3A_620] : memref<4x4x8x129xf32, #tpu.memory_space<vmem>> -> memref<1x4x8x129xf32, #tpu.memory_space<vmem>>
        %scatter3A_622 = tpu.memref_squeeze %scatter3A_621 : memref<1x4x8x129xf32, #tpu.memory_space<vmem>> -> memref<4x8x129xf32, #tpu.memory_space<vmem>>
        tpu.vector_store_idx %scatter3A_622[%shift_right_arithmetic3A_189, %and3A_194, %broadcast_in_dim3A_608], %mul3A_616 : memref<4x8x129xf32, #tpu.memory_space<vmem>>[vector<16xi32>, vector<16xi32>, vector<16xi32>], vector<16xf32>,
        %get3A_623 = arith.constant 0 : i32
        %get3A_624 = arith.index_cast %get3A_623 : i32 to index
        %get3A_625 = arith.index_cast %scan3A_607 : i32 to index
        %get3A_626 = arith.constant 16 : index
        %get3A_627 = tpu.vector_load %arg6[%get3A_624, %get3A_625, %get3A_626] {strides = array<i32>} : memref<4x128x32xf32, #tpu.memory_space<vmem>>, vector<16xf32>,
        %mul3A_628 = arith.constant 5.65685415 : f32
        %mul3A_629 = vector.broadcast %mul3A_628 : f32 to vector<16xf32>
        %mul3A_630 = arith.mulf %get3A_627, %mul3A_629 : vector<16xf32>
        %scatter3A_631 = arith.constant 0 : i32
        %scatter3A_632 = arith.constant 0 : i32
        %scatter3A_633 = arith.constant 0 : i32
        %scatter3A_634 = arith.constant 0 : i32
        %scatter3A_635 = tpu.memref_slice %arg7[%scatter3A_631, %scatter3A_632, %scatter3A_633, %scatter3A_634] : memref<4x4x8x129xf32, #tpu.memory_space<vmem>> -> memref<1x4x8x129xf32, #tpu.memory_space<vmem>>
        %scatter3A_636 = tpu.memref_squeeze %scatter3A_635 : memref<1x4x8x129xf32, #tpu.memory_space<vmem>> -> memref<4x8x129xf32, #tpu.memory_space<vmem>>
        tpu.vector_store_idx %scatter3A_636[%shift_right_arithmetic3A_192, %and3A_197, %broadcast_in_dim3A_608], %mul3A_630 : memref<4x8x129xf32, #tpu.memory_space<vmem>>[vector<16xi32>, vector<16xi32>, vector<16xi32>], vector<16xf32>,
        %scan3A_637 = arith.constant 3 : i32
        %scan3A_638 = arith.addi %scan3A_548, %scan3A_637 : i32
        %broadcast_in_dim3A_639 = vector.broadcast %scan3A_638 : i32 to vector<16xi32>
        %get3A_640 = arith.constant 0 : i32
        %get3A_641 = arith.index_cast %get3A_640 : i32 to index
        %get3A_642 = arith.index_cast %scan3A_638 : i32 to index
        %get3A_643 = arith.constant 0 : index
        %get3A_644 = tpu.vector_load %arg6[%get3A_641, %get3A_642, %get3A_643] {strides = array<i32>} : memref<4x128x32xf32, #tpu.memory_space<vmem>>, vector<16xf32>,
        %mul3A_645 = arith.constant 5.65685415 : f32
        %mul3A_646 = vector.broadcast %mul3A_645 : f32 to vector<16xf32>
        %mul3A_647 = arith.mulf %get3A_644, %mul3A_646 : vector<16xf32>
        %scatter3A_648 = arith.constant 0 : i32
        %scatter3A_649 = arith.constant 0 : i32
        %scatter3A_650 = arith.constant 0 : i32
        %scatter3A_651 = arith.constant 0 : i32
        %scatter3A_652 = tpu.memref_slice %arg7[%scatter3A_648, %scatter3A_649, %scatter3A_650, %scatter3A_651] : memref<4x4x8x129xf32, #tpu.memory_space<vmem>> -> memref<1x4x8x129xf32, #tpu.memory_space<vmem>>
        %scatter3A_653 = tpu.memref_squeeze %scatter3A_652 : memref<1x4x8x129xf32, #tpu.memory_space<vmem>> -> memref<4x8x129xf32, #tpu.memory_space<vmem>>
        tpu.vector_store_idx %scatter3A_653[%shift_right_arithmetic3A_189, %and3A_194, %broadcast_in_dim3A_639], %mul3A_647 : memref<4x8x129xf32, #tpu.memory_space<vmem>>[vector<16xi32>, vector<16xi32>, vector<16xi32>], vector<16xf32>,
        %get3A_654 = arith.constant 0 : i32
        %get3A_655 = arith.index_cast %get3A_654 : i32 to index
        %get3A_656 = arith.index_cast %scan3A_638 : i32 to index
        %get3A_657 = arith.constant 16 : index
        %get3A_658 = tpu.vector_load %arg6[%get3A_655, %get3A_656, %get3A_657] {strides = array<i32>} : memref<4x128x32xf32, #tpu.memory_space<vmem>>, vector<16xf32>,
        %mul3A_659 = arith.constant 5.65685415 : f32
        %mul3A_660 = vector.broadcast %mul3A_659 : f32 to vector<16xf32>
        %mul3A_661 = arith.mulf %get3A_658, %mul3A_660 : vector<16xf32>
        %scatter3A_662 = arith.constant 0 : i32
        %scatter3A_663 = arith.constant 0 : i32
        %scatter3A_664 = arith.constant 0 : i32
        %scatter3A_665 = arith.constant 0 : i32
        %scatter3A_666 = tpu.memref_slice %arg7[%scatter3A_662, %scatter3A_663, %scatter3A_664, %scatter3A_665] : memref<4x4x8x129xf32, #tpu.memory_space<vmem>> -> memref<1x4x8x129xf32, #tpu.memory_space<vmem>>
        %scatter3A_667 = tpu.memref_squeeze %scatter3A_666 : memref<1x4x8x129xf32, #tpu.memory_space<vmem>> -> memref<4x8x129xf32, #tpu.memory_space<vmem>>
        tpu.vector_store_idx %scatter3A_667[%shift_right_arithmetic3A_192, %and3A_197, %broadcast_in_dim3A_639], %mul3A_661 : memref<4x8x129xf32, #tpu.memory_space<vmem>>[vector<16xi32>, vector<16xi32>, vector<16xi32>], vector<16xf32>,
        %scan3A_668 = arith.constant 4 : i32
        %scan3A_669 = arith.addi %scan3A_548, %scan3A_668 : i32
        %broadcast_in_dim3A_670 = vector.broadcast %scan3A_669 : i32 to vector<16xi32>
        %get3A_671 = arith.constant 0 : i32
        %get3A_672 = arith.index_cast %get3A_671 : i32 to index
        %get3A_673 = arith.index_cast %scan3A_669 : i32 to index
        %get3A_674 = arith.constant 0 : index
        %get3A_675 = tpu.vector_load %arg6[%get3A_672, %get3A_673, %get3A_674] {strides = array<i32>} : memref<4x128x32xf32, #tpu.memory_space<vmem>>, vector<16xf32>,
        %mul3A_676 = arith.constant 5.65685415 : f32
        %mul3A_677 = vector.broadcast %mul3A_676 : f32 to vector<16xf32>
        %mul3A_678 = arith.mulf %get3A_675, %mul3A_677 : vector<16xf32>
        %scatter3A_679 = arith.constant 0 : i32
        %scatter3A_680 = arith.constant 0 : i32
        %scatter3A_681 = arith.constant 0 : i32
        %scatter3A_682 = arith.constant 0 : i32
        %scatter3A_683 = tpu.memref_slice %arg7[%scatter3A_679, %scatter3A_680, %scatter3A_681, %scatter3A_682] : memref<4x4x8x129xf32, #tpu.memory_space<vmem>> -> memref<1x4x8x129xf32, #tpu.memory_space<vmem>>
        %scatter3A_684 = tpu.memref_squeeze %scatter3A_683 : memref<1x4x8x129xf32, #tpu.memory_space<vmem>> -> memref<4x8x129xf32, #tpu.memory_space<vmem>>
        tpu.vector_store_idx %scatter3A_684[%shift_right_arithmetic3A_189, %and3A_194, %broadcast_in_dim3A_670], %mul3A_678 : memref<4x8x129xf32, #tpu.memory_space<vmem>>[vector<16xi32>, vector<16xi32>, vector<16xi32>], vector<16xf32>,
        %get3A_685 = arith.constant 0 : i32
        %get3A_686 = arith.index_cast %get3A_685 : i32 to index
        %get3A_687 = arith.index_cast %scan3A_669 : i32 to index
        %get3A_688 = arith.constant 16 : index
        %get3A_689 = tpu.vector_load %arg6[%get3A_686, %get3A_687, %get3A_688] {strides = array<i32>} : memref<4x128x32xf32, #tpu.memory_space<vmem>>, vector<16xf32>,
        %mul3A_690 = arith.constant 5.65685415 : f32
        %mul3A_691 = vector.broadcast %mul3A_690 : f32 to vector<16xf32>
        %mul3A_692 = arith.mulf %get3A_689, %mul3A_691 : vector<16xf32>
        %scatter3A_693 = arith.constant 0 : i32
        %scatter3A_694 = arith.constant 0 : i32
        %scatter3A_695 = arith.constant 0 : i32
        %scatter3A_696 = arith.constant 0 : i32
        %scatter3A_697 = tpu.memref_slice %arg7[%scatter3A_693, %scatter3A_694, %scatter3A_695, %scatter3A_696] : memref<4x4x8x129xf32, #tpu.memory_space<vmem>> -> memref<1x4x8x129xf32, #tpu.memory_space<vmem>>
        %scatter3A_698 = tpu.memref_squeeze %scatter3A_697 : memref<1x4x8x129xf32, #tpu.memory_space<vmem>> -> memref<4x8x129xf32, #tpu.memory_space<vmem>>
        tpu.vector_store_idx %scatter3A_698[%shift_right_arithmetic3A_192, %and3A_197, %broadcast_in_dim3A_670], %mul3A_692 : memref<4x8x129xf32, #tpu.memory_space<vmem>>[vector<16xi32>, vector<16xi32>, vector<16xi32>], vector<16xf32>,
        %scan3A_699 = arith.constant 5 : i32
        %scan3A_700 = arith.addi %scan3A_548, %scan3A_699 : i32
        %broadcast_in_dim3A_701 = vector.broadcast %scan3A_700 : i32 to vector<16xi32>
        %get3A_702 = arith.constant 0 : i32
        %get3A_703 = arith.index_cast %get3A_702 : i32 to index
        %get3A_704 = arith.index_cast %scan3A_700 : i32 to index
        %get3A_705 = arith.constant 0 : index
        %get3A_706 = tpu.vector_load %arg6[%get3A_703, %get3A_704, %get3A_705] {strides = array<i32>} : memref<4x128x32xf32, #tpu.memory_space<vmem>>, vector<16xf32>,
        %mul3A_707 = arith.constant 5.65685415 : f32
        %mul3A_708 = vector.broadcast %mul3A_707 : f32 to vector<16xf32>
        %mul3A_709 = arith.mulf %get3A_706, %mul3A_708 : vector<16xf32>
        %scatter3A_710 = arith.constant 0 : i32
        %scatter3A_711 = arith.constant 0 : i32
        %scatter3A_712 = arith.constant 0 : i32
        %scatter3A_713 = arith.constant 0 : i32
        %scatter3A_714 = tpu.memref_slice %arg7[%scatter3A_710, %scatter3A_711, %scatter3A_712, %scatter3A_713] : memref<4x4x8x129xf32, #tpu.memory_space<vmem>> -> memref<1x4x8x129xf32, #tpu.memory_space<vmem>>
        %scatter3A_715 = tpu.memref_squeeze %scatter3A_714 : memref<1x4x8x129xf32, #tpu.memory_space<vmem>> -> memref<4x8x129xf32, #tpu.memory_space<vmem>>
        tpu.vector_store_idx %scatter3A_715[%shift_right_arithmetic3A_189, %and3A_194, %broadcast_in_dim3A_701], %mul3A_709 : memref<4x8x129xf32, #tpu.memory_space<vmem>>[vector<16xi32>, vector<16xi32>, vector<16xi32>], vector<16xf32>,
        %get3A_716 = arith.constant 0 : i32
        %get3A_717 = arith.index_cast %get3A_716 : i32 to index
        %get3A_718 = arith.index_cast %scan3A_700 : i32 to index
        %get3A_719 = arith.constant 16 : index
        %get3A_720 = tpu.vector_load %arg6[%get3A_717, %get3A_718, %get3A_719] {strides = array<i32>} : memref<4x128x32xf32, #tpu.memory_space<vmem>>, vector<16xf32>,
        %mul3A_721 = arith.constant 5.65685415 : f32
        %mul3A_722 = vector.broadcast %mul3A_721 : f32 to vector<16xf32>
        %mul3A_723 = arith.mulf %get3A_720, %mul3A_722 : vector<16xf32>
        %scatter3A_724 = arith.constant 0 : i32
        %scatter3A_725 = arith.constant 0 : i32
        %scatter3A_726 = arith.constant 0 : i32
        %scatter3A_727 = arith.constant 0 : i32
        %scatter3A_728 = tpu.memref_slice %arg7[%scatter3A_724, %scatter3A_725, %scatter3A_726, %scatter3A_727] : memref<4x4x8x129xf32, #tpu.memory_space<vmem>> -> memref<1x4x8x129xf32, #tpu.memory_space<vmem>>
        %scatter3A_729 = tpu.memref_squeeze %scatter3A_728 : memref<1x4x8x129xf32, #tpu.memory_space<vmem>> -> memref<4x8x129xf32, #tpu.memory_space<vmem>>
        tpu.vector_store_idx %scatter3A_729[%shift_right_arithmetic3A_192, %and3A_197, %broadcast_in_dim3A_701], %mul3A_723 : memref<4x8x129xf32, #tpu.memory_space<vmem>>[vector<16xi32>, vector<16xi32>, vector<16xi32>], vector<16xf32>,
        %scan3A_730 = arith.constant 6 : i32
        %scan3A_731 = arith.addi %scan3A_548, %scan3A_730 : i32
        %broadcast_in_dim3A_732 = vector.broadcast %scan3A_731 : i32 to vector<16xi32>
        %get3A_733 = arith.constant 0 : i32
        %get3A_734 = arith.index_cast %get3A_733 : i32 to index
        %get3A_735 = arith.index_cast %scan3A_731 : i32 to index
        %get3A_736 = arith.constant 0 : index
        %get3A_737 = tpu.vector_load %arg6[%get3A_734, %get3A_735, %get3A_736] {strides = array<i32>} : memref<4x128x32xf32, #tpu.memory_space<vmem>>, vector<16xf32>,
        %mul3A_738 = arith.constant 5.65685415 : f32
        %mul3A_739 = vector.broadcast %mul3A_738 : f32 to vector<16xf32>
        %mul3A_740 = arith.mulf %get3A_737, %mul3A_739 : vector<16xf32>
        %scatter3A_741 = arith.constant 0 : i32
        %scatter3A_742 = arith.constant 0 : i32
        %scatter3A_743 = arith.constant 0 : i32
        %scatter3A_744 = arith.constant 0 : i32
        %scatter3A_745 = tpu.memref_slice %arg7[%scatter3A_741, %scatter3A_742, %scatter3A_743, %scatter3A_744] : memref<4x4x8x129xf32, #tpu.memory_space<vmem>> -> memref<1x4x8x129xf32, #tpu.memory_space<vmem>>
        %scatter3A_746 = tpu.memref_squeeze %scatter3A_745 : memref<1x4x8x129xf32, #tpu.memory_space<vmem>> -> memref<4x8x129xf32, #tpu.memory_space<vmem>>
        tpu.vector_store_idx %scatter3A_746[%shift_right_arithmetic3A_189, %and3A_194, %broadcast_in_dim3A_732], %mul3A_740 : memref<4x8x129xf32, #tpu.memory_space<vmem>>[vector<16xi32>, vector<16xi32>, vector<16xi32>], vector<16xf32>,
        %get3A_747 = arith.constant 0 : i32
        %get3A_748 = arith.index_cast %get3A_747 : i32 to index
        %get3A_749 = arith.index_cast %scan3A_731 : i32 to index
        %get3A_750 = arith.constant 16 : index
        %get3A_751 = tpu.vector_load %arg6[%get3A_748, %get3A_749, %get3A_750] {strides = array<i32>} : memref<4x128x32xf32, #tpu.memory_space<vmem>>, vector<16xf32>,
        %mul3A_752 = arith.constant 5.65685415 : f32
        %mul3A_753 = vector.broadcast %mul3A_752 : f32 to vector<16xf32>
        %mul3A_754 = arith.mulf %get3A_751, %mul3A_753 : vector<16xf32>
        %scatter3A_755 = arith.constant 0 : i32
        %scatter3A_756 = arith.constant 0 : i32
        %scatter3A_757 = arith.constant 0 : i32
        %scatter3A_758 = arith.constant 0 : i32
        %scatter3A_759 = tpu.memref_slice %arg7[%scatter3A_755, %scatter3A_756, %scatter3A_757, %scatter3A_758] : memref<4x4x8x129xf32, #tpu.memory_space<vmem>> -> memref<1x4x8x129xf32, #tpu.memory_space<vmem>>
        %scatter3A_760 = tpu.memref_squeeze %scatter3A_759 : memref<1x4x8x129xf32, #tpu.memory_space<vmem>> -> memref<4x8x129xf32, #tpu.memory_space<vmem>>
        tpu.vector_store_idx %scatter3A_760[%shift_right_arithmetic3A_192, %and3A_197, %broadcast_in_dim3A_732], %mul3A_754 : memref<4x8x129xf32, #tpu.memory_space<vmem>>[vector<16xi32>, vector<16xi32>, vector<16xi32>], vector<16xf32>,
        %scan3A_761 = arith.constant 7 : i32
        %scan3A_762 = arith.addi %scan3A_548, %scan3A_761 : i32
        %broadcast_in_dim3A_763 = vector.broadcast %scan3A_762 : i32 to vector<16xi32>
        %get3A_764 = arith.constant 0 : i32
        %get3A_765 = arith.index_cast %get3A_764 : i32 to index
        %get3A_766 = arith.index_cast %scan3A_762 : i32 to index
        %get3A_767 = arith.constant 0 : index
        %get3A_768 = tpu.vector_load %arg6[%get3A_765, %get3A_766, %get3A_767] {strides = array<i32>} : memref<4x128x32xf32, #tpu.memory_space<vmem>>, vector<16xf32>,
        %mul3A_769 = arith.constant 5.65685415 : f32
        %mul3A_770 = vector.broadcast %mul3A_769 : f32 to vector<16xf32>
        %mul3A_771 = arith.mulf %get3A_768, %mul3A_770 : vector<16xf32>
        %scatter3A_772 = arith.constant 0 : i32
        %scatter3A_773 = arith.constant 0 : i32
        %scatter3A_774 = arith.constant 0 : i32
        %scatter3A_775 = arith.constant 0 : i32
        %scatter3A_776 = tpu.memref_slice %arg7[%scatter3A_772, %scatter3A_773, %scatter3A_774, %scatter3A_775] : memref<4x4x8x129xf32, #tpu.memory_space<vmem>> -> memref<1x4x8x129xf32, #tpu.memory_space<vmem>>
        %scatter3A_777 = tpu.memref_squeeze %scatter3A_776 : memref<1x4x8x129xf32, #tpu.memory_space<vmem>> -> memref<4x8x129xf32, #tpu.memory_space<vmem>>
        tpu.vector_store_idx %scatter3A_777[%shift_right_arithmetic3A_189, %and3A_194, %broadcast_in_dim3A_763], %mul3A_771 : memref<4x8x129xf32, #tpu.memory_space<vmem>>[vector<16xi32>, vector<16xi32>, vector<16xi32>], vector<16xf32>,
        %get3A_778 = arith.constant 0 : i32
        %get3A_779 = arith.index_cast %get3A_778 : i32 to index
        %get3A_780 = arith.index_cast %scan3A_762 : i32 to index
        %get3A_781 = arith.constant 16 : index
        %get3A_782 = tpu.vector_load %arg6[%get3A_779, %get3A_780, %get3A_781] {strides = array<i32>} : memref<4x128x32xf32, #tpu.memory_space<vmem>>, vector<16xf32>,
        %mul3A_783 = arith.constant 5.65685415 : f32
        %mul3A_784 = vector.broadcast %mul3A_783 : f32 to vector<16xf32>
        %mul3A_785 = arith.mulf %get3A_782, %mul3A_784 : vector<16xf32>
        %scatter3A_786 = arith.constant 0 : i32
        %scatter3A_787 = arith.constant 0 : i32
        %scatter3A_788 = arith.constant 0 : i32
        %scatter3A_789 = arith.constant 0 : i32
        %scatter3A_790 = tpu.memref_slice %arg7[%scatter3A_786, %scatter3A_787, %scatter3A_788, %scatter3A_789] : memref<4x4x8x129xf32, #tpu.memory_space<vmem>> -> memref<1x4x8x129xf32, #tpu.memory_space<vmem>>
        %scatter3A_791 = tpu.memref_squeeze %scatter3A_790 : memref<1x4x8x129xf32, #tpu.memory_space<vmem>> -> memref<4x8x129xf32, #tpu.memory_space<vmem>>
        tpu.vector_store_idx %scatter3A_791[%shift_right_arithmetic3A_192, %and3A_197, %broadcast_in_dim3A_763], %mul3A_785 : memref<4x8x129xf32, #tpu.memory_space<vmem>>[vector<16xi32>, vector<16xi32>, vector<16xi32>], vector<16xf32>,
      }
      %scan3A_203 = arith.constant 128 : i32
      %jit3A = arith.constant 50 : i32
      %div3A = arith.divsi %add3A_171, %jit3A : i32
      %sign3A = arith.constant 0 : i32
      %sign3A_204 = arith.cmpi sgt, %add3A_171, %sign3A : i32
      %sign3A_205 = arith.extui %sign3A_204 : i1 to i32
      %sign3A_206 = arith.constant 0 : i32
      %sign3A_207 = arith.cmpi slt, %add3A_171, %sign3A_206 : i32
      %sign3A_208 = arith.extui %sign3A_207 : i1 to i32
      %sign3A_209 = arith.subi %sign3A_205, %sign3A_208 : i32
      %sign3A_210 = arith.constant 0 : i32
      %sign3A_211 = arith.cmpi sgt, %jit3A, %sign3A_210 : i32
      %sign3A_212 = arith.extui %sign3A_211 : i1 to i32
      %sign3A_213 = arith.constant 0 : i32
      %sign3A_214 = arith.cmpi slt, %jit3A, %sign3A_213 : i32
      %sign3A_215 = arith.extui %sign3A_214 : i1 to i32
      %sign3A_216 = arith.subi %sign3A_212, %sign3A_215 : i32
      %ne3A = arith.cmpi ne, %sign3A_209, %sign3A_216 : i32
      %rem3A = arith.remsi %add3A_171, %jit3A : i32
      %ne3A_217 = arith.constant 0 : i32
      %ne3A_218 = arith.cmpi ne, %rem3A, %ne3A_217 : i32
      %and3A_219 = arith.andi %ne3A, %ne3A_218 : i1
      %sub3A = arith.constant 1 : i32
      %sub3A_220 = arith.subi %div3A, %sub3A : i32
      %select_n3A = arith.select %and3A_219, %sub3A_220, %div3A : i32
      %mul3A_221 = arith.constant 50 : i32
      %mul3A_222 = arith.muli %select_n3A, %mul3A_221 : i32
      %sub3A_223 = arith.subi %add3A_171, %mul3A_222 : i32
      %mul3A_224 = arith.constant 4 : i32
      %mul3A_225 = arith.muli %add3A, %mul3A_224 : i32
      %add3A_226 = arith.addi %mul3A_225, %select_n3A : i32
      %dma_start3A_227 = arith.constant 0 : i32
      %dma_start3A_228 = arith.constant 0 : i32
      %dma_start3A_229 = arith.constant 0 : i32
      %dma_start3A_230 = arith.constant 0 : i32
      %dma_start3A_231 = tpu.memref_slice %arg7[%dma_start3A_227, %dma_start3A_228, %dma_start3A_229, %dma_start3A_230] : memref<4x4x8x129xf32, #tpu.memory_space<vmem>> -> memref<1x4x8x128xf32, #tpu.memory_space<vmem>>
      %dma_start3A_232 = tpu.memref_squeeze %dma_start3A_231 : memref<1x4x8x128xf32, #tpu.memory_space<vmem>> -> memref<4x8x128xf32, #tpu.memory_space<vmem>>
      %dma_start3A_233 = arith.constant 0 : i32
      %dma_start3A_234 = arith.constant 0 : i32
      %dma_start3A_235 = arith.constant 0 : i32
      %dma_start3A_236 = tpu.memref_slice %arg4[%sub3A_223, %dma_start3A_233, %add3A_226, %dma_start3A_234, %dma_start3A_235] : memref<50x4x128x8x128xf32, #tpu.memory_space<hbm>> -> memref<1x4x1x8x128xf32, #tpu.memory_space<hbm>>
      %dma_start3A_237 = tpu.memref_squeeze %dma_start3A_236 : memref<1x4x1x8x128xf32, #tpu.memory_space<hbm>> -> memref<4x8x128xf32, #tpu.memory_space<hbm>>
      %dma_start3A_238 = arith.constant 0 : i32
      %dma_start3A_239 = arith.constant 0 : i32
      %dma_start3A_240 = arith.constant 0 : i32
      %dma_start3A_241 = tpu.memref_slice %arg4[%sub3A_223, %dma_start3A_238, %add3A_226, %dma_start3A_239, %dma_start3A_240] : memref<50x4x128x8x128xf32, #tpu.memory_space<hbm>> -> memref<1x4x1x8x128xf32, #tpu.memory_space<hbm>>
      %dma_start3A_242 = tpu.memref_squeeze %dma_start3A_241 : memref<1x4x1x8x128xf32, #tpu.memory_space<hbm>> -> memref<4x8x128xf32, #tpu.memory_space<hbm>>
      %dma_start3A_243 = arith.constant 0 : i32
      %dma_start3A_244 = arith.constant 0 : i32
      %dma_start3A_245 = arith.constant 0 : i32
      %dma_start3A_246 = tpu.memref_slice %arg7[%dma_start3A_227, %dma_start3A_243, %dma_start3A_244, %dma_start3A_245] : memref<4x4x8x129xf32, #tpu.memory_space<vmem>> -> memref<1x4x8x128xf32, #tpu.memory_space<vmem>>
      %dma_start3A_247 = tpu.memref_squeeze %dma_start3A_246 : memref<1x4x8x128xf32, #tpu.memory_space<vmem>> -> memref<4x8x128xf32, #tpu.memory_space<vmem>>
      tpu.enqueue_dma source(%dma_start3A_247 : memref<4x8x128xf32, #tpu.memory_space<vmem>>) target(%dma_start3A_242 : memref<4x8x128xf32, #tpu.memory_space<hbm>>) target_semaphore(%arg12 : memref<!tpu.dma_semaphore, #tpu.memory_space<semaphore_mem>>)
      %add3A_248 = arith.constant 4 : i32
      %add3A_249 = arith.addi %add3A_171, %add3A_248 : i32
      %lt3A = arith.constant 200 : i32
      %lt3A_250 = arith.cmpi slt, %add3A_249, %lt3A : i32
      %convert_element_type3A_251 = arith.extui %lt3A_250 : i1 to i32
      %cond3A_252 = arith.constant 0 : i32
      %cond3A_253 = arith.cmpi ne, %convert_element_type3A_251, %cond3A_252 : i32
      scf.if %cond3A_253 {
        %add3A_548 = arith.constant 4 : i32
        %add3A_549 = arith.addi %add3A_171, %add3A_548 : i32
        %dma_start3A_550 = arith.constant 0 : i32
        %dma_start3A_551 = arith.constant 0 : i32
        %dma_start3A_552 = arith.constant 0 : i32
        %dma_start3A_553 = tpu.memref_slice %arg6[%dma_start3A_550, %dma_start3A_551, %dma_start3A_552] : memref<4x128x32xf32, #tpu.memory_space<vmem>> -> memref<1x128x32xf32, #tpu.memory_space<vmem>>
        %dma_start3A_554 = tpu.memref_squeeze %dma_start3A_553 : memref<1x128x32xf32, #tpu.memory_space<vmem>> -> memref<128x32xf32, #tpu.memory_space<vmem>>
        %dma_start3A_555 = arith.constant 0 : i32
        %dma_start3A_556 = tpu.memref_slice %arg5[%add3A_549, %dma_start3A_555] : memref<200x128xi32, #tpu.memory_space<vmem>> -> memref<1x128xi32, #tpu.memory_space<vmem>>
        %dma_start3A_557 = tpu.memref_squeeze %dma_start3A_556 : memref<1x128xi32, #tpu.memory_space<vmem>> -> memref<128xi32, #tpu.memory_space<vmem>>
        %dma_start3A_558 = arith.constant 0 : i32
        %dma_start3A_559 = arith.constant 0 : i32
        %dma_start3A_560 = tpu.memref_slice %arg3[%dma_start3A_558, %dma_start3A_559] : memref<1000000x32xf32, #tpu.memory_space<hbm>> -> memref<1000000x32xf32, #tpu.memory_space<hbm>>
        tpu.enqueue_indirect_dma source(%dma_start3A_560 : memref<1000000x32xf32, #tpu.memory_space<hbm>>) target(%dma_start3A_554 : memref<128x32xf32, #tpu.memory_space<vmem>>) offsets(%dma_start3A_557 : memref<128xi32, #tpu.memory_space<vmem>>) semaphore(%arg8 : memref<!tpu.dma_semaphore, #tpu.memory_space<semaphore_mem>>)
      } else {
      }
      %add3A_254 = arith.constant 1 : i32
      %add3A_255 = arith.addi %add3A_169, %add3A_254 : i32
      %dma_wait3A_256 = arith.constant 1 : i32
      %dma_wait3A_257 = arith.constant 0 : i32
      %dma_wait3A_258 = arith.constant 0 : i32
      %dma_wait3A_259 = tpu.memref_slice %arg6[%dma_wait3A_256, %dma_wait3A_257, %dma_wait3A_258] : memref<4x128x32xf32, #tpu.memory_space<vmem>> -> memref<1x128x32xf32, #tpu.memory_space<vmem>>
      %dma_wait3A_260 = tpu.memref_squeeze %dma_wait3A_259 : memref<1x128x32xf32, #tpu.memory_space<vmem>> -> memref<128x32xf32, #tpu.memory_space<vmem>>
      %dma_wait3A_261 = arith.constant 0 : i32
      %dma_wait3A_262 = tpu.memref_slice %arg5[%add3A_255, %dma_wait3A_261] : memref<200x128xi32, #tpu.memory_space<vmem>> -> memref<1x128xi32, #tpu.memory_space<vmem>>
      %dma_wait3A_263 = tpu.memref_squeeze %dma_wait3A_262 : memref<1x128xi32, #tpu.memory_space<vmem>> -> memref<128xi32, #tpu.memory_space<vmem>>
      %dma_wait3A_264 = arith.constant 0 : i32
      %dma_wait3A_265 = arith.constant 0 : i32
      %dma_wait3A_266 = tpu.memref_slice %arg3[%dma_wait3A_264, %dma_wait3A_265] : memref<1000000x32xf32, #tpu.memory_space<hbm>> -> memref<1000000x32xf32, #tpu.memory_space<hbm>>
      tpu.wait_indirect_dma semaphore(%arg9 : memref<!tpu.dma_semaphore, #tpu.memory_space<semaphore_mem>>) src(%dma_wait3A_266 : memref<1000000x32xf32, #tpu.memory_space<hbm>>) dst(%dma_wait3A_260 : memref<128x32xf32, #tpu.memory_space<vmem>>)
      %ge3A_267 = arith.constant 4 : i32
      %ge3A_268 = arith.cmpi sge, %add3A_255, %ge3A_267 : i32
      %convert_element_type3A_269 = arith.extui %ge3A_268 : i1 to i32
      %cond3A_270 = arith.constant 0 : i32
      %cond3A_271 = arith.cmpi ne, %convert_element_type3A_269, %cond3A_270 : i32
      scf.if %cond3A_271 {
        %sub3A_548 = arith.constant 4 : i32
        %sub3A_549 = arith.subi %add3A_255, %sub3A_548 : i32
        %jit3A_550 = arith.constant 50 : i32
        %div3A_551 = arith.divsi %sub3A_549, %jit3A_550 : i32
        %sign3A_552 = arith.constant 0 : i32
        %sign3A_553 = arith.cmpi sgt, %sub3A_549, %sign3A_552 : i32
        %sign3A_554 = arith.extui %sign3A_553 : i1 to i32
        %sign3A_555 = arith.constant 0 : i32
        %sign3A_556 = arith.cmpi slt, %sub3A_549, %sign3A_555 : i32
        %sign3A_557 = arith.extui %sign3A_556 : i1 to i32
        %sign3A_558 = arith.subi %sign3A_554, %sign3A_557 : i32
        %sign3A_559 = arith.constant 0 : i32
        %sign3A_560 = arith.cmpi sgt, %jit3A_550, %sign3A_559 : i32
        %sign3A_561 = arith.extui %sign3A_560 : i1 to i32
        %sign3A_562 = arith.constant 0 : i32
        %sign3A_563 = arith.cmpi slt, %jit3A_550, %sign3A_562 : i32
        %sign3A_564 = arith.extui %sign3A_563 : i1 to i32
        %sign3A_565 = arith.subi %sign3A_561, %sign3A_564 : i32
        %ne3A_566 = arith.cmpi ne, %sign3A_558, %sign3A_565 : i32
        %rem3A_567 = arith.remsi %sub3A_549, %jit3A_550 : i32
        %ne3A_568 = arith.constant 0 : i32
        %ne3A_569 = arith.cmpi ne, %rem3A_567, %ne3A_568 : i32
        %and3A_570 = arith.andi %ne3A_566, %ne3A_569 : i1
        %sub3A_571 = arith.constant 1 : i32
        %sub3A_572 = arith.subi %div3A_551, %sub3A_571 : i32
        %select_n3A_573 = arith.select %and3A_570, %sub3A_572, %div3A_551 : i32
        %mul3A_574 = arith.constant 50 : i32
        %mul3A_575 = arith.muli %select_n3A_573, %mul3A_574 : i32
        %sub3A_576 = arith.subi %sub3A_549, %mul3A_575 : i32
        %mul3A_577 = arith.constant 4 : i32
        %mul3A_578 = arith.muli %add3A, %mul3A_577 : i32
        %add3A_579 = arith.addi %mul3A_578, %select_n3A_573 : i32
        %dma_wait3A_580 = arith.constant 1 : i32
        %dma_wait3A_581 = arith.constant 0 : i32
        %dma_wait3A_582 = arith.constant 0 : i32
        %dma_wait3A_583 = arith.constant 0 : i32
        %dma_wait3A_584 = tpu.memref_slice %arg7[%dma_wait3A_580, %dma_wait3A_581, %dma_wait3A_582, %dma_wait3A_583] : memref<4x4x8x129xf32, #tpu.memory_space<vmem>> -> memref<1x4x8x128xf32, #tpu.memory_space<vmem>>
        %dma_wait3A_585 = tpu.memref_squeeze %dma_wait3A_584 : memref<1x4x8x128xf32, #tpu.memory_space<vmem>> -> memref<4x8x128xf32, #tpu.memory_space<vmem>>
        %dma_wait3A_586 = arith.constant 0 : i32
        %dma_wait3A_587 = arith.constant 0 : i32
        %dma_wait3A_588 = arith.constant 0 : i32
        %dma_wait3A_589 = tpu.memref_slice %arg4[%sub3A_576, %dma_wait3A_586, %add3A_579, %dma_wait3A_587, %dma_wait3A_588] : memref<50x4x128x8x128xf32, #tpu.memory_space<hbm>> -> memref<1x4x1x8x128xf32, #tpu.memory_space<hbm>>
        %dma_wait3A_590 = tpu.memref_squeeze %dma_wait3A_589 : memref<1x4x1x8x128xf32, #tpu.memory_space<hbm>> -> memref<4x8x128xf32, #tpu.memory_space<hbm>>
        %dma_wait3A_591 = arith.constant 0 : i32
        %dma_wait3A_592 = arith.constant 0 : i32
        %dma_wait3A_593 = arith.constant 0 : i32
        %dma_wait3A_594 = tpu.memref_slice %arg4[%sub3A_576, %dma_wait3A_591, %add3A_579, %dma_wait3A_592, %dma_wait3A_593] : memref<50x4x128x8x128xf32, #tpu.memory_space<hbm>> -> memref<1x4x1x8x128xf32, #tpu.memory_space<hbm>>
        %dma_wait3A_595 = tpu.memref_squeeze %dma_wait3A_594 : memref<1x4x1x8x128xf32, #tpu.memory_space<hbm>> -> memref<4x8x128xf32, #tpu.memory_space<hbm>>
        %dma_wait3A_596 = arith.constant 0 : i32
        %dma_wait3A_597 = arith.constant 0 : i32
        %dma_wait3A_598 = arith.constant 0 : i32
        %dma_wait3A_599 = tpu.memref_slice %arg7[%dma_wait3A_580, %dma_wait3A_596, %dma_wait3A_597, %dma_wait3A_598] : memref<4x4x8x129xf32, #tpu.memory_space<vmem>> -> memref<1x4x8x128xf32, #tpu.memory_space<vmem>>
        %dma_wait3A_600 = tpu.memref_squeeze %dma_wait3A_599 : memref<1x4x8x128xf32, #tpu.memory_space<vmem>> -> memref<4x8x128xf32, #tpu.memory_space<vmem>>
        tpu.wait_dma2 semaphore(%arg13 : memref<!tpu.dma_semaphore, #tpu.memory_space<semaphore_mem>>) src(%dma_wait3A_600 : memref<4x8x128xf32, #tpu.memory_space<vmem>>) dst(%dma_wait3A_595 : memref<4x8x128xf32, #tpu.memory_space<hbm>>)
      } else {
      }
      %iota3A_272 = tpu.iota {dimensions = array<i32: 0>} : vector<16xi32>
      %add3A_273 = arith.constant 16 : i32
      %add3A_274 = vector.broadcast %add3A_273 : i32 to vector<16xi32>
      %add3A_275 = arith.addi %iota3A_272, %add3A_274 : vector<16xi32>
      %shift_right_arithmetic3A_276 = arith.constant 3 : i32
      %shift_right_arithmetic3A_277 = vector.broadcast %shift_right_arithmetic3A_276 : i32 to vector<16xi32>
      %shift_right_arithmetic3A_278 = arith.shrsi %iota3A_272, %shift_right_arithmetic3A_277 : vector<16xi32>
      %shift_right_arithmetic3A_279 = arith.constant 3 : i32
      %shift_right_arithmetic3A_280 = vector.broadcast %shift_right_arithmetic3A_279 : i32 to vector<16xi32>
      %shift_right_arithmetic3A_281 = arith.shrsi %add3A_275, %shift_right_arithmetic3A_280 : vector<16xi32>
      %and3A_282 = arith.constant 7 : i32
      %and3A_283 = vector.broadcast %and3A_282 : i32 to vector<16xi32>
      %and3A_284 = arith.andi %iota3A_272, %and3A_283 : vector<16xi32>
      %and3A_285 = arith.constant 7 : i32
      %and3A_286 = vector.broadcast %and3A_285 : i32 to vector<16xi32>
      %and3A_287 = arith.andi %add3A_275, %and3A_286 : vector<16xi32>
      %scan3A_288 = arith.constant 0 : i32
      %scan3A_289 = arith.constant 0 : i32
      %scan3A_290 = arith.constant 128 : i32
      %scan3A_291 = arith.addi %scan3A_289, %scan3A_290 : i32
      %scan3A_292 = arith.constant 8 : i32
      scf.for %scan3A_548 = %scan3A_289 to %scan3A_291 step %scan3A_292  : i32 {
        %broadcast_in_dim3A = vector.broadcast %scan3A_548 : i32 to vector<16xi32>
        %get3A = arith.constant 1 : i32
        %get3A_549 = arith.index_cast %get3A : i32 to index
        %get3A_550 = arith.index_cast %scan3A_548 : i32 to index
        %get3A_551 = arith.constant 0 : index
        %get3A_552 = tpu.vector_load %arg6[%get3A_549, %get3A_550, %get3A_551] {strides = array<i32>} : memref<4x128x32xf32, #tpu.memory_space<vmem>>, vector<16xf32>,
        %mul3A_553 = arith.constant 5.65685415 : f32
        %mul3A_554 = vector.broadcast %mul3A_553 : f32 to vector<16xf32>
        %mul3A_555 = arith.mulf %get3A_552, %mul3A_554 : vector<16xf32>
        %scatter3A = arith.constant 1 : i32
        %scatter3A_556 = arith.constant 0 : i32
        %scatter3A_557 = arith.constant 0 : i32
        %scatter3A_558 = arith.constant 0 : i32
        %scatter3A_559 = tpu.memref_slice %arg7[%scatter3A, %scatter3A_556, %scatter3A_557, %scatter3A_558] : memref<4x4x8x129xf32, #tpu.memory_space<vmem>> -> memref<1x4x8x129xf32, #tpu.memory_space<vmem>>
        %scatter3A_560 = tpu.memref_squeeze %scatter3A_559 : memref<1x4x8x129xf32, #tpu.memory_space<vmem>> -> memref<4x8x129xf32, #tpu.memory_space<vmem>>
        tpu.vector_store_idx %scatter3A_560[%shift_right_arithmetic3A_278, %and3A_284, %broadcast_in_dim3A], %mul3A_555 : memref<4x8x129xf32, #tpu.memory_space<vmem>>[vector<16xi32>, vector<16xi32>, vector<16xi32>], vector<16xf32>,
        %get3A_561 = arith.constant 1 : i32
        %get3A_562 = arith.index_cast %get3A_561 : i32 to index
        %get3A_563 = arith.index_cast %scan3A_548 : i32 to index
        %get3A_564 = arith.constant 16 : index
        %get3A_565 = tpu.vector_load %arg6[%get3A_562, %get3A_563, %get3A_564] {strides = array<i32>} : memref<4x128x32xf32, #tpu.memory_space<vmem>>, vector<16xf32>,
        %mul3A_566 = arith.constant 5.65685415 : f32
        %mul3A_567 = vector.broadcast %mul3A_566 : f32 to vector<16xf32>
        %mul3A_568 = arith.mulf %get3A_565, %mul3A_567 : vector<16xf32>
        %scatter3A_569 = arith.constant 1 : i32
        %scatter3A_570 = arith.constant 0 : i32
        %scatter3A_571 = arith.constant 0 : i32
        %scatter3A_572 = arith.constant 0 : i32
        %scatter3A_573 = tpu.memref_slice %arg7[%scatter3A_569, %scatter3A_570, %scatter3A_571, %scatter3A_572] : memref<4x4x8x129xf32, #tpu.memory_space<vmem>> -> memref<1x4x8x129xf32, #tpu.memory_space<vmem>>
        %scatter3A_574 = tpu.memref_squeeze %scatter3A_573 : memref<1x4x8x129xf32, #tpu.memory_space<vmem>> -> memref<4x8x129xf32, #tpu.memory_space<vmem>>
        tpu.vector_store_idx %scatter3A_574[%shift_right_arithmetic3A_281, %and3A_287, %broadcast_in_dim3A], %mul3A_568 : memref<4x8x129xf32, #tpu.memory_space<vmem>>[vector<16xi32>, vector<16xi32>, vector<16xi32>], vector<16xf32>,
        %scan3A_575 = arith.constant 1 : i32
        %scan3A_576 = arith.addi %scan3A_548, %scan3A_575 : i32
        %broadcast_in_dim3A_577 = vector.broadcast %scan3A_576 : i32 to vector<16xi32>
        %get3A_578 = arith.constant 1 : i32
        %get3A_579 = arith.index_cast %get3A_578 : i32 to index
        %get3A_580 = arith.index_cast %scan3A_576 : i32 to index
        %get3A_581 = arith.constant 0 : index
        %get3A_582 = tpu.vector_load %arg6[%get3A_579, %get3A_580, %get3A_581] {strides = array<i32>} : memref<4x128x32xf32, #tpu.memory_space<vmem>>, vector<16xf32>,
        %mul3A_583 = arith.constant 5.65685415 : f32
        %mul3A_584 = vector.broadcast %mul3A_583 : f32 to vector<16xf32>
        %mul3A_585 = arith.mulf %get3A_582, %mul3A_584 : vector<16xf32>
        %scatter3A_586 = arith.constant 1 : i32
        %scatter3A_587 = arith.constant 0 : i32
        %scatter3A_588 = arith.constant 0 : i32
        %scatter3A_589 = arith.constant 0 : i32
        %scatter3A_590 = tpu.memref_slice %arg7[%scatter3A_586, %scatter3A_587, %scatter3A_588, %scatter3A_589] : memref<4x4x8x129xf32, #tpu.memory_space<vmem>> -> memref<1x4x8x129xf32, #tpu.memory_space<vmem>>
        %scatter3A_591 = tpu.memref_squeeze %scatter3A_590 : memref<1x4x8x129xf32, #tpu.memory_space<vmem>> -> memref<4x8x129xf32, #tpu.memory_space<vmem>>
        tpu.vector_store_idx %scatter3A_591[%shift_right_arithmetic3A_278, %and3A_284, %broadcast_in_dim3A_577], %mul3A_585 : memref<4x8x129xf32, #tpu.memory_space<vmem>>[vector<16xi32>, vector<16xi32>, vector<16xi32>], vector<16xf32>,
        %get3A_592 = arith.constant 1 : i32
        %get3A_593 = arith.index_cast %get3A_592 : i32 to index
        %get3A_594 = arith.index_cast %scan3A_576 : i32 to index
        %get3A_595 = arith.constant 16 : index
        %get3A_596 = tpu.vector_load %arg6[%get3A_593, %get3A_594, %get3A_595] {strides = array<i32>} : memref<4x128x32xf32, #tpu.memory_space<vmem>>, vector<16xf32>,
        %mul3A_597 = arith.constant 5.65685415 : f32
        %mul3A_598 = vector.broadcast %mul3A_597 : f32 to vector<16xf32>
        %mul3A_599 = arith.mulf %get3A_596, %mul3A_598 : vector<16xf32>
        %scatter3A_600 = arith.constant 1 : i32
        %scatter3A_601 = arith.constant 0 : i32
        %scatter3A_602 = arith.constant 0 : i32
        %scatter3A_603 = arith.constant 0 : i32
        %scatter3A_604 = tpu.memref_slice %arg7[%scatter3A_600, %scatter3A_601, %scatter3A_602, %scatter3A_603] : memref<4x4x8x129xf32, #tpu.memory_space<vmem>> -> memref<1x4x8x129xf32, #tpu.memory_space<vmem>>
        %scatter3A_605 = tpu.memref_squeeze %scatter3A_604 : memref<1x4x8x129xf32, #tpu.memory_space<vmem>> -> memref<4x8x129xf32, #tpu.memory_space<vmem>>
        tpu.vector_store_idx %scatter3A_605[%shift_right_arithmetic3A_281, %and3A_287, %broadcast_in_dim3A_577], %mul3A_599 : memref<4x8x129xf32, #tpu.memory_space<vmem>>[vector<16xi32>, vector<16xi32>, vector<16xi32>], vector<16xf32>,
        %scan3A_606 = arith.constant 2 : i32
        %scan3A_607 = arith.addi %scan3A_548, %scan3A_606 : i32
        %broadcast_in_dim3A_608 = vector.broadcast %scan3A_607 : i32 to vector<16xi32>
        %get3A_609 = arith.constant 1 : i32
        %get3A_610 = arith.index_cast %get3A_609 : i32 to index
        %get3A_611 = arith.index_cast %scan3A_607 : i32 to index
        %get3A_612 = arith.constant 0 : index
        %get3A_613 = tpu.vector_load %arg6[%get3A_610, %get3A_611, %get3A_612] {strides = array<i32>} : memref<4x128x32xf32, #tpu.memory_space<vmem>>, vector<16xf32>,
        %mul3A_614 = arith.constant 5.65685415 : f32
        %mul3A_615 = vector.broadcast %mul3A_614 : f32 to vector<16xf32>
        %mul3A_616 = arith.mulf %get3A_613, %mul3A_615 : vector<16xf32>
        %scatter3A_617 = arith.constant 1 : i32
        %scatter3A_618 = arith.constant 0 : i32
        %scatter3A_619 = arith.constant 0 : i32
        %scatter3A_620 = arith.constant 0 : i32
        %scatter3A_621 = tpu.memref_slice %arg7[%scatter3A_617, %scatter3A_618, %scatter3A_619, %scatter3A_620] : memref<4x4x8x129xf32, #tpu.memory_space<vmem>> -> memref<1x4x8x129xf32, #tpu.memory_space<vmem>>
        %scatter3A_622 = tpu.memref_squeeze %scatter3A_621 : memref<1x4x8x129xf32, #tpu.memory_space<vmem>> -> memref<4x8x129xf32, #tpu.memory_space<vmem>>
        tpu.vector_store_idx %scatter3A_622[%shift_right_arithmetic3A_278, %and3A_284, %broadcast_in_dim3A_608], %mul3A_616 : memref<4x8x129xf32, #tpu.memory_space<vmem>>[vector<16xi32>, vector<16xi32>, vector<16xi32>], vector<16xf32>,
        %get3A_623 = arith.constant 1 : i32
        %get3A_624 = arith.index_cast %get3A_623 : i32 to index
        %get3A_625 = arith.index_cast %scan3A_607 : i32 to index
        %get3A_626 = arith.constant 16 : index
        %get3A_627 = tpu.vector_load %arg6[%get3A_624, %get3A_625, %get3A_626] {strides = array<i32>} : memref<4x128x32xf32, #tpu.memory_space<vmem>>, vector<16xf32>,
        %mul3A_628 = arith.constant 5.65685415 : f32
        %mul3A_629 = vector.broadcast %mul3A_628 : f32 to vector<16xf32>
        %mul3A_630 = arith.mulf %get3A_627, %mul3A_629 : vector<16xf32>
        %scatter3A_631 = arith.constant 1 : i32
        %scatter3A_632 = arith.constant 0 : i32
        %scatter3A_633 = arith.constant 0 : i32
        %scatter3A_634 = arith.constant 0 : i32
        %scatter3A_635 = tpu.memref_slice %arg7[%scatter3A_631, %scatter3A_632, %scatter3A_633, %scatter3A_634] : memref<4x4x8x129xf32, #tpu.memory_space<vmem>> -> memref<1x4x8x129xf32, #tpu.memory_space<vmem>>
        %scatter3A_636 = tpu.memref_squeeze %scatter3A_635 : memref<1x4x8x129xf32, #tpu.memory_space<vmem>> -> memref<4x8x129xf32, #tpu.memory_space<vmem>>
        tpu.vector_store_idx %scatter3A_636[%shift_right_arithmetic3A_281, %and3A_287, %broadcast_in_dim3A_608], %mul3A_630 : memref<4x8x129xf32, #tpu.memory_space<vmem>>[vector<16xi32>, vector<16xi32>, vector<16xi32>], vector<16xf32>,
        %scan3A_637 = arith.constant 3 : i32
        %scan3A_638 = arith.addi %scan3A_548, %scan3A_637 : i32
        %broadcast_in_dim3A_639 = vector.broadcast %scan3A_638 : i32 to vector<16xi32>
        %get3A_640 = arith.constant 1 : i32
        %get3A_641 = arith.index_cast %get3A_640 : i32 to index
        %get3A_642 = arith.index_cast %scan3A_638 : i32 to index
        %get3A_643 = arith.constant 0 : index
        %get3A_644 = tpu.vector_load %arg6[%get3A_641, %get3A_642, %get3A_643] {strides = array<i32>} : memref<4x128x32xf32, #tpu.memory_space<vmem>>, vector<16xf32>,
        %mul3A_645 = arith.constant 5.65685415 : f32
        %mul3A_646 = vector.broadcast %mul3A_645 : f32 to vector<16xf32>
        %mul3A_647 = arith.mulf %get3A_644, %mul3A_646 : vector<16xf32>
        %scatter3A_648 = arith.constant 1 : i32
        %scatter3A_649 = arith.constant 0 : i32
        %scatter3A_650 = arith.constant 0 : i32
        %scatter3A_651 = arith.constant 0 : i32
        %scatter3A_652 = tpu.memref_slice %arg7[%scatter3A_648, %scatter3A_649, %scatter3A_650, %scatter3A_651] : memref<4x4x8x129xf32, #tpu.memory_space<vmem>> -> memref<1x4x8x129xf32, #tpu.memory_space<vmem>>
        %scatter3A_653 = tpu.memref_squeeze %scatter3A_652 : memref<1x4x8x129xf32, #tpu.memory_space<vmem>> -> memref<4x8x129xf32, #tpu.memory_space<vmem>>
        tpu.vector_store_idx %scatter3A_653[%shift_right_arithmetic3A_278, %and3A_284, %broadcast_in_dim3A_639], %mul3A_647 : memref<4x8x129xf32, #tpu.memory_space<vmem>>[vector<16xi32>, vector<16xi32>, vector<16xi32>], vector<16xf32>,
        %get3A_654 = arith.constant 1 : i32
        %get3A_655 = arith.index_cast %get3A_654 : i32 to index
        %get3A_656 = arith.index_cast %scan3A_638 : i32 to index
        %get3A_657 = arith.constant 16 : index
        %get3A_658 = tpu.vector_load %arg6[%get3A_655, %get3A_656, %get3A_657] {strides = array<i32>} : memref<4x128x32xf32, #tpu.memory_space<vmem>>, vector<16xf32>,
        %mul3A_659 = arith.constant 5.65685415 : f32
        %mul3A_660 = vector.broadcast %mul3A_659 : f32 to vector<16xf32>
        %mul3A_661 = arith.mulf %get3A_658, %mul3A_660 : vector<16xf32>
        %scatter3A_662 = arith.constant 1 : i32
        %scatter3A_663 = arith.constant 0 : i32
        %scatter3A_664 = arith.constant 0 : i32
        %scatter3A_665 = arith.constant 0 : i32
        %scatter3A_666 = tpu.memref_slice %arg7[%scatter3A_662, %scatter3A_663, %scatter3A_664, %scatter3A_665] : memref<4x4x8x129xf32, #tpu.memory_space<vmem>> -> memref<1x4x8x129xf32, #tpu.memory_space<vmem>>
        %scatter3A_667 = tpu.memref_squeeze %scatter3A_666 : memref<1x4x8x129xf32, #tpu.memory_space<vmem>> -> memref<4x8x129xf32, #tpu.memory_space<vmem>>
        tpu.vector_store_idx %scatter3A_667[%shift_right_arithmetic3A_281, %and3A_287, %broadcast_in_dim3A_639], %mul3A_661 : memref<4x8x129xf32, #tpu.memory_space<vmem>>[vector<16xi32>, vector<16xi32>, vector<16xi32>], vector<16xf32>,
        %scan3A_668 = arith.constant 4 : i32
        %scan3A_669 = arith.addi %scan3A_548, %scan3A_668 : i32
        %broadcast_in_dim3A_670 = vector.broadcast %scan3A_669 : i32 to vector<16xi32>
        %get3A_671 = arith.constant 1 : i32
        %get3A_672 = arith.index_cast %get3A_671 : i32 to index
        %get3A_673 = arith.index_cast %scan3A_669 : i32 to index
        %get3A_674 = arith.constant 0 : index
        %get3A_675 = tpu.vector_load %arg6[%get3A_672, %get3A_673, %get3A_674] {strides = array<i32>} : memref<4x128x32xf32, #tpu.memory_space<vmem>>, vector<16xf32>,
        %mul3A_676 = arith.constant 5.65685415 : f32
        %mul3A_677 = vector.broadcast %mul3A_676 : f32 to vector<16xf32>
        %mul3A_678 = arith.mulf %get3A_675, %mul3A_677 : vector<16xf32>
        %scatter3A_679 = arith.constant 1 : i32
        %scatter3A_680 = arith.constant 0 : i32
        %scatter3A_681 = arith.constant 0 : i32
        %scatter3A_682 = arith.constant 0 : i32
        %scatter3A_683 = tpu.memref_slice %arg7[%scatter3A_679, %scatter3A_680, %scatter3A_681, %scatter3A_682] : memref<4x4x8x129xf32, #tpu.memory_space<vmem>> -> memref<1x4x8x129xf32, #tpu.memory_space<vmem>>
        %scatter3A_684 = tpu.memref_squeeze %scatter3A_683 : memref<1x4x8x129xf32, #tpu.memory_space<vmem>> -> memref<4x8x129xf32, #tpu.memory_space<vmem>>
        tpu.vector_store_idx %scatter3A_684[%shift_right_arithmetic3A_278, %and3A_284, %broadcast_in_dim3A_670], %mul3A_678 : memref<4x8x129xf32, #tpu.memory_space<vmem>>[vector<16xi32>, vector<16xi32>, vector<16xi32>], vector<16xf32>,
        %get3A_685 = arith.constant 1 : i32
        %get3A_686 = arith.index_cast %get3A_685 : i32 to index
        %get3A_687 = arith.index_cast %scan3A_669 : i32 to index
        %get3A_688 = arith.constant 16 : index
        %get3A_689 = tpu.vector_load %arg6[%get3A_686, %get3A_687, %get3A_688] {strides = array<i32>} : memref<4x128x32xf32, #tpu.memory_space<vmem>>, vector<16xf32>,
        %mul3A_690 = arith.constant 5.65685415 : f32
        %mul3A_691 = vector.broadcast %mul3A_690 : f32 to vector<16xf32>
        %mul3A_692 = arith.mulf %get3A_689, %mul3A_691 : vector<16xf32>
        %scatter3A_693 = arith.constant 1 : i32
        %scatter3A_694 = arith.constant 0 : i32
        %scatter3A_695 = arith.constant 0 : i32
        %scatter3A_696 = arith.constant 0 : i32
        %scatter3A_697 = tpu.memref_slice %arg7[%scatter3A_693, %scatter3A_694, %scatter3A_695, %scatter3A_696] : memref<4x4x8x129xf32, #tpu.memory_space<vmem>> -> memref<1x4x8x129xf32, #tpu.memory_space<vmem>>
        %scatter3A_698 = tpu.memref_squeeze %scatter3A_697 : memref<1x4x8x129xf32, #tpu.memory_space<vmem>> -> memref<4x8x129xf32, #tpu.memory_space<vmem>>
        tpu.vector_store_idx %scatter3A_698[%shift_right_arithmetic3A_281, %and3A_287, %broadcast_in_dim3A_670], %mul3A_692 : memref<4x8x129xf32, #tpu.memory_space<vmem>>[vector<16xi32>, vector<16xi32>, vector<16xi32>], vector<16xf32>,
        %scan3A_699 = arith.constant 5 : i32
        %scan3A_700 = arith.addi %scan3A_548, %scan3A_699 : i32
        %broadcast_in_dim3A_701 = vector.broadcast %scan3A_700 : i32 to vector<16xi32>
        %get3A_702 = arith.constant 1 : i32
        %get3A_703 = arith.index_cast %get3A_702 : i32 to index
        %get3A_704 = arith.index_cast %scan3A_700 : i32 to index
        %get3A_705 = arith.constant 0 : index
        %get3A_706 = tpu.vector_load %arg6[%get3A_703, %get3A_704, %get3A_705] {strides = array<i32>} : memref<4x128x32xf32, #tpu.memory_space<vmem>>, vector<16xf32>,
        %mul3A_707 = arith.constant 5.65685415 : f32
        %mul3A_708 = vector.broadcast %mul3A_707 : f32 to vector<16xf32>
        %mul3A_709 = arith.mulf %get3A_706, %mul3A_708 : vector<16xf32>
        %scatter3A_710 = arith.constant 1 : i32
        %scatter3A_711 = arith.constant 0 : i32
        %scatter3A_712 = arith.constant 0 : i32
        %scatter3A_713 = arith.constant 0 : i32
        %scatter3A_714 = tpu.memref_slice %arg7[%scatter3A_710, %scatter3A_711, %scatter3A_712, %scatter3A_713] : memref<4x4x8x129xf32, #tpu.memory_space<vmem>> -> memref<1x4x8x129xf32, #tpu.memory_space<vmem>>
        %scatter3A_715 = tpu.memref_squeeze %scatter3A_714 : memref<1x4x8x129xf32, #tpu.memory_space<vmem>> -> memref<4x8x129xf32, #tpu.memory_space<vmem>>
        tpu.vector_store_idx %scatter3A_715[%shift_right_arithmetic3A_278, %and3A_284, %broadcast_in_dim3A_701], %mul3A_709 : memref<4x8x129xf32, #tpu.memory_space<vmem>>[vector<16xi32>, vector<16xi32>, vector<16xi32>], vector<16xf32>,
        %get3A_716 = arith.constant 1 : i32
        %get3A_717 = arith.index_cast %get3A_716 : i32 to index
        %get3A_718 = arith.index_cast %scan3A_700 : i32 to index
        %get3A_719 = arith.constant 16 : index
        %get3A_720 = tpu.vector_load %arg6[%get3A_717, %get3A_718, %get3A_719] {strides = array<i32>} : memref<4x128x32xf32, #tpu.memory_space<vmem>>, vector<16xf32>,
        %mul3A_721 = arith.constant 5.65685415 : f32
        %mul3A_722 = vector.broadcast %mul3A_721 : f32 to vector<16xf32>
        %mul3A_723 = arith.mulf %get3A_720, %mul3A_722 : vector<16xf32>
        %scatter3A_724 = arith.constant 1 : i32
        %scatter3A_725 = arith.constant 0 : i32
        %scatter3A_726 = arith.constant 0 : i32
        %scatter3A_727 = arith.constant 0 : i32
        %scatter3A_728 = tpu.memref_slice %arg7[%scatter3A_724, %scatter3A_725, %scatter3A_726, %scatter3A_727] : memref<4x4x8x129xf32, #tpu.memory_space<vmem>> -> memref<1x4x8x129xf32, #tpu.memory_space<vmem>>
        %scatter3A_729 = tpu.memref_squeeze %scatter3A_728 : memref<1x4x8x129xf32, #tpu.memory_space<vmem>> -> memref<4x8x129xf32, #tpu.memory_space<vmem>>
        tpu.vector_store_idx %scatter3A_729[%shift_right_arithmetic3A_281, %and3A_287, %broadcast_in_dim3A_701], %mul3A_723 : memref<4x8x129xf32, #tpu.memory_space<vmem>>[vector<16xi32>, vector<16xi32>, vector<16xi32>], vector<16xf32>,
        %scan3A_730 = arith.constant 6 : i32
        %scan3A_731 = arith.addi %scan3A_548, %scan3A_730 : i32
        %broadcast_in_dim3A_732 = vector.broadcast %scan3A_731 : i32 to vector<16xi32>
        %get3A_733 = arith.constant 1 : i32
        %get3A_734 = arith.index_cast %get3A_733 : i32 to index
        %get3A_735 = arith.index_cast %scan3A_731 : i32 to index
        %get3A_736 = arith.constant 0 : index
        %get3A_737 = tpu.vector_load %arg6[%get3A_734, %get3A_735, %get3A_736] {strides = array<i32>} : memref<4x128x32xf32, #tpu.memory_space<vmem>>, vector<16xf32>,
        %mul3A_738 = arith.constant 5.65685415 : f32
        %mul3A_739 = vector.broadcast %mul3A_738 : f32 to vector<16xf32>
        %mul3A_740 = arith.mulf %get3A_737, %mul3A_739 : vector<16xf32>
        %scatter3A_741 = arith.constant 1 : i32
        %scatter3A_742 = arith.constant 0 : i32
        %scatter3A_743 = arith.constant 0 : i32
        %scatter3A_744 = arith.constant 0 : i32
        %scatter3A_745 = tpu.memref_slice %arg7[%scatter3A_741, %scatter3A_742, %scatter3A_743, %scatter3A_744] : memref<4x4x8x129xf32, #tpu.memory_space<vmem>> -> memref<1x4x8x129xf32, #tpu.memory_space<vmem>>
        %scatter3A_746 = tpu.memref_squeeze %scatter3A_745 : memref<1x4x8x129xf32, #tpu.memory_space<vmem>> -> memref<4x8x129xf32, #tpu.memory_space<vmem>>
        tpu.vector_store_idx %scatter3A_746[%shift_right_arithmetic3A_278, %and3A_284, %broadcast_in_dim3A_732], %mul3A_740 : memref<4x8x129xf32, #tpu.memory_space<vmem>>[vector<16xi32>, vector<16xi32>, vector<16xi32>], vector<16xf32>,
        %get3A_747 = arith.constant 1 : i32
        %get3A_748 = arith.index_cast %get3A_747 : i32 to index
        %get3A_749 = arith.index_cast %scan3A_731 : i32 to index
        %get3A_750 = arith.constant 16 : index
        %get3A_751 = tpu.vector_load %arg6[%get3A_748, %get3A_749, %get3A_750] {strides = array<i32>} : memref<4x128x32xf32, #tpu.memory_space<vmem>>, vector<16xf32>,
        %mul3A_752 = arith.constant 5.65685415 : f32
        %mul3A_753 = vector.broadcast %mul3A_752 : f32 to vector<16xf32>
        %mul3A_754 = arith.mulf %get3A_751, %mul3A_753 : vector<16xf32>
        %scatter3A_755 = arith.constant 1 : i32
        %scatter3A_756 = arith.constant 0 : i32
        %scatter3A_757 = arith.constant 0 : i32
        %scatter3A_758 = arith.constant 0 : i32
        %scatter3A_759 = tpu.memref_slice %arg7[%scatter3A_755, %scatter3A_756, %scatter3A_757, %scatter3A_758] : memref<4x4x8x129xf32, #tpu.memory_space<vmem>> -> memref<1x4x8x129xf32, #tpu.memory_space<vmem>>
        %scatter3A_760 = tpu.memref_squeeze %scatter3A_759 : memref<1x4x8x129xf32, #tpu.memory_space<vmem>> -> memref<4x8x129xf32, #tpu.memory_space<vmem>>
        tpu.vector_store_idx %scatter3A_760[%shift_right_arithmetic3A_281, %and3A_287, %broadcast_in_dim3A_732], %mul3A_754 : memref<4x8x129xf32, #tpu.memory_space<vmem>>[vector<16xi32>, vector<16xi32>, vector<16xi32>], vector<16xf32>,
        %scan3A_761 = arith.constant 7 : i32
        %scan3A_762 = arith.addi %scan3A_548, %scan3A_761 : i32
        %broadcast_in_dim3A_763 = vector.broadcast %scan3A_762 : i32 to vector<16xi32>
        %get3A_764 = arith.constant 1 : i32
        %get3A_765 = arith.index_cast %get3A_764 : i32 to index
        %get3A_766 = arith.index_cast %scan3A_762 : i32 to index
        %get3A_767 = arith.constant 0 : index
        %get3A_768 = tpu.vector_load %arg6[%get3A_765, %get3A_766, %get3A_767] {strides = array<i32>} : memref<4x128x32xf32, #tpu.memory_space<vmem>>, vector<16xf32>,
        %mul3A_769 = arith.constant 5.65685415 : f32
        %mul3A_770 = vector.broadcast %mul3A_769 : f32 to vector<16xf32>
        %mul3A_771 = arith.mulf %get3A_768, %mul3A_770 : vector<16xf32>
        %scatter3A_772 = arith.constant 1 : i32
        %scatter3A_773 = arith.constant 0 : i32
        %scatter3A_774 = arith.constant 0 : i32
        %scatter3A_775 = arith.constant 0 : i32
        %scatter3A_776 = tpu.memref_slice %arg7[%scatter3A_772, %scatter3A_773, %scatter3A_774, %scatter3A_775] : memref<4x4x8x129xf32, #tpu.memory_space<vmem>> -> memref<1x4x8x129xf32, #tpu.memory_space<vmem>>
        %scatter3A_777 = tpu.memref_squeeze %scatter3A_776 : memref<1x4x8x129xf32, #tpu.memory_space<vmem>> -> memref<4x8x129xf32, #tpu.memory_space<vmem>>
        tpu.vector_store_idx %scatter3A_777[%shift_right_arithmetic3A_278, %and3A_284, %broadcast_in_dim3A_763], %mul3A_771 : memref<4x8x129xf32, #tpu.memory_space<vmem>>[vector<16xi32>, vector<16xi32>, vector<16xi32>], vector<16xf32>,
        %get3A_778 = arith.constant 1 : i32
        %get3A_779 = arith.index_cast %get3A_778 : i32 to index
        %get3A_780 = arith.index_cast %scan3A_762 : i32 to index
        %get3A_781 = arith.constant 16 : index
        %get3A_782 = tpu.vector_load %arg6[%get3A_779, %get3A_780, %get3A_781] {strides = array<i32>} : memref<4x128x32xf32, #tpu.memory_space<vmem>>, vector<16xf32>,
        %mul3A_783 = arith.constant 5.65685415 : f32
        %mul3A_784 = vector.broadcast %mul3A_783 : f32 to vector<16xf32>
        %mul3A_785 = arith.mulf %get3A_782, %mul3A_784 : vector<16xf32>
        %scatter3A_786 = arith.constant 1 : i32
        %scatter3A_787 = arith.constant 0 : i32
        %scatter3A_788 = arith.constant 0 : i32
        %scatter3A_789 = arith.constant 0 : i32
        %scatter3A_790 = tpu.memref_slice %arg7[%scatter3A_786, %scatter3A_787, %scatter3A_788, %scatter3A_789] : memref<4x4x8x129xf32, #tpu.memory_space<vmem>> -> memref<1x4x8x129xf32, #tpu.memory_space<vmem>>
        %scatter3A_791 = tpu.memref_squeeze %scatter3A_790 : memref<1x4x8x129xf32, #tpu.memory_space<vmem>> -> memref<4x8x129xf32, #tpu.memory_space<vmem>>
        tpu.vector_store_idx %scatter3A_791[%shift_right_arithmetic3A_281, %and3A_287, %broadcast_in_dim3A_763], %mul3A_785 : memref<4x8x129xf32, #tpu.memory_space<vmem>>[vector<16xi32>, vector<16xi32>, vector<16xi32>], vector<16xf32>,
      }
      %scan3A_293 = arith.constant 128 : i32
      %jit3A_294 = arith.constant 50 : i32
      %div3A_295 = arith.divsi %add3A_255, %jit3A_294 : i32
      %sign3A_296 = arith.constant 0 : i32
      %sign3A_297 = arith.cmpi sgt, %add3A_255, %sign3A_296 : i32
      %sign3A_298 = arith.extui %sign3A_297 : i1 to i32
      %sign3A_299 = arith.constant 0 : i32
      %sign3A_300 = arith.cmpi slt, %add3A_255, %sign3A_299 : i32
      %sign3A_301 = arith.extui %sign3A_300 : i1 to i32
      %sign3A_302 = arith.subi %sign3A_298, %sign3A_301 : i32
      %sign3A_303 = arith.constant 0 : i32
      %sign3A_304 = arith.cmpi sgt, %jit3A_294, %sign3A_303 : i32
      %sign3A_305 = arith.extui %sign3A_304 : i1 to i32
      %sign3A_306 = arith.constant 0 : i32
      %sign3A_307 = arith.cmpi slt, %jit3A_294, %sign3A_306 : i32
      %sign3A_308 = arith.extui %sign3A_307 : i1 to i32
      %sign3A_309 = arith.subi %sign3A_305, %sign3A_308 : i32
      %ne3A_310 = arith.cmpi ne, %sign3A_302, %sign3A_309 : i32
      %rem3A_311 = arith.remsi %add3A_255, %jit3A_294 : i32
      %ne3A_312 = arith.constant 0 : i32
      %ne3A_313 = arith.cmpi ne, %rem3A_311, %ne3A_312 : i32
      %and3A_314 = arith.andi %ne3A_310, %ne3A_313 : i1
      %sub3A_315 = arith.constant 1 : i32
      %sub3A_316 = arith.subi %div3A_295, %sub3A_315 : i32
      %select_n3A_317 = arith.select %and3A_314, %sub3A_316, %div3A_295 : i32
      %mul3A_318 = arith.constant 50 : i32
      %mul3A_319 = arith.muli %select_n3A_317, %mul3A_318 : i32
      %sub3A_320 = arith.subi %add3A_255, %mul3A_319 : i32
      %mul3A_321 = arith.constant 4 : i32
      %mul3A_322 = arith.muli %add3A, %mul3A_321 : i32
      %add3A_323 = arith.addi %mul3A_322, %select_n3A_317 : i32
      %dma_start3A_324 = arith.constant 1 : i32
      %dma_start3A_325 = arith.constant 0 : i32
      %dma_start3A_326 = arith.constant 0 : i32
      %dma_start3A_327 = arith.constant 0 : i32
      %dma_start3A_328 = tpu.memref_slice %arg7[%dma_start3A_324, %dma_start3A_325, %dma_start3A_326, %dma_start3A_327] : memref<4x4x8x129xf32, #tpu.memory_space<vmem>> -> memref<1x4x8x128xf32, #tpu.memory_space<vmem>>
      %dma_start3A_329 = tpu.memref_squeeze %dma_start3A_328 : memref<1x4x8x128xf32, #tpu.memory_space<vmem>> -> memref<4x8x128xf32, #tpu.memory_space<vmem>>
      %dma_start3A_330 = arith.constant 0 : i32
      %dma_start3A_331 = arith.constant 0 : i32
      %dma_start3A_332 = arith.constant 0 : i32
      %dma_start3A_333 = tpu.memref_slice %arg4[%sub3A_320, %dma_start3A_330, %add3A_323, %dma_start3A_331, %dma_start3A_332] : memref<50x4x128x8x128xf32, #tpu.memory_space<hbm>> -> memref<1x4x1x8x128xf32, #tpu.memory_space<hbm>>
      %dma_start3A_334 = tpu.memref_squeeze %dma_start3A_333 : memref<1x4x1x8x128xf32, #tpu.memory_space<hbm>> -> memref<4x8x128xf32, #tpu.memory_space<hbm>>
      %dma_start3A_335 = arith.constant 0 : i32
      %dma_start3A_336 = arith.constant 0 : i32
      %dma_start3A_337 = arith.constant 0 : i32
      %dma_start3A_338 = tpu.memref_slice %arg4[%sub3A_320, %dma_start3A_335, %add3A_323, %dma_start3A_336, %dma_start3A_337] : memref<50x4x128x8x128xf32, #tpu.memory_space<hbm>> -> memref<1x4x1x8x128xf32, #tpu.memory_space<hbm>>
      %dma_start3A_339 = tpu.memref_squeeze %dma_start3A_338 : memref<1x4x1x8x128xf32, #tpu.memory_space<hbm>> -> memref<4x8x128xf32, #tpu.memory_space<hbm>>
      %dma_start3A_340 = arith.constant 0 : i32
      %dma_start3A_341 = arith.constant 0 : i32
      %dma_start3A_342 = arith.constant 0 : i32
      %dma_start3A_343 = tpu.memref_slice %arg7[%dma_start3A_324, %dma_start3A_340, %dma_start3A_341, %dma_start3A_342] : memref<4x4x8x129xf32, #tpu.memory_space<vmem>> -> memref<1x4x8x128xf32, #tpu.memory_space<vmem>>
      %dma_start3A_344 = tpu.memref_squeeze %dma_start3A_343 : memref<1x4x8x128xf32, #tpu.memory_space<vmem>> -> memref<4x8x128xf32, #tpu.memory_space<vmem>>
      tpu.enqueue_dma source(%dma_start3A_344 : memref<4x8x128xf32, #tpu.memory_space<vmem>>) target(%dma_start3A_339 : memref<4x8x128xf32, #tpu.memory_space<hbm>>) target_semaphore(%arg13 : memref<!tpu.dma_semaphore, #tpu.memory_space<semaphore_mem>>)
      %add3A_345 = arith.constant 4 : i32
      %add3A_346 = arith.addi %add3A_255, %add3A_345 : i32
      %lt3A_347 = arith.constant 200 : i32
      %lt3A_348 = arith.cmpi slt, %add3A_346, %lt3A_347 : i32
      %convert_element_type3A_349 = arith.extui %lt3A_348 : i1 to i32
      %cond3A_350 = arith.constant 0 : i32
      %cond3A_351 = arith.cmpi ne, %convert_element_type3A_349, %cond3A_350 : i32
      scf.if %cond3A_351 {
        %add3A_548 = arith.constant 4 : i32
        %add3A_549 = arith.addi %add3A_255, %add3A_548 : i32
        %dma_start3A_550 = arith.constant 1 : i32
        %dma_start3A_551 = arith.constant 0 : i32
        %dma_start3A_552 = arith.constant 0 : i32
        %dma_start3A_553 = tpu.memref_slice %arg6[%dma_start3A_550, %dma_start3A_551, %dma_start3A_552] : memref<4x128x32xf32, #tpu.memory_space<vmem>> -> memref<1x128x32xf32, #tpu.memory_space<vmem>>
        %dma_start3A_554 = tpu.memref_squeeze %dma_start3A_553 : memref<1x128x32xf32, #tpu.memory_space<vmem>> -> memref<128x32xf32, #tpu.memory_space<vmem>>
        %dma_start3A_555 = arith.constant 0 : i32
        %dma_start3A_556 = tpu.memref_slice %arg5[%add3A_549, %dma_start3A_555] : memref<200x128xi32, #tpu.memory_space<vmem>> -> memref<1x128xi32, #tpu.memory_space<vmem>>
        %dma_start3A_557 = tpu.memref_squeeze %dma_start3A_556 : memref<1x128xi32, #tpu.memory_space<vmem>> -> memref<128xi32, #tpu.memory_space<vmem>>
        %dma_start3A_558 = arith.constant 0 : i32
        %dma_start3A_559 = arith.constant 0 : i32
        %dma_start3A_560 = tpu.memref_slice %arg3[%dma_start3A_558, %dma_start3A_559] : memref<1000000x32xf32, #tpu.memory_space<hbm>> -> memref<1000000x32xf32, #tpu.memory_space<hbm>>
        tpu.enqueue_indirect_dma source(%dma_start3A_560 : memref<1000000x32xf32, #tpu.memory_space<hbm>>) target(%dma_start3A_554 : memref<128x32xf32, #tpu.memory_space<vmem>>) offsets(%dma_start3A_557 : memref<128xi32, #tpu.memory_space<vmem>>) semaphore(%arg9 : memref<!tpu.dma_semaphore, #tpu.memory_space<semaphore_mem>>)
      } else {
      }
      %add3A_352 = arith.constant 2 : i32
      %add3A_353 = arith.addi %add3A_169, %add3A_352 : i32
      %dma_wait3A_354 = arith.constant 2 : i32
      %dma_wait3A_355 = arith.constant 0 : i32
      %dma_wait3A_356 = arith.constant 0 : i32
      %dma_wait3A_357 = tpu.memref_slice %arg6[%dma_wait3A_354, %dma_wait3A_355, %dma_wait3A_356] : memref<4x128x32xf32, #tpu.memory_space<vmem>> -> memref<1x128x32xf32, #tpu.memory_space<vmem>>
      %dma_wait3A_358 = tpu.memref_squeeze %dma_wait3A_357 : memref<1x128x32xf32, #tpu.memory_space<vmem>> -> memref<128x32xf32, #tpu.memory_space<vmem>>
      %dma_wait3A_359 = arith.constant 0 : i32
      %dma_wait3A_360 = tpu.memref_slice %arg5[%add3A_353, %dma_wait3A_359] : memref<200x128xi32, #tpu.memory_space<vmem>> -> memref<1x128xi32, #tpu.memory_space<vmem>>
      %dma_wait3A_361 = tpu.memref_squeeze %dma_wait3A_360 : memref<1x128xi32, #tpu.memory_space<vmem>> -> memref<128xi32, #tpu.memory_space<vmem>>
      %dma_wait3A_362 = arith.constant 0 : i32
      %dma_wait3A_363 = arith.constant 0 : i32
      %dma_wait3A_364 = tpu.memref_slice %arg3[%dma_wait3A_362, %dma_wait3A_363] : memref<1000000x32xf32, #tpu.memory_space<hbm>> -> memref<1000000x32xf32, #tpu.memory_space<hbm>>
      tpu.wait_indirect_dma semaphore(%arg10 : memref<!tpu.dma_semaphore, #tpu.memory_space<semaphore_mem>>) src(%dma_wait3A_364 : memref<1000000x32xf32, #tpu.memory_space<hbm>>) dst(%dma_wait3A_358 : memref<128x32xf32, #tpu.memory_space<vmem>>)
      %ge3A_365 = arith.constant 4 : i32
      %ge3A_366 = arith.cmpi sge, %add3A_353, %ge3A_365 : i32
      %convert_element_type3A_367 = arith.extui %ge3A_366 : i1 to i32
      %cond3A_368 = arith.constant 0 : i32
      %cond3A_369 = arith.cmpi ne, %convert_element_type3A_367, %cond3A_368 : i32
      scf.if %cond3A_369 {
        %sub3A_548 = arith.constant 4 : i32
        %sub3A_549 = arith.subi %add3A_353, %sub3A_548 : i32
        %jit3A_550 = arith.constant 50 : i32
        %div3A_551 = arith.divsi %sub3A_549, %jit3A_550 : i32
        %sign3A_552 = arith.constant 0 : i32
        %sign3A_553 = arith.cmpi sgt, %sub3A_549, %sign3A_552 : i32
        %sign3A_554 = arith.extui %sign3A_553 : i1 to i32
        %sign3A_555 = arith.constant 0 : i32
        %sign3A_556 = arith.cmpi slt, %sub3A_549, %sign3A_555 : i32
        %sign3A_557 = arith.extui %sign3A_556 : i1 to i32
        %sign3A_558 = arith.subi %sign3A_554, %sign3A_557 : i32
        %sign3A_559 = arith.constant 0 : i32
        %sign3A_560 = arith.cmpi sgt, %jit3A_550, %sign3A_559 : i32
        %sign3A_561 = arith.extui %sign3A_560 : i1 to i32
        %sign3A_562 = arith.constant 0 : i32
        %sign3A_563 = arith.cmpi slt, %jit3A_550, %sign3A_562 : i32
        %sign3A_564 = arith.extui %sign3A_563 : i1 to i32
        %sign3A_565 = arith.subi %sign3A_561, %sign3A_564 : i32
        %ne3A_566 = arith.cmpi ne, %sign3A_558, %sign3A_565 : i32
        %rem3A_567 = arith.remsi %sub3A_549, %jit3A_550 : i32
        %ne3A_568 = arith.constant 0 : i32
        %ne3A_569 = arith.cmpi ne, %rem3A_567, %ne3A_568 : i32
        %and3A_570 = arith.andi %ne3A_566, %ne3A_569 : i1
        %sub3A_571 = arith.constant 1 : i32
        %sub3A_572 = arith.subi %div3A_551, %sub3A_571 : i32
        %select_n3A_573 = arith.select %and3A_570, %sub3A_572, %div3A_551 : i32
        %mul3A_574 = arith.constant 50 : i32
        %mul3A_575 = arith.muli %select_n3A_573, %mul3A_574 : i32
        %sub3A_576 = arith.subi %sub3A_549, %mul3A_575 : i32
        %mul3A_577 = arith.constant 4 : i32
        %mul3A_578 = arith.muli %add3A, %mul3A_577 : i32
        %add3A_579 = arith.addi %mul3A_578, %select_n3A_573 : i32
        %dma_wait3A_580 = arith.constant 2 : i32
        %dma_wait3A_581 = arith.constant 0 : i32
        %dma_wait3A_582 = arith.constant 0 : i32
        %dma_wait3A_583 = arith.constant 0 : i32
        %dma_wait3A_584 = tpu.memref_slice %arg7[%dma_wait3A_580, %dma_wait3A_581, %dma_wait3A_582, %dma_wait3A_583] : memref<4x4x8x129xf32, #tpu.memory_space<vmem>> -> memref<1x4x8x128xf32, #tpu.memory_space<vmem>>
        %dma_wait3A_585 = tpu.memref_squeeze %dma_wait3A_584 : memref<1x4x8x128xf32, #tpu.memory_space<vmem>> -> memref<4x8x128xf32, #tpu.memory_space<vmem>>
        %dma_wait3A_586 = arith.constant 0 : i32
        %dma_wait3A_587 = arith.constant 0 : i32
        %dma_wait3A_588 = arith.constant 0 : i32
        %dma_wait3A_589 = tpu.memref_slice %arg4[%sub3A_576, %dma_wait3A_586, %add3A_579, %dma_wait3A_587, %dma_wait3A_588] : memref<50x4x128x8x128xf32, #tpu.memory_space<hbm>> -> memref<1x4x1x8x128xf32, #tpu.memory_space<hbm>>
        %dma_wait3A_590 = tpu.memref_squeeze %dma_wait3A_589 : memref<1x4x1x8x128xf32, #tpu.memory_space<hbm>> -> memref<4x8x128xf32, #tpu.memory_space<hbm>>
        %dma_wait3A_591 = arith.constant 0 : i32
        %dma_wait3A_592 = arith.constant 0 : i32
        %dma_wait3A_593 = arith.constant 0 : i32
        %dma_wait3A_594 = tpu.memref_slice %arg4[%sub3A_576, %dma_wait3A_591, %add3A_579, %dma_wait3A_592, %dma_wait3A_593] : memref<50x4x128x8x128xf32, #tpu.memory_space<hbm>> -> memref<1x4x1x8x128xf32, #tpu.memory_space<hbm>>
        %dma_wait3A_595 = tpu.memref_squeeze %dma_wait3A_594 : memref<1x4x1x8x128xf32, #tpu.memory_space<hbm>> -> memref<4x8x128xf32, #tpu.memory_space<hbm>>
        %dma_wait3A_596 = arith.constant 0 : i32
        %dma_wait3A_597 = arith.constant 0 : i32
        %dma_wait3A_598 = arith.constant 0 : i32
        %dma_wait3A_599 = tpu.memref_slice %arg7[%dma_wait3A_580, %dma_wait3A_596, %dma_wait3A_597, %dma_wait3A_598] : memref<4x4x8x129xf32, #tpu.memory_space<vmem>> -> memref<1x4x8x128xf32, #tpu.memory_space<vmem>>
        %dma_wait3A_600 = tpu.memref_squeeze %dma_wait3A_599 : memref<1x4x8x128xf32, #tpu.memory_space<vmem>> -> memref<4x8x128xf32, #tpu.memory_space<vmem>>
        tpu.wait_dma2 semaphore(%arg14 : memref<!tpu.dma_semaphore, #tpu.memory_space<semaphore_mem>>) src(%dma_wait3A_600 : memref<4x8x128xf32, #tpu.memory_space<vmem>>) dst(%dma_wait3A_595 : memref<4x8x128xf32, #tpu.memory_space<hbm>>)
      } else {
      }
      %iota3A_370 = tpu.iota {dimensions = array<i32: 0>} : vector<16xi32>
      %add3A_371 = arith.constant 16 : i32
      %add3A_372 = vector.broadcast %add3A_371 : i32 to vector<16xi32>
      %add3A_373 = arith.addi %iota3A_370, %add3A_372 : vector<16xi32>
      %shift_right_arithmetic3A_374 = arith.constant 3 : i32
      %shift_right_arithmetic3A_375 = vector.broadcast %shift_right_arithmetic3A_374 : i32 to vector<16xi32>
      %shift_right_arithmetic3A_376 = arith.shrsi %iota3A_370, %shift_right_arithmetic3A_375 : vector<16xi32>
      %shift_right_arithmetic3A_377 = arith.constant 3 : i32
      %shift_right_arithmetic3A_378 = vector.broadcast %shift_right_arithmetic3A_377 : i32 to vector<16xi32>
      %shift_right_arithmetic3A_379 = arith.shrsi %add3A_373, %shift_right_arithmetic3A_378 : vector<16xi32>
      %and3A_380 = arith.constant 7 : i32
      %and3A_381 = vector.broadcast %and3A_380 : i32 to vector<16xi32>
      %and3A_382 = arith.andi %iota3A_370, %and3A_381 : vector<16xi32>
      %and3A_383 = arith.constant 7 : i32
      %and3A_384 = vector.broadcast %and3A_383 : i32 to vector<16xi32>
      %and3A_385 = arith.andi %add3A_373, %and3A_384 : vector<16xi32>
      %scan3A_386 = arith.constant 0 : i32
      %scan3A_387 = arith.constant 0 : i32
      %scan3A_388 = arith.constant 128 : i32
      %scan3A_389 = arith.addi %scan3A_387, %scan3A_388 : i32
      %scan3A_390 = arith.constant 8 : i32
      scf.for %scan3A_548 = %scan3A_387 to %scan3A_389 step %scan3A_390  : i32 {
        %broadcast_in_dim3A = vector.broadcast %scan3A_548 : i32 to vector<16xi32>
        %get3A = arith.constant 2 : i32
        %get3A_549 = arith.index_cast %get3A : i32 to index
        %get3A_550 = arith.index_cast %scan3A_548 : i32 to index
        %get3A_551 = arith.constant 0 : index
        %get3A_552 = tpu.vector_load %arg6[%get3A_549, %get3A_550, %get3A_551] {strides = array<i32>} : memref<4x128x32xf32, #tpu.memory_space<vmem>>, vector<16xf32>,
        %mul3A_553 = arith.constant 5.65685415 : f32
        %mul3A_554 = vector.broadcast %mul3A_553 : f32 to vector<16xf32>
        %mul3A_555 = arith.mulf %get3A_552, %mul3A_554 : vector<16xf32>
        %scatter3A = arith.constant 2 : i32
        %scatter3A_556 = arith.constant 0 : i32
        %scatter3A_557 = arith.constant 0 : i32
        %scatter3A_558 = arith.constant 0 : i32
        %scatter3A_559 = tpu.memref_slice %arg7[%scatter3A, %scatter3A_556, %scatter3A_557, %scatter3A_558] : memref<4x4x8x129xf32, #tpu.memory_space<vmem>> -> memref<1x4x8x129xf32, #tpu.memory_space<vmem>>
        %scatter3A_560 = tpu.memref_squeeze %scatter3A_559 : memref<1x4x8x129xf32, #tpu.memory_space<vmem>> -> memref<4x8x129xf32, #tpu.memory_space<vmem>>
        tpu.vector_store_idx %scatter3A_560[%shift_right_arithmetic3A_376, %and3A_382, %broadcast_in_dim3A], %mul3A_555 : memref<4x8x129xf32, #tpu.memory_space<vmem>>[vector<16xi32>, vector<16xi32>, vector<16xi32>], vector<16xf32>,
        %get3A_561 = arith.constant 2 : i32
        %get3A_562 = arith.index_cast %get3A_561 : i32 to index
        %get3A_563 = arith.index_cast %scan3A_548 : i32 to index
        %get3A_564 = arith.constant 16 : index
        %get3A_565 = tpu.vector_load %arg6[%get3A_562, %get3A_563, %get3A_564] {strides = array<i32>} : memref<4x128x32xf32, #tpu.memory_space<vmem>>, vector<16xf32>,
        %mul3A_566 = arith.constant 5.65685415 : f32
        %mul3A_567 = vector.broadcast %mul3A_566 : f32 to vector<16xf32>
        %mul3A_568 = arith.mulf %get3A_565, %mul3A_567 : vector<16xf32>
        %scatter3A_569 = arith.constant 2 : i32
        %scatter3A_570 = arith.constant 0 : i32
        %scatter3A_571 = arith.constant 0 : i32
        %scatter3A_572 = arith.constant 0 : i32
        %scatter3A_573 = tpu.memref_slice %arg7[%scatter3A_569, %scatter3A_570, %scatter3A_571, %scatter3A_572] : memref<4x4x8x129xf32, #tpu.memory_space<vmem>> -> memref<1x4x8x129xf32, #tpu.memory_space<vmem>>
        %scatter3A_574 = tpu.memref_squeeze %scatter3A_573 : memref<1x4x8x129xf32, #tpu.memory_space<vmem>> -> memref<4x8x129xf32, #tpu.memory_space<vmem>>
        tpu.vector_store_idx %scatter3A_574[%shift_right_arithmetic3A_379, %and3A_385, %broadcast_in_dim3A], %mul3A_568 : memref<4x8x129xf32, #tpu.memory_space<vmem>>[vector<16xi32>, vector<16xi32>, vector<16xi32>], vector<16xf32>,
        %scan3A_575 = arith.constant 1 : i32
        %scan3A_576 = arith.addi %scan3A_548, %scan3A_575 : i32
        %broadcast_in_dim3A_577 = vector.broadcast %scan3A_576 : i32 to vector<16xi32>
        %get3A_578 = arith.constant 2 : i32
        %get3A_579 = arith.index_cast %get3A_578 : i32 to index
        %get3A_580 = arith.index_cast %scan3A_576 : i32 to index
        %get3A_581 = arith.constant 0 : index
        %get3A_582 = tpu.vector_load %arg6[%get3A_579, %get3A_580, %get3A_581] {strides = array<i32>} : memref<4x128x32xf32, #tpu.memory_space<vmem>>, vector<16xf32>,
        %mul3A_583 = arith.constant 5.65685415 : f32
        %mul3A_584 = vector.broadcast %mul3A_583 : f32 to vector<16xf32>
        %mul3A_585 = arith.mulf %get3A_582, %mul3A_584 : vector<16xf32>
        %scatter3A_586 = arith.constant 2 : i32
        %scatter3A_587 = arith.constant 0 : i32
        %scatter3A_588 = arith.constant 0 : i32
        %scatter3A_589 = arith.constant 0 : i32
        %scatter3A_590 = tpu.memref_slice %arg7[%scatter3A_586, %scatter3A_587, %scatter3A_588, %scatter3A_589] : memref<4x4x8x129xf32, #tpu.memory_space<vmem>> -> memref<1x4x8x129xf32, #tpu.memory_space<vmem>>
        %scatter3A_591 = tpu.memref_squeeze %scatter3A_590 : memref<1x4x8x129xf32, #tpu.memory_space<vmem>> -> memref<4x8x129xf32, #tpu.memory_space<vmem>>
        tpu.vector_store_idx %scatter3A_591[%shift_right_arithmetic3A_376, %and3A_382, %broadcast_in_dim3A_577], %mul3A_585 : memref<4x8x129xf32, #tpu.memory_space<vmem>>[vector<16xi32>, vector<16xi32>, vector<16xi32>], vector<16xf32>,
        %get3A_592 = arith.constant 2 : i32
        %get3A_593 = arith.index_cast %get3A_592 : i32 to index
        %get3A_594 = arith.index_cast %scan3A_576 : i32 to index
        %get3A_595 = arith.constant 16 : index
        %get3A_596 = tpu.vector_load %arg6[%get3A_593, %get3A_594, %get3A_595] {strides = array<i32>} : memref<4x128x32xf32, #tpu.memory_space<vmem>>, vector<16xf32>,
        %mul3A_597 = arith.constant 5.65685415 : f32
        %mul3A_598 = vector.broadcast %mul3A_597 : f32 to vector<16xf32>
        %mul3A_599 = arith.mulf %get3A_596, %mul3A_598 : vector<16xf32>
        %scatter3A_600 = arith.constant 2 : i32
        %scatter3A_601 = arith.constant 0 : i32
        %scatter3A_602 = arith.constant 0 : i32
        %scatter3A_603 = arith.constant 0 : i32
        %scatter3A_604 = tpu.memref_slice %arg7[%scatter3A_600, %scatter3A_601, %scatter3A_602, %scatter3A_603] : memref<4x4x8x129xf32, #tpu.memory_space<vmem>> -> memref<1x4x8x129xf32, #tpu.memory_space<vmem>>
        %scatter3A_605 = tpu.memref_squeeze %scatter3A_604 : memref<1x4x8x129xf32, #tpu.memory_space<vmem>> -> memref<4x8x129xf32, #tpu.memory_space<vmem>>
        tpu.vector_store_idx %scatter3A_605[%shift_right_arithmetic3A_379, %and3A_385, %broadcast_in_dim3A_577], %mul3A_599 : memref<4x8x129xf32, #tpu.memory_space<vmem>>[vector<16xi32>, vector<16xi32>, vector<16xi32>], vector<16xf32>,
        %scan3A_606 = arith.constant 2 : i32
        %scan3A_607 = arith.addi %scan3A_548, %scan3A_606 : i32
        %broadcast_in_dim3A_608 = vector.broadcast %scan3A_607 : i32 to vector<16xi32>
        %get3A_609 = arith.constant 2 : i32
        %get3A_610 = arith.index_cast %get3A_609 : i32 to index
        %get3A_611 = arith.index_cast %scan3A_607 : i32 to index
        %get3A_612 = arith.constant 0 : index
        %get3A_613 = tpu.vector_load %arg6[%get3A_610, %get3A_611, %get3A_612] {strides = array<i32>} : memref<4x128x32xf32, #tpu.memory_space<vmem>>, vector<16xf32>,
        %mul3A_614 = arith.constant 5.65685415 : f32
        %mul3A_615 = vector.broadcast %mul3A_614 : f32 to vector<16xf32>
        %mul3A_616 = arith.mulf %get3A_613, %mul3A_615 : vector<16xf32>
        %scatter3A_617 = arith.constant 2 : i32
        %scatter3A_618 = arith.constant 0 : i32
        %scatter3A_619 = arith.constant 0 : i32
        %scatter3A_620 = arith.constant 0 : i32
        %scatter3A_621 = tpu.memref_slice %arg7[%scatter3A_617, %scatter3A_618, %scatter3A_619, %scatter3A_620] : memref<4x4x8x129xf32, #tpu.memory_space<vmem>> -> memref<1x4x8x129xf32, #tpu.memory_space<vmem>>
        %scatter3A_622 = tpu.memref_squeeze %scatter3A_621 : memref<1x4x8x129xf32, #tpu.memory_space<vmem>> -> memref<4x8x129xf32, #tpu.memory_space<vmem>>
        tpu.vector_store_idx %scatter3A_622[%shift_right_arithmetic3A_376, %and3A_382, %broadcast_in_dim3A_608], %mul3A_616 : memref<4x8x129xf32, #tpu.memory_space<vmem>>[vector<16xi32>, vector<16xi32>, vector<16xi32>], vector<16xf32>,
        %get3A_623 = arith.constant 2 : i32
        %get3A_624 = arith.index_cast %get3A_623 : i32 to index
        %get3A_625 = arith.index_cast %scan3A_607 : i32 to index
        %get3A_626 = arith.constant 16 : index
        %get3A_627 = tpu.vector_load %arg6[%get3A_624, %get3A_625, %get3A_626] {strides = array<i32>} : memref<4x128x32xf32, #tpu.memory_space<vmem>>, vector<16xf32>,
        %mul3A_628 = arith.constant 5.65685415 : f32
        %mul3A_629 = vector.broadcast %mul3A_628 : f32 to vector<16xf32>
        %mul3A_630 = arith.mulf %get3A_627, %mul3A_629 : vector<16xf32>
        %scatter3A_631 = arith.constant 2 : i32
        %scatter3A_632 = arith.constant 0 : i32
        %scatter3A_633 = arith.constant 0 : i32
        %scatter3A_634 = arith.constant 0 : i32
        %scatter3A_635 = tpu.memref_slice %arg7[%scatter3A_631, %scatter3A_632, %scatter3A_633, %scatter3A_634] : memref<4x4x8x129xf32, #tpu.memory_space<vmem>> -> memref<1x4x8x129xf32, #tpu.memory_space<vmem>>
        %scatter3A_636 = tpu.memref_squeeze %scatter3A_635 : memref<1x4x8x129xf32, #tpu.memory_space<vmem>> -> memref<4x8x129xf32, #tpu.memory_space<vmem>>
        tpu.vector_store_idx %scatter3A_636[%shift_right_arithmetic3A_379, %and3A_385, %broadcast_in_dim3A_608], %mul3A_630 : memref<4x8x129xf32, #tpu.memory_space<vmem>>[vector<16xi32>, vector<16xi32>, vector<16xi32>], vector<16xf32>,
        %scan3A_637 = arith.constant 3 : i32
        %scan3A_638 = arith.addi %scan3A_548, %scan3A_637 : i32
        %broadcast_in_dim3A_639 = vector.broadcast %scan3A_638 : i32 to vector<16xi32>
        %get3A_640 = arith.constant 2 : i32
        %get3A_641 = arith.index_cast %get3A_640 : i32 to index
        %get3A_642 = arith.index_cast %scan3A_638 : i32 to index
        %get3A_643 = arith.constant 0 : index
        %get3A_644 = tpu.vector_load %arg6[%get3A_641, %get3A_642, %get3A_643] {strides = array<i32>} : memref<4x128x32xf32, #tpu.memory_space<vmem>>, vector<16xf32>,
        %mul3A_645 = arith.constant 5.65685415 : f32
        %mul3A_646 = vector.broadcast %mul3A_645 : f32 to vector<16xf32>
        %mul3A_647 = arith.mulf %get3A_644, %mul3A_646 : vector<16xf32>
        %scatter3A_648 = arith.constant 2 : i32
        %scatter3A_649 = arith.constant 0 : i32
        %scatter3A_650 = arith.constant 0 : i32
        %scatter3A_651 = arith.constant 0 : i32
        %scatter3A_652 = tpu.memref_slice %arg7[%scatter3A_648, %scatter3A_649, %scatter3A_650, %scatter3A_651] : memref<4x4x8x129xf32, #tpu.memory_space<vmem>> -> memref<1x4x8x129xf32, #tpu.memory_space<vmem>>
        %scatter3A_653 = tpu.memref_squeeze %scatter3A_652 : memref<1x4x8x129xf32, #tpu.memory_space<vmem>> -> memref<4x8x129xf32, #tpu.memory_space<vmem>>
        tpu.vector_store_idx %scatter3A_653[%shift_right_arithmetic3A_376, %and3A_382, %broadcast_in_dim3A_639], %mul3A_647 : memref<4x8x129xf32, #tpu.memory_space<vmem>>[vector<16xi32>, vector<16xi32>, vector<16xi32>], vector<16xf32>,
        %get3A_654 = arith.constant 2 : i32
        %get3A_655 = arith.index_cast %get3A_654 : i32 to index
        %get3A_656 = arith.index_cast %scan3A_638 : i32 to index
        %get3A_657 = arith.constant 16 : index
        %get3A_658 = tpu.vector_load %arg6[%get3A_655, %get3A_656, %get3A_657] {strides = array<i32>} : memref<4x128x32xf32, #tpu.memory_space<vmem>>, vector<16xf32>,
        %mul3A_659 = arith.constant 5.65685415 : f32
        %mul3A_660 = vector.broadcast %mul3A_659 : f32 to vector<16xf32>
        %mul3A_661 = arith.mulf %get3A_658, %mul3A_660 : vector<16xf32>
        %scatter3A_662 = arith.constant 2 : i32
        %scatter3A_663 = arith.constant 0 : i32
        %scatter3A_664 = arith.constant 0 : i32
        %scatter3A_665 = arith.constant 0 : i32
        %scatter3A_666 = tpu.memref_slice %arg7[%scatter3A_662, %scatter3A_663, %scatter3A_664, %scatter3A_665] : memref<4x4x8x129xf32, #tpu.memory_space<vmem>> -> memref<1x4x8x129xf32, #tpu.memory_space<vmem>>
        %scatter3A_667 = tpu.memref_squeeze %scatter3A_666 : memref<1x4x8x129xf32, #tpu.memory_space<vmem>> -> memref<4x8x129xf32, #tpu.memory_space<vmem>>
        tpu.vector_store_idx %scatter3A_667[%shift_right_arithmetic3A_379, %and3A_385, %broadcast_in_dim3A_639], %mul3A_661 : memref<4x8x129xf32, #tpu.memory_space<vmem>>[vector<16xi32>, vector<16xi32>, vector<16xi32>], vector<16xf32>,
        %scan3A_668 = arith.constant 4 : i32
        %scan3A_669 = arith.addi %scan3A_548, %scan3A_668 : i32
        %broadcast_in_dim3A_670 = vector.broadcast %scan3A_669 : i32 to vector<16xi32>
        %get3A_671 = arith.constant 2 : i32
        %get3A_672 = arith.index_cast %get3A_671 : i32 to index
        %get3A_673 = arith.index_cast %scan3A_669 : i32 to index
        %get3A_674 = arith.constant 0 : index
        %get3A_675 = tpu.vector_load %arg6[%get3A_672, %get3A_673, %get3A_674] {strides = array<i32>} : memref<4x128x32xf32, #tpu.memory_space<vmem>>, vector<16xf32>,
        %mul3A_676 = arith.constant 5.65685415 : f32
        %mul3A_677 = vector.broadcast %mul3A_676 : f32 to vector<16xf32>
        %mul3A_678 = arith.mulf %get3A_675, %mul3A_677 : vector<16xf32>
        %scatter3A_679 = arith.constant 2 : i32
        %scatter3A_680 = arith.constant 0 : i32
        %scatter3A_681 = arith.constant 0 : i32
        %scatter3A_682 = arith.constant 0 : i32
        %scatter3A_683 = tpu.memref_slice %arg7[%scatter3A_679, %scatter3A_680, %scatter3A_681, %scatter3A_682] : memref<4x4x8x129xf32, #tpu.memory_space<vmem>> -> memref<1x4x8x129xf32, #tpu.memory_space<vmem>>
        %scatter3A_684 = tpu.memref_squeeze %scatter3A_683 : memref<1x4x8x129xf32, #tpu.memory_space<vmem>> -> memref<4x8x129xf32, #tpu.memory_space<vmem>>
        tpu.vector_store_idx %scatter3A_684[%shift_right_arithmetic3A_376, %and3A_382, %broadcast_in_dim3A_670], %mul3A_678 : memref<4x8x129xf32, #tpu.memory_space<vmem>>[vector<16xi32>, vector<16xi32>, vector<16xi32>], vector<16xf32>,
        %get3A_685 = arith.constant 2 : i32
        %get3A_686 = arith.index_cast %get3A_685 : i32 to index
        %get3A_687 = arith.index_cast %scan3A_669 : i32 to index
        %get3A_688 = arith.constant 16 : index
        %get3A_689 = tpu.vector_load %arg6[%get3A_686, %get3A_687, %get3A_688] {strides = array<i32>} : memref<4x128x32xf32, #tpu.memory_space<vmem>>, vector<16xf32>,
        %mul3A_690 = arith.constant 5.65685415 : f32
        %mul3A_691 = vector.broadcast %mul3A_690 : f32 to vector<16xf32>
        %mul3A_692 = arith.mulf %get3A_689, %mul3A_691 : vector<16xf32>
        %scatter3A_693 = arith.constant 2 : i32
        %scatter3A_694 = arith.constant 0 : i32
        %scatter3A_695 = arith.constant 0 : i32
        %scatter3A_696 = arith.constant 0 : i32
        %scatter3A_697 = tpu.memref_slice %arg7[%scatter3A_693, %scatter3A_694, %scatter3A_695, %scatter3A_696] : memref<4x4x8x129xf32, #tpu.memory_space<vmem>> -> memref<1x4x8x129xf32, #tpu.memory_space<vmem>>
        %scatter3A_698 = tpu.memref_squeeze %scatter3A_697 : memref<1x4x8x129xf32, #tpu.memory_space<vmem>> -> memref<4x8x129xf32, #tpu.memory_space<vmem>>
        tpu.vector_store_idx %scatter3A_698[%shift_right_arithmetic3A_379, %and3A_385, %broadcast_in_dim3A_670], %mul3A_692 : memref<4x8x129xf32, #tpu.memory_space<vmem>>[vector<16xi32>, vector<16xi32>, vector<16xi32>], vector<16xf32>,
        %scan3A_699 = arith.constant 5 : i32
        %scan3A_700 = arith.addi %scan3A_548, %scan3A_699 : i32
        %broadcast_in_dim3A_701 = vector.broadcast %scan3A_700 : i32 to vector<16xi32>
        %get3A_702 = arith.constant 2 : i32
        %get3A_703 = arith.index_cast %get3A_702 : i32 to index
        %get3A_704 = arith.index_cast %scan3A_700 : i32 to index
        %get3A_705 = arith.constant 0 : index
        %get3A_706 = tpu.vector_load %arg6[%get3A_703, %get3A_704, %get3A_705] {strides = array<i32>} : memref<4x128x32xf32, #tpu.memory_space<vmem>>, vector<16xf32>,
        %mul3A_707 = arith.constant 5.65685415 : f32
        %mul3A_708 = vector.broadcast %mul3A_707 : f32 to vector<16xf32>
        %mul3A_709 = arith.mulf %get3A_706, %mul3A_708 : vector<16xf32>
        %scatter3A_710 = arith.constant 2 : i32
        %scatter3A_711 = arith.constant 0 : i32
        %scatter3A_712 = arith.constant 0 : i32
        %scatter3A_713 = arith.constant 0 : i32
        %scatter3A_714 = tpu.memref_slice %arg7[%scatter3A_710, %scatter3A_711, %scatter3A_712, %scatter3A_713] : memref<4x4x8x129xf32, #tpu.memory_space<vmem>> -> memref<1x4x8x129xf32, #tpu.memory_space<vmem>>
        %scatter3A_715 = tpu.memref_squeeze %scatter3A_714 : memref<1x4x8x129xf32, #tpu.memory_space<vmem>> -> memref<4x8x129xf32, #tpu.memory_space<vmem>>
        tpu.vector_store_idx %scatter3A_715[%shift_right_arithmetic3A_376, %and3A_382, %broadcast_in_dim3A_701], %mul3A_709 : memref<4x8x129xf32, #tpu.memory_space<vmem>>[vector<16xi32>, vector<16xi32>, vector<16xi32>], vector<16xf32>,
        %get3A_716 = arith.constant 2 : i32
        %get3A_717 = arith.index_cast %get3A_716 : i32 to index
        %get3A_718 = arith.index_cast %scan3A_700 : i32 to index
        %get3A_719 = arith.constant 16 : index
        %get3A_720 = tpu.vector_load %arg6[%get3A_717, %get3A_718, %get3A_719] {strides = array<i32>} : memref<4x128x32xf32, #tpu.memory_space<vmem>>, vector<16xf32>,
        %mul3A_721 = arith.constant 5.65685415 : f32
        %mul3A_722 = vector.broadcast %mul3A_721 : f32 to vector<16xf32>
        %mul3A_723 = arith.mulf %get3A_720, %mul3A_722 : vector<16xf32>
        %scatter3A_724 = arith.constant 2 : i32
        %scatter3A_725 = arith.constant 0 : i32
        %scatter3A_726 = arith.constant 0 : i32
        %scatter3A_727 = arith.constant 0 : i32
        %scatter3A_728 = tpu.memref_slice %arg7[%scatter3A_724, %scatter3A_725, %scatter3A_726, %scatter3A_727] : memref<4x4x8x129xf32, #tpu.memory_space<vmem>> -> memref<1x4x8x129xf32, #tpu.memory_space<vmem>>
        %scatter3A_729 = tpu.memref_squeeze %scatter3A_728 : memref<1x4x8x129xf32, #tpu.memory_space<vmem>> -> memref<4x8x129xf32, #tpu.memory_space<vmem>>
        tpu.vector_store_idx %scatter3A_729[%shift_right_arithmetic3A_379, %and3A_385, %broadcast_in_dim3A_701], %mul3A_723 : memref<4x8x129xf32, #tpu.memory_space<vmem>>[vector<16xi32>, vector<16xi32>, vector<16xi32>], vector<16xf32>,
        %scan3A_730 = arith.constant 6 : i32
        %scan3A_731 = arith.addi %scan3A_548, %scan3A_730 : i32
        %broadcast_in_dim3A_732 = vector.broadcast %scan3A_731 : i32 to vector<16xi32>
        %get3A_733 = arith.constant 2 : i32
        %get3A_734 = arith.index_cast %get3A_733 : i32 to index
        %get3A_735 = arith.index_cast %scan3A_731 : i32 to index
        %get3A_736 = arith.constant 0 : index
        %get3A_737 = tpu.vector_load %arg6[%get3A_734, %get3A_735, %get3A_736] {strides = array<i32>} : memref<4x128x32xf32, #tpu.memory_space<vmem>>, vector<16xf32>,
        %mul3A_738 = arith.constant 5.65685415 : f32
        %mul3A_739 = vector.broadcast %mul3A_738 : f32 to vector<16xf32>
        %mul3A_740 = arith.mulf %get3A_737, %mul3A_739 : vector<16xf32>
        %scatter3A_741 = arith.constant 2 : i32
        %scatter3A_742 = arith.constant 0 : i32
        %scatter3A_743 = arith.constant 0 : i32
        %scatter3A_744 = arith.constant 0 : i32
        %scatter3A_745 = tpu.memref_slice %arg7[%scatter3A_741, %scatter3A_742, %scatter3A_743, %scatter3A_744] : memref<4x4x8x129xf32, #tpu.memory_space<vmem>> -> memref<1x4x8x129xf32, #tpu.memory_space<vmem>>
        %scatter3A_746 = tpu.memref_squeeze %scatter3A_745 : memref<1x4x8x129xf32, #tpu.memory_space<vmem>> -> memref<4x8x129xf32, #tpu.memory_space<vmem>>
        tpu.vector_store_idx %scatter3A_746[%shift_right_arithmetic3A_376, %and3A_382, %broadcast_in_dim3A_732], %mul3A_740 : memref<4x8x129xf32, #tpu.memory_space<vmem>>[vector<16xi32>, vector<16xi32>, vector<16xi32>], vector<16xf32>,
        %get3A_747 = arith.constant 2 : i32
        %get3A_748 = arith.index_cast %get3A_747 : i32 to index
        %get3A_749 = arith.index_cast %scan3A_731 : i32 to index
        %get3A_750 = arith.constant 16 : index
        %get3A_751 = tpu.vector_load %arg6[%get3A_748, %get3A_749, %get3A_750] {strides = array<i32>} : memref<4x128x32xf32, #tpu.memory_space<vmem>>, vector<16xf32>,
        %mul3A_752 = arith.constant 5.65685415 : f32
        %mul3A_753 = vector.broadcast %mul3A_752 : f32 to vector<16xf32>
        %mul3A_754 = arith.mulf %get3A_751, %mul3A_753 : vector<16xf32>
        %scatter3A_755 = arith.constant 2 : i32
        %scatter3A_756 = arith.constant 0 : i32
        %scatter3A_757 = arith.constant 0 : i32
        %scatter3A_758 = arith.constant 0 : i32
        %scatter3A_759 = tpu.memref_slice %arg7[%scatter3A_755, %scatter3A_756, %scatter3A_757, %scatter3A_758] : memref<4x4x8x129xf32, #tpu.memory_space<vmem>> -> memref<1x4x8x129xf32, #tpu.memory_space<vmem>>
        %scatter3A_760 = tpu.memref_squeeze %scatter3A_759 : memref<1x4x8x129xf32, #tpu.memory_space<vmem>> -> memref<4x8x129xf32, #tpu.memory_space<vmem>>
        tpu.vector_store_idx %scatter3A_760[%shift_right_arithmetic3A_379, %and3A_385, %broadcast_in_dim3A_732], %mul3A_754 : memref<4x8x129xf32, #tpu.memory_space<vmem>>[vector<16xi32>, vector<16xi32>, vector<16xi32>], vector<16xf32>,
        %scan3A_761 = arith.constant 7 : i32
        %scan3A_762 = arith.addi %scan3A_548, %scan3A_761 : i32
        %broadcast_in_dim3A_763 = vector.broadcast %scan3A_762 : i32 to vector<16xi32>
        %get3A_764 = arith.constant 2 : i32
        %get3A_765 = arith.index_cast %get3A_764 : i32 to index
        %get3A_766 = arith.index_cast %scan3A_762 : i32 to index
        %get3A_767 = arith.constant 0 : index
        %get3A_768 = tpu.vector_load %arg6[%get3A_765, %get3A_766, %get3A_767] {strides = array<i32>} : memref<4x128x32xf32, #tpu.memory_space<vmem>>, vector<16xf32>,
        %mul3A_769 = arith.constant 5.65685415 : f32
        %mul3A_770 = vector.broadcast %mul3A_769 : f32 to vector<16xf32>
        %mul3A_771 = arith.mulf %get3A_768, %mul3A_770 : vector<16xf32>
        %scatter3A_772 = arith.constant 2 : i32
        %scatter3A_773 = arith.constant 0 : i32
        %scatter3A_774 = arith.constant 0 : i32
        %scatter3A_775 = arith.constant 0 : i32
        %scatter3A_776 = tpu.memref_slice %arg7[%scatter3A_772, %scatter3A_773, %scatter3A_774, %scatter3A_775] : memref<4x4x8x129xf32, #tpu.memory_space<vmem>> -> memref<1x4x8x129xf32, #tpu.memory_space<vmem>>
        %scatter3A_777 = tpu.memref_squeeze %scatter3A_776 : memref<1x4x8x129xf32, #tpu.memory_space<vmem>> -> memref<4x8x129xf32, #tpu.memory_space<vmem>>
        tpu.vector_store_idx %scatter3A_777[%shift_right_arithmetic3A_376, %and3A_382, %broadcast_in_dim3A_763], %mul3A_771 : memref<4x8x129xf32, #tpu.memory_space<vmem>>[vector<16xi32>, vector<16xi32>, vector<16xi32>], vector<16xf32>,
        %get3A_778 = arith.constant 2 : i32
        %get3A_779 = arith.index_cast %get3A_778 : i32 to index
        %get3A_780 = arith.index_cast %scan3A_762 : i32 to index
        %get3A_781 = arith.constant 16 : index
        %get3A_782 = tpu.vector_load %arg6[%get3A_779, %get3A_780, %get3A_781] {strides = array<i32>} : memref<4x128x32xf32, #tpu.memory_space<vmem>>, vector<16xf32>,
        %mul3A_783 = arith.constant 5.65685415 : f32
        %mul3A_784 = vector.broadcast %mul3A_783 : f32 to vector<16xf32>
        %mul3A_785 = arith.mulf %get3A_782, %mul3A_784 : vector<16xf32>
        %scatter3A_786 = arith.constant 2 : i32
        %scatter3A_787 = arith.constant 0 : i32
        %scatter3A_788 = arith.constant 0 : i32
        %scatter3A_789 = arith.constant 0 : i32
        %scatter3A_790 = tpu.memref_slice %arg7[%scatter3A_786, %scatter3A_787, %scatter3A_788, %scatter3A_789] : memref<4x4x8x129xf32, #tpu.memory_space<vmem>> -> memref<1x4x8x129xf32, #tpu.memory_space<vmem>>
        %scatter3A_791 = tpu.memref_squeeze %scatter3A_790 : memref<1x4x8x129xf32, #tpu.memory_space<vmem>> -> memref<4x8x129xf32, #tpu.memory_space<vmem>>
        tpu.vector_store_idx %scatter3A_791[%shift_right_arithmetic3A_379, %and3A_385, %broadcast_in_dim3A_763], %mul3A_785 : memref<4x8x129xf32, #tpu.memory_space<vmem>>[vector<16xi32>, vector<16xi32>, vector<16xi32>], vector<16xf32>,
      }
      %scan3A_391 = arith.constant 128 : i32
      %jit3A_392 = arith.constant 50 : i32
      %div3A_393 = arith.divsi %add3A_353, %jit3A_392 : i32
      %sign3A_394 = arith.constant 0 : i32
      %sign3A_395 = arith.cmpi sgt, %add3A_353, %sign3A_394 : i32
      %sign3A_396 = arith.extui %sign3A_395 : i1 to i32
      %sign3A_397 = arith.constant 0 : i32
      %sign3A_398 = arith.cmpi slt, %add3A_353, %sign3A_397 : i32
      %sign3A_399 = arith.extui %sign3A_398 : i1 to i32
      %sign3A_400 = arith.subi %sign3A_396, %sign3A_399 : i32
      %sign3A_401 = arith.constant 0 : i32
      %sign3A_402 = arith.cmpi sgt, %jit3A_392, %sign3A_401 : i32
      %sign3A_403 = arith.extui %sign3A_402 : i1 to i32
      %sign3A_404 = arith.constant 0 : i32
      %sign3A_405 = arith.cmpi slt, %jit3A_392, %sign3A_404 : i32
      %sign3A_406 = arith.extui %sign3A_405 : i1 to i32
      %sign3A_407 = arith.subi %sign3A_403, %sign3A_406 : i32
      %ne3A_408 = arith.cmpi ne, %sign3A_400, %sign3A_407 : i32
      %rem3A_409 = arith.remsi %add3A_353, %jit3A_392 : i32
      %ne3A_410 = arith.constant 0 : i32
      %ne3A_411 = arith.cmpi ne, %rem3A_409, %ne3A_410 : i32
      %and3A_412 = arith.andi %ne3A_408, %ne3A_411 : i1
      %sub3A_413 = arith.constant 1 : i32
      %sub3A_414 = arith.subi %div3A_393, %sub3A_413 : i32
      %select_n3A_415 = arith.select %and3A_412, %sub3A_414, %div3A_393 : i32
      %mul3A_416 = arith.constant 50 : i32
      %mul3A_417 = arith.muli %select_n3A_415, %mul3A_416 : i32
      %sub3A_418 = arith.subi %add3A_353, %mul3A_417 : i32
      %mul3A_419 = arith.constant 4 : i32
      %mul3A_420 = arith.muli %add3A, %mul3A_419 : i32
      %add3A_421 = arith.addi %mul3A_420, %select_n3A_415 : i32
      %dma_start3A_422 = arith.constant 2 : i32
      %dma_start3A_423 = arith.constant 0 : i32
      %dma_start3A_424 = arith.constant 0 : i32
      %dma_start3A_425 = arith.constant 0 : i32
      %dma_start3A_426 = tpu.memref_slice %arg7[%dma_start3A_422, %dma_start3A_423, %dma_start3A_424, %dma_start3A_425] : memref<4x4x8x129xf32, #tpu.memory_space<vmem>> -> memref<1x4x8x128xf32, #tpu.memory_space<vmem>>
      %dma_start3A_427 = tpu.memref_squeeze %dma_start3A_426 : memref<1x4x8x128xf32, #tpu.memory_space<vmem>> -> memref<4x8x128xf32, #tpu.memory_space<vmem>>
      %dma_start3A_428 = arith.constant 0 : i32
      %dma_start3A_429 = arith.constant 0 : i32
      %dma_start3A_430 = arith.constant 0 : i32
      %dma_start3A_431 = tpu.memref_slice %arg4[%sub3A_418, %dma_start3A_428, %add3A_421, %dma_start3A_429, %dma_start3A_430] : memref<50x4x128x8x128xf32, #tpu.memory_space<hbm>> -> memref<1x4x1x8x128xf32, #tpu.memory_space<hbm>>
      %dma_start3A_432 = tpu.memref_squeeze %dma_start3A_431 : memref<1x4x1x8x128xf32, #tpu.memory_space<hbm>> -> memref<4x8x128xf32, #tpu.memory_space<hbm>>
      %dma_start3A_433 = arith.constant 0 : i32
      %dma_start3A_434 = arith.constant 0 : i32
      %dma_start3A_435 = arith.constant 0 : i32
      %dma_start3A_436 = tpu.memref_slice %arg4[%sub3A_418, %dma_start3A_433, %add3A_421, %dma_start3A_434, %dma_start3A_435] : memref<50x4x128x8x128xf32, #tpu.memory_space<hbm>> -> memref<1x4x1x8x128xf32, #tpu.memory_space<hbm>>
      %dma_start3A_437 = tpu.memref_squeeze %dma_start3A_436 : memref<1x4x1x8x128xf32, #tpu.memory_space<hbm>> -> memref<4x8x128xf32, #tpu.memory_space<hbm>>
      %dma_start3A_438 = arith.constant 0 : i32
      %dma_start3A_439 = arith.constant 0 : i32
      %dma_start3A_440 = arith.constant 0 : i32
      %dma_start3A_441 = tpu.memref_slice %arg7[%dma_start3A_422, %dma_start3A_438, %dma_start3A_439, %dma_start3A_440] : memref<4x4x8x129xf32, #tpu.memory_space<vmem>> -> memref<1x4x8x128xf32, #tpu.memory_space<vmem>>
      %dma_start3A_442 = tpu.memref_squeeze %dma_start3A_441 : memref<1x4x8x128xf32, #tpu.memory_space<vmem>> -> memref<4x8x128xf32, #tpu.memory_space<vmem>>
      tpu.enqueue_dma source(%dma_start3A_442 : memref<4x8x128xf32, #tpu.memory_space<vmem>>) target(%dma_start3A_437 : memref<4x8x128xf32, #tpu.memory_space<hbm>>) target_semaphore(%arg14 : memref<!tpu.dma_semaphore, #tpu.memory_space<semaphore_mem>>)
      %add3A_443 = arith.constant 4 : i32
      %add3A_444 = arith.addi %add3A_353, %add3A_443 : i32
      %lt3A_445 = arith.constant 200 : i32
      %lt3A_446 = arith.cmpi slt, %add3A_444, %lt3A_445 : i32
      %convert_element_type3A_447 = arith.extui %lt3A_446 : i1 to i32
      %cond3A_448 = arith.constant 0 : i32
      %cond3A_449 = arith.cmpi ne, %convert_element_type3A_447, %cond3A_448 : i32
      scf.if %cond3A_449 {
        %add3A_548 = arith.constant 4 : i32
        %add3A_549 = arith.addi %add3A_353, %add3A_548 : i32
        %dma_start3A_550 = arith.constant 2 : i32
        %dma_start3A_551 = arith.constant 0 : i32
        %dma_start3A_552 = arith.constant 0 : i32
        %dma_start3A_553 = tpu.memref_slice %arg6[%dma_start3A_550, %dma_start3A_551, %dma_start3A_552] : memref<4x128x32xf32, #tpu.memory_space<vmem>> -> memref<1x128x32xf32, #tpu.memory_space<vmem>>
        %dma_start3A_554 = tpu.memref_squeeze %dma_start3A_553 : memref<1x128x32xf32, #tpu.memory_space<vmem>> -> memref<128x32xf32, #tpu.memory_space<vmem>>
        %dma_start3A_555 = arith.constant 0 : i32
        %dma_start3A_556 = tpu.memref_slice %arg5[%add3A_549, %dma_start3A_555] : memref<200x128xi32, #tpu.memory_space<vmem>> -> memref<1x128xi32, #tpu.memory_space<vmem>>
        %dma_start3A_557 = tpu.memref_squeeze %dma_start3A_556 : memref<1x128xi32, #tpu.memory_space<vmem>> -> memref<128xi32, #tpu.memory_space<vmem>>
        %dma_start3A_558 = arith.constant 0 : i32
        %dma_start3A_559 = arith.constant 0 : i32
        %dma_start3A_560 = tpu.memref_slice %arg3[%dma_start3A_558, %dma_start3A_559] : memref<1000000x32xf32, #tpu.memory_space<hbm>> -> memref<1000000x32xf32, #tpu.memory_space<hbm>>
        tpu.enqueue_indirect_dma source(%dma_start3A_560 : memref<1000000x32xf32, #tpu.memory_space<hbm>>) target(%dma_start3A_554 : memref<128x32xf32, #tpu.memory_space<vmem>>) offsets(%dma_start3A_557 : memref<128xi32, #tpu.memory_space<vmem>>) semaphore(%arg10 : memref<!tpu.dma_semaphore, #tpu.memory_space<semaphore_mem>>)
      } else {
      }
      %add3A_450 = arith.constant 3 : i32
      %add3A_451 = arith.addi %add3A_169, %add3A_450 : i32
      %dma_wait3A_452 = arith.constant 3 : i32
      %dma_wait3A_453 = arith.constant 0 : i32
      %dma_wait3A_454 = arith.constant 0 : i32
      %dma_wait3A_455 = tpu.memref_slice %arg6[%dma_wait3A_452, %dma_wait3A_453, %dma_wait3A_454] : memref<4x128x32xf32, #tpu.memory_space<vmem>> -> memref<1x128x32xf32, #tpu.memory_space<vmem>>
      %dma_wait3A_456 = tpu.memref_squeeze %dma_wait3A_455 : memref<1x128x32xf32, #tpu.memory_space<vmem>> -> memref<128x32xf32, #tpu.memory_space<vmem>>
      %dma_wait3A_457 = arith.constant 0 : i32
      %dma_wait3A_458 = tpu.memref_slice %arg5[%add3A_451, %dma_wait3A_457] : memref<200x128xi32, #tpu.memory_space<vmem>> -> memref<1x128xi32, #tpu.memory_space<vmem>>
      %dma_wait3A_459 = tpu.memref_squeeze %dma_wait3A_458 : memref<1x128xi32, #tpu.memory_space<vmem>> -> memref<128xi32, #tpu.memory_space<vmem>>
      %dma_wait3A_460 = arith.constant 0 : i32
      %dma_wait3A_461 = arith.constant 0 : i32
      %dma_wait3A_462 = tpu.memref_slice %arg3[%dma_wait3A_460, %dma_wait3A_461] : memref<1000000x32xf32, #tpu.memory_space<hbm>> -> memref<1000000x32xf32, #tpu.memory_space<hbm>>
      tpu.wait_indirect_dma semaphore(%arg11 : memref<!tpu.dma_semaphore, #tpu.memory_space<semaphore_mem>>) src(%dma_wait3A_462 : memref<1000000x32xf32, #tpu.memory_space<hbm>>) dst(%dma_wait3A_456 : memref<128x32xf32, #tpu.memory_space<vmem>>)
      %ge3A_463 = arith.constant 4 : i32
      %ge3A_464 = arith.cmpi sge, %add3A_451, %ge3A_463 : i32
      %convert_element_type3A_465 = arith.extui %ge3A_464 : i1 to i32
      %cond3A_466 = arith.constant 0 : i32
      %cond3A_467 = arith.cmpi ne, %convert_element_type3A_465, %cond3A_466 : i32
      scf.if %cond3A_467 {
        %sub3A_548 = arith.constant 4 : i32
        %sub3A_549 = arith.subi %add3A_451, %sub3A_548 : i32
        %jit3A_550 = arith.constant 50 : i32
        %div3A_551 = arith.divsi %sub3A_549, %jit3A_550 : i32
        %sign3A_552 = arith.constant 0 : i32
        %sign3A_553 = arith.cmpi sgt, %sub3A_549, %sign3A_552 : i32
        %sign3A_554 = arith.extui %sign3A_553 : i1 to i32
        %sign3A_555 = arith.constant 0 : i32
        %sign3A_556 = arith.cmpi slt, %sub3A_549, %sign3A_555 : i32
        %sign3A_557 = arith.extui %sign3A_556 : i1 to i32
        %sign3A_558 = arith.subi %sign3A_554, %sign3A_557 : i32
        %sign3A_559 = arith.constant 0 : i32
        %sign3A_560 = arith.cmpi sgt, %jit3A_550, %sign3A_559 : i32
        %sign3A_561 = arith.extui %sign3A_560 : i1 to i32
        %sign3A_562 = arith.constant 0 : i32
        %sign3A_563 = arith.cmpi slt, %jit3A_550, %sign3A_562 : i32
        %sign3A_564 = arith.extui %sign3A_563 : i1 to i32
        %sign3A_565 = arith.subi %sign3A_561, %sign3A_564 : i32
        %ne3A_566 = arith.cmpi ne, %sign3A_558, %sign3A_565 : i32
        %rem3A_567 = arith.remsi %sub3A_549, %jit3A_550 : i32
        %ne3A_568 = arith.constant 0 : i32
        %ne3A_569 = arith.cmpi ne, %rem3A_567, %ne3A_568 : i32
        %and3A_570 = arith.andi %ne3A_566, %ne3A_569 : i1
        %sub3A_571 = arith.constant 1 : i32
        %sub3A_572 = arith.subi %div3A_551, %sub3A_571 : i32
        %select_n3A_573 = arith.select %and3A_570, %sub3A_572, %div3A_551 : i32
        %mul3A_574 = arith.constant 50 : i32
        %mul3A_575 = arith.muli %select_n3A_573, %mul3A_574 : i32
        %sub3A_576 = arith.subi %sub3A_549, %mul3A_575 : i32
        %mul3A_577 = arith.constant 4 : i32
        %mul3A_578 = arith.muli %add3A, %mul3A_577 : i32
        %add3A_579 = arith.addi %mul3A_578, %select_n3A_573 : i32
        %dma_wait3A_580 = arith.constant 3 : i32
        %dma_wait3A_581 = arith.constant 0 : i32
        %dma_wait3A_582 = arith.constant 0 : i32
        %dma_wait3A_583 = arith.constant 0 : i32
        %dma_wait3A_584 = tpu.memref_slice %arg7[%dma_wait3A_580, %dma_wait3A_581, %dma_wait3A_582, %dma_wait3A_583] : memref<4x4x8x129xf32, #tpu.memory_space<vmem>> -> memref<1x4x8x128xf32, #tpu.memory_space<vmem>>
        %dma_wait3A_585 = tpu.memref_squeeze %dma_wait3A_584 : memref<1x4x8x128xf32, #tpu.memory_space<vmem>> -> memref<4x8x128xf32, #tpu.memory_space<vmem>>
        %dma_wait3A_586 = arith.constant 0 : i32
        %dma_wait3A_587 = arith.constant 0 : i32
        %dma_wait3A_588 = arith.constant 0 : i32
        %dma_wait3A_589 = tpu.memref_slice %arg4[%sub3A_576, %dma_wait3A_586, %add3A_579, %dma_wait3A_587, %dma_wait3A_588] : memref<50x4x128x8x128xf32, #tpu.memory_space<hbm>> -> memref<1x4x1x8x128xf32, #tpu.memory_space<hbm>>
        %dma_wait3A_590 = tpu.memref_squeeze %dma_wait3A_589 : memref<1x4x1x8x128xf32, #tpu.memory_space<hbm>> -> memref<4x8x128xf32, #tpu.memory_space<hbm>>
        %dma_wait3A_591 = arith.constant 0 : i32
        %dma_wait3A_592 = arith.constant 0 : i32
        %dma_wait3A_593 = arith.constant 0 : i32
        %dma_wait3A_594 = tpu.memref_slice %arg4[%sub3A_576, %dma_wait3A_591, %add3A_579, %dma_wait3A_592, %dma_wait3A_593] : memref<50x4x128x8x128xf32, #tpu.memory_space<hbm>> -> memref<1x4x1x8x128xf32, #tpu.memory_space<hbm>>
        %dma_wait3A_595 = tpu.memref_squeeze %dma_wait3A_594 : memref<1x4x1x8x128xf32, #tpu.memory_space<hbm>> -> memref<4x8x128xf32, #tpu.memory_space<hbm>>
        %dma_wait3A_596 = arith.constant 0 : i32
        %dma_wait3A_597 = arith.constant 0 : i32
        %dma_wait3A_598 = arith.constant 0 : i32
        %dma_wait3A_599 = tpu.memref_slice %arg7[%dma_wait3A_580, %dma_wait3A_596, %dma_wait3A_597, %dma_wait3A_598] : memref<4x4x8x129xf32, #tpu.memory_space<vmem>> -> memref<1x4x8x128xf32, #tpu.memory_space<vmem>>
        %dma_wait3A_600 = tpu.memref_squeeze %dma_wait3A_599 : memref<1x4x8x128xf32, #tpu.memory_space<vmem>> -> memref<4x8x128xf32, #tpu.memory_space<vmem>>
        tpu.wait_dma2 semaphore(%arg15 : memref<!tpu.dma_semaphore, #tpu.memory_space<semaphore_mem>>) src(%dma_wait3A_600 : memref<4x8x128xf32, #tpu.memory_space<vmem>>) dst(%dma_wait3A_595 : memref<4x8x128xf32, #tpu.memory_space<hbm>>)
      } else {
      }
      %iota3A_468 = tpu.iota {dimensions = array<i32: 0>} : vector<16xi32>
      %add3A_469 = arith.constant 16 : i32
      %add3A_470 = vector.broadcast %add3A_469 : i32 to vector<16xi32>
      %add3A_471 = arith.addi %iota3A_468, %add3A_470 : vector<16xi32>
      %shift_right_arithmetic3A_472 = arith.constant 3 : i32
      %shift_right_arithmetic3A_473 = vector.broadcast %shift_right_arithmetic3A_472 : i32 to vector<16xi32>
      %shift_right_arithmetic3A_474 = arith.shrsi %iota3A_468, %shift_right_arithmetic3A_473 : vector<16xi32>
      %shift_right_arithmetic3A_475 = arith.constant 3 : i32
      %shift_right_arithmetic3A_476 = vector.broadcast %shift_right_arithmetic3A_475 : i32 to vector<16xi32>
      %shift_right_arithmetic3A_477 = arith.shrsi %add3A_471, %shift_right_arithmetic3A_476 : vector<16xi32>
      %and3A_478 = arith.constant 7 : i32
      %and3A_479 = vector.broadcast %and3A_478 : i32 to vector<16xi32>
      %and3A_480 = arith.andi %iota3A_468, %and3A_479 : vector<16xi32>
      %and3A_481 = arith.constant 7 : i32
      %and3A_482 = vector.broadcast %and3A_481 : i32 to vector<16xi32>
      %and3A_483 = arith.andi %add3A_471, %and3A_482 : vector<16xi32>
      %scan3A_484 = arith.constant 0 : i32
      %scan3A_485 = arith.constant 0 : i32
      %scan3A_486 = arith.constant 128 : i32
      %scan3A_487 = arith.addi %scan3A_485, %scan3A_486 : i32
      %scan3A_488 = arith.constant 8 : i32
      scf.for %scan3A_548 = %scan3A_485 to %scan3A_487 step %scan3A_488  : i32 {
        %broadcast_in_dim3A = vector.broadcast %scan3A_548 : i32 to vector<16xi32>
        %get3A = arith.constant 3 : i32
        %get3A_549 = arith.index_cast %get3A : i32 to index
        %get3A_550 = arith.index_cast %scan3A_548 : i32 to index
        %get3A_551 = arith.constant 0 : index
        %get3A_552 = tpu.vector_load %arg6[%get3A_549, %get3A_550, %get3A_551] {strides = array<i32>} : memref<4x128x32xf32, #tpu.memory_space<vmem>>, vector<16xf32>,
        %mul3A_553 = arith.constant 5.65685415 : f32
        %mul3A_554 = vector.broadcast %mul3A_553 : f32 to vector<16xf32>
        %mul3A_555 = arith.mulf %get3A_552, %mul3A_554 : vector<16xf32>
        %scatter3A = arith.constant 3 : i32
        %scatter3A_556 = arith.constant 0 : i32
        %scatter3A_557 = arith.constant 0 : i32
        %scatter3A_558 = arith.constant 0 : i32
        %scatter3A_559 = tpu.memref_slice %arg7[%scatter3A, %scatter3A_556, %scatter3A_557, %scatter3A_558] : memref<4x4x8x129xf32, #tpu.memory_space<vmem>> -> memref<1x4x8x129xf32, #tpu.memory_space<vmem>>
        %scatter3A_560 = tpu.memref_squeeze %scatter3A_559 : memref<1x4x8x129xf32, #tpu.memory_space<vmem>> -> memref<4x8x129xf32, #tpu.memory_space<vmem>>
        tpu.vector_store_idx %scatter3A_560[%shift_right_arithmetic3A_474, %and3A_480, %broadcast_in_dim3A], %mul3A_555 : memref<4x8x129xf32, #tpu.memory_space<vmem>>[vector<16xi32>, vector<16xi32>, vector<16xi32>], vector<16xf32>,
        %get3A_561 = arith.constant 3 : i32
        %get3A_562 = arith.index_cast %get3A_561 : i32 to index
        %get3A_563 = arith.index_cast %scan3A_548 : i32 to index
        %get3A_564 = arith.constant 16 : index
        %get3A_565 = tpu.vector_load %arg6[%get3A_562, %get3A_563, %get3A_564] {strides = array<i32>} : memref<4x128x32xf32, #tpu.memory_space<vmem>>, vector<16xf32>,
        %mul3A_566 = arith.constant 5.65685415 : f32
        %mul3A_567 = vector.broadcast %mul3A_566 : f32 to vector<16xf32>
        %mul3A_568 = arith.mulf %get3A_565, %mul3A_567 : vector<16xf32>
        %scatter3A_569 = arith.constant 3 : i32
        %scatter3A_570 = arith.constant 0 : i32
        %scatter3A_571 = arith.constant 0 : i32
        %scatter3A_572 = arith.constant 0 : i32
        %scatter3A_573 = tpu.memref_slice %arg7[%scatter3A_569, %scatter3A_570, %scatter3A_571, %scatter3A_572] : memref<4x4x8x129xf32, #tpu.memory_space<vmem>> -> memref<1x4x8x129xf32, #tpu.memory_space<vmem>>
        %scatter3A_574 = tpu.memref_squeeze %scatter3A_573 : memref<1x4x8x129xf32, #tpu.memory_space<vmem>> -> memref<4x8x129xf32, #tpu.memory_space<vmem>>
        tpu.vector_store_idx %scatter3A_574[%shift_right_arithmetic3A_477, %and3A_483, %broadcast_in_dim3A], %mul3A_568 : memref<4x8x129xf32, #tpu.memory_space<vmem>>[vector<16xi32>, vector<16xi32>, vector<16xi32>], vector<16xf32>,
        %scan3A_575 = arith.constant 1 : i32
        %scan3A_576 = arith.addi %scan3A_548, %scan3A_575 : i32
        %broadcast_in_dim3A_577 = vector.broadcast %scan3A_576 : i32 to vector<16xi32>
        %get3A_578 = arith.constant 3 : i32
        %get3A_579 = arith.index_cast %get3A_578 : i32 to index
        %get3A_580 = arith.index_cast %scan3A_576 : i32 to index
        %get3A_581 = arith.constant 0 : index
        %get3A_582 = tpu.vector_load %arg6[%get3A_579, %get3A_580, %get3A_581] {strides = array<i32>} : memref<4x128x32xf32, #tpu.memory_space<vmem>>, vector<16xf32>,
        %mul3A_583 = arith.constant 5.65685415 : f32
        %mul3A_584 = vector.broadcast %mul3A_583 : f32 to vector<16xf32>
        %mul3A_585 = arith.mulf %get3A_582, %mul3A_584 : vector<16xf32>
        %scatter3A_586 = arith.constant 3 : i32
        %scatter3A_587 = arith.constant 0 : i32
        %scatter3A_588 = arith.constant 0 : i32
        %scatter3A_589 = arith.constant 0 : i32
        %scatter3A_590 = tpu.memref_slice %arg7[%scatter3A_586, %scatter3A_587, %scatter3A_588, %scatter3A_589] : memref<4x4x8x129xf32, #tpu.memory_space<vmem>> -> memref<1x4x8x129xf32, #tpu.memory_space<vmem>>
        %scatter3A_591 = tpu.memref_squeeze %scatter3A_590 : memref<1x4x8x129xf32, #tpu.memory_space<vmem>> -> memref<4x8x129xf32, #tpu.memory_space<vmem>>
        tpu.vector_store_idx %scatter3A_591[%shift_right_arithmetic3A_474, %and3A_480, %broadcast_in_dim3A_577], %mul3A_585 : memref<4x8x129xf32, #tpu.memory_space<vmem>>[vector<16xi32>, vector<16xi32>, vector<16xi32>], vector<16xf32>,
        %get3A_592 = arith.constant 3 : i32
        %get3A_593 = arith.index_cast %get3A_592 : i32 to index
        %get3A_594 = arith.index_cast %scan3A_576 : i32 to index
        %get3A_595 = arith.constant 16 : index
        %get3A_596 = tpu.vector_load %arg6[%get3A_593, %get3A_594, %get3A_595] {strides = array<i32>} : memref<4x128x32xf32, #tpu.memory_space<vmem>>, vector<16xf32>,
        %mul3A_597 = arith.constant 5.65685415 : f32
        %mul3A_598 = vector.broadcast %mul3A_597 : f32 to vector<16xf32>
        %mul3A_599 = arith.mulf %get3A_596, %mul3A_598 : vector<16xf32>
        %scatter3A_600 = arith.constant 3 : i32
        %scatter3A_601 = arith.constant 0 : i32
        %scatter3A_602 = arith.constant 0 : i32
        %scatter3A_603 = arith.constant 0 : i32
        %scatter3A_604 = tpu.memref_slice %arg7[%scatter3A_600, %scatter3A_601, %scatter3A_602, %scatter3A_603] : memref<4x4x8x129xf32, #tpu.memory_space<vmem>> -> memref<1x4x8x129xf32, #tpu.memory_space<vmem>>
        %scatter3A_605 = tpu.memref_squeeze %scatter3A_604 : memref<1x4x8x129xf32, #tpu.memory_space<vmem>> -> memref<4x8x129xf32, #tpu.memory_space<vmem>>
        tpu.vector_store_idx %scatter3A_605[%shift_right_arithmetic3A_477, %and3A_483, %broadcast_in_dim3A_577], %mul3A_599 : memref<4x8x129xf32, #tpu.memory_space<vmem>>[vector<16xi32>, vector<16xi32>, vector<16xi32>], vector<16xf32>,
        %scan3A_606 = arith.constant 2 : i32
        %scan3A_607 = arith.addi %scan3A_548, %scan3A_606 : i32
        %broadcast_in_dim3A_608 = vector.broadcast %scan3A_607 : i32 to vector<16xi32>
        %get3A_609 = arith.constant 3 : i32
        %get3A_610 = arith.index_cast %get3A_609 : i32 to index
        %get3A_611 = arith.index_cast %scan3A_607 : i32 to index
        %get3A_612 = arith.constant 0 : index
        %get3A_613 = tpu.vector_load %arg6[%get3A_610, %get3A_611, %get3A_612] {strides = array<i32>} : memref<4x128x32xf32, #tpu.memory_space<vmem>>, vector<16xf32>,
        %mul3A_614 = arith.constant 5.65685415 : f32
        %mul3A_615 = vector.broadcast %mul3A_614 : f32 to vector<16xf32>
        %mul3A_616 = arith.mulf %get3A_613, %mul3A_615 : vector<16xf32>
        %scatter3A_617 = arith.constant 3 : i32
        %scatter3A_618 = arith.constant 0 : i32
        %scatter3A_619 = arith.constant 0 : i32
        %scatter3A_620 = arith.constant 0 : i32
        %scatter3A_621 = tpu.memref_slice %arg7[%scatter3A_617, %scatter3A_618, %scatter3A_619, %scatter3A_620] : memref<4x4x8x129xf32, #tpu.memory_space<vmem>> -> memref<1x4x8x129xf32, #tpu.memory_space<vmem>>
        %scatter3A_622 = tpu.memref_squeeze %scatter3A_621 : memref<1x4x8x129xf32, #tpu.memory_space<vmem>> -> memref<4x8x129xf32, #tpu.memory_space<vmem>>
        tpu.vector_store_idx %scatter3A_622[%shift_right_arithmetic3A_474, %and3A_480, %broadcast_in_dim3A_608], %mul3A_616 : memref<4x8x129xf32, #tpu.memory_space<vmem>>[vector<16xi32>, vector<16xi32>, vector<16xi32>], vector<16xf32>,
        %get3A_623 = arith.constant 3 : i32
        %get3A_624 = arith.index_cast %get3A_623 : i32 to index
        %get3A_625 = arith.index_cast %scan3A_607 : i32 to index
        %get3A_626 = arith.constant 16 : index
        %get3A_627 = tpu.vector_load %arg6[%get3A_624, %get3A_625, %get3A_626] {strides = array<i32>} : memref<4x128x32xf32, #tpu.memory_space<vmem>>, vector<16xf32>,
        %mul3A_628 = arith.constant 5.65685415 : f32
        %mul3A_629 = vector.broadcast %mul3A_628 : f32 to vector<16xf32>
        %mul3A_630 = arith.mulf %get3A_627, %mul3A_629 : vector<16xf32>
        %scatter3A_631 = arith.constant 3 : i32
        %scatter3A_632 = arith.constant 0 : i32
        %scatter3A_633 = arith.constant 0 : i32
        %scatter3A_634 = arith.constant 0 : i32
        %scatter3A_635 = tpu.memref_slice %arg7[%scatter3A_631, %scatter3A_632, %scatter3A_633, %scatter3A_634] : memref<4x4x8x129xf32, #tpu.memory_space<vmem>> -> memref<1x4x8x129xf32, #tpu.memory_space<vmem>>
        %scatter3A_636 = tpu.memref_squeeze %scatter3A_635 : memref<1x4x8x129xf32, #tpu.memory_space<vmem>> -> memref<4x8x129xf32, #tpu.memory_space<vmem>>
        tpu.vector_store_idx %scatter3A_636[%shift_right_arithmetic3A_477, %and3A_483, %broadcast_in_dim3A_608], %mul3A_630 : memref<4x8x129xf32, #tpu.memory_space<vmem>>[vector<16xi32>, vector<16xi32>, vector<16xi32>], vector<16xf32>,
        %scan3A_637 = arith.constant 3 : i32
        %scan3A_638 = arith.addi %scan3A_548, %scan3A_637 : i32
        %broadcast_in_dim3A_639 = vector.broadcast %scan3A_638 : i32 to vector<16xi32>
        %get3A_640 = arith.constant 3 : i32
        %get3A_641 = arith.index_cast %get3A_640 : i32 to index
        %get3A_642 = arith.index_cast %scan3A_638 : i32 to index
        %get3A_643 = arith.constant 0 : index
        %get3A_644 = tpu.vector_load %arg6[%get3A_641, %get3A_642, %get3A_643] {strides = array<i32>} : memref<4x128x32xf32, #tpu.memory_space<vmem>>, vector<16xf32>,
        %mul3A_645 = arith.constant 5.65685415 : f32
        %mul3A_646 = vector.broadcast %mul3A_645 : f32 to vector<16xf32>
        %mul3A_647 = arith.mulf %get3A_644, %mul3A_646 : vector<16xf32>
        %scatter3A_648 = arith.constant 3 : i32
        %scatter3A_649 = arith.constant 0 : i32
        %scatter3A_650 = arith.constant 0 : i32
        %scatter3A_651 = arith.constant 0 : i32
        %scatter3A_652 = tpu.memref_slice %arg7[%scatter3A_648, %scatter3A_649, %scatter3A_650, %scatter3A_651] : memref<4x4x8x129xf32, #tpu.memory_space<vmem>> -> memref<1x4x8x129xf32, #tpu.memory_space<vmem>>
        %scatter3A_653 = tpu.memref_squeeze %scatter3A_652 : memref<1x4x8x129xf32, #tpu.memory_space<vmem>> -> memref<4x8x129xf32, #tpu.memory_space<vmem>>
        tpu.vector_store_idx %scatter3A_653[%shift_right_arithmetic3A_474, %and3A_480, %broadcast_in_dim3A_639], %mul3A_647 : memref<4x8x129xf32, #tpu.memory_space<vmem>>[vector<16xi32>, vector<16xi32>, vector<16xi32>], vector<16xf32>,
        %get3A_654 = arith.constant 3 : i32
        %get3A_655 = arith.index_cast %get3A_654 : i32 to index
        %get3A_656 = arith.index_cast %scan3A_638 : i32 to index
        %get3A_657 = arith.constant 16 : index
        %get3A_658 = tpu.vector_load %arg6[%get3A_655, %get3A_656, %get3A_657] {strides = array<i32>} : memref<4x128x32xf32, #tpu.memory_space<vmem>>, vector<16xf32>,
        %mul3A_659 = arith.constant 5.65685415 : f32
        %mul3A_660 = vector.broadcast %mul3A_659 : f32 to vector<16xf32>
        %mul3A_661 = arith.mulf %get3A_658, %mul3A_660 : vector<16xf32>
        %scatter3A_662 = arith.constant 3 : i32
        %scatter3A_663 = arith.constant 0 : i32
        %scatter3A_664 = arith.constant 0 : i32
        %scatter3A_665 = arith.constant 0 : i32
        %scatter3A_666 = tpu.memref_slice %arg7[%scatter3A_662, %scatter3A_663, %scatter3A_664, %scatter3A_665] : memref<4x4x8x129xf32, #tpu.memory_space<vmem>> -> memref<1x4x8x129xf32, #tpu.memory_space<vmem>>
        %scatter3A_667 = tpu.memref_squeeze %scatter3A_666 : memref<1x4x8x129xf32, #tpu.memory_space<vmem>> -> memref<4x8x129xf32, #tpu.memory_space<vmem>>
        tpu.vector_store_idx %scatter3A_667[%shift_right_arithmetic3A_477, %and3A_483, %broadcast_in_dim3A_639], %mul3A_661 : memref<4x8x129xf32, #tpu.memory_space<vmem>>[vector<16xi32>, vector<16xi32>, vector<16xi32>], vector<16xf32>,
        %scan3A_668 = arith.constant 4 : i32
        %scan3A_669 = arith.addi %scan3A_548, %scan3A_668 : i32
        %broadcast_in_dim3A_670 = vector.broadcast %scan3A_669 : i32 to vector<16xi32>
        %get3A_671 = arith.constant 3 : i32
        %get3A_672 = arith.index_cast %get3A_671 : i32 to index
        %get3A_673 = arith.index_cast %scan3A_669 : i32 to index
        %get3A_674 = arith.constant 0 : index
        %get3A_675 = tpu.vector_load %arg6[%get3A_672, %get3A_673, %get3A_674] {strides = array<i32>} : memref<4x128x32xf32, #tpu.memory_space<vmem>>, vector<16xf32>,
        %mul3A_676 = arith.constant 5.65685415 : f32
        %mul3A_677 = vector.broadcast %mul3A_676 : f32 to vector<16xf32>
        %mul3A_678 = arith.mulf %get3A_675, %mul3A_677 : vector<16xf32>
        %scatter3A_679 = arith.constant 3 : i32
        %scatter3A_680 = arith.constant 0 : i32
        %scatter3A_681 = arith.constant 0 : i32
        %scatter3A_682 = arith.constant 0 : i32
        %scatter3A_683 = tpu.memref_slice %arg7[%scatter3A_679, %scatter3A_680, %scatter3A_681, %scatter3A_682] : memref<4x4x8x129xf32, #tpu.memory_space<vmem>> -> memref<1x4x8x129xf32, #tpu.memory_space<vmem>>
        %scatter3A_684 = tpu.memref_squeeze %scatter3A_683 : memref<1x4x8x129xf32, #tpu.memory_space<vmem>> -> memref<4x8x129xf32, #tpu.memory_space<vmem>>
        tpu.vector_store_idx %scatter3A_684[%shift_right_arithmetic3A_474, %and3A_480, %broadcast_in_dim3A_670], %mul3A_678 : memref<4x8x129xf32, #tpu.memory_space<vmem>>[vector<16xi32>, vector<16xi32>, vector<16xi32>], vector<16xf32>,
        %get3A_685 = arith.constant 3 : i32
        %get3A_686 = arith.index_cast %get3A_685 : i32 to index
        %get3A_687 = arith.index_cast %scan3A_669 : i32 to index
        %get3A_688 = arith.constant 16 : index
        %get3A_689 = tpu.vector_load %arg6[%get3A_686, %get3A_687, %get3A_688] {strides = array<i32>} : memref<4x128x32xf32, #tpu.memory_space<vmem>>, vector<16xf32>,
        %mul3A_690 = arith.constant 5.65685415 : f32
        %mul3A_691 = vector.broadcast %mul3A_690 : f32 to vector<16xf32>
        %mul3A_692 = arith.mulf %get3A_689, %mul3A_691 : vector<16xf32>
        %scatter3A_693 = arith.constant 3 : i32
        %scatter3A_694 = arith.constant 0 : i32
        %scatter3A_695 = arith.constant 0 : i32
        %scatter3A_696 = arith.constant 0 : i32
        %scatter3A_697 = tpu.memref_slice %arg7[%scatter3A_693, %scatter3A_694, %scatter3A_695, %scatter3A_696] : memref<4x4x8x129xf32, #tpu.memory_space<vmem>> -> memref<1x4x8x129xf32, #tpu.memory_space<vmem>>
        %scatter3A_698 = tpu.memref_squeeze %scatter3A_697 : memref<1x4x8x129xf32, #tpu.memory_space<vmem>> -> memref<4x8x129xf32, #tpu.memory_space<vmem>>
        tpu.vector_store_idx %scatter3A_698[%shift_right_arithmetic3A_477, %and3A_483, %broadcast_in_dim3A_670], %mul3A_692 : memref<4x8x129xf32, #tpu.memory_space<vmem>>[vector<16xi32>, vector<16xi32>, vector<16xi32>], vector<16xf32>,
        %scan3A_699 = arith.constant 5 : i32
        %scan3A_700 = arith.addi %scan3A_548, %scan3A_699 : i32
        %broadcast_in_dim3A_701 = vector.broadcast %scan3A_700 : i32 to vector<16xi32>
        %get3A_702 = arith.constant 3 : i32
        %get3A_703 = arith.index_cast %get3A_702 : i32 to index
        %get3A_704 = arith.index_cast %scan3A_700 : i32 to index
        %get3A_705 = arith.constant 0 : index
        %get3A_706 = tpu.vector_load %arg6[%get3A_703, %get3A_704, %get3A_705] {strides = array<i32>} : memref<4x128x32xf32, #tpu.memory_space<vmem>>, vector<16xf32>,
        %mul3A_707 = arith.constant 5.65685415 : f32
        %mul3A_708 = vector.broadcast %mul3A_707 : f32 to vector<16xf32>
        %mul3A_709 = arith.mulf %get3A_706, %mul3A_708 : vector<16xf32>
        %scatter3A_710 = arith.constant 3 : i32
        %scatter3A_711 = arith.constant 0 : i32
        %scatter3A_712 = arith.constant 0 : i32
        %scatter3A_713 = arith.constant 0 : i32
        %scatter3A_714 = tpu.memref_slice %arg7[%scatter3A_710, %scatter3A_711, %scatter3A_712, %scatter3A_713] : memref<4x4x8x129xf32, #tpu.memory_space<vmem>> -> memref<1x4x8x129xf32, #tpu.memory_space<vmem>>
        %scatter3A_715 = tpu.memref_squeeze %scatter3A_714 : memref<1x4x8x129xf32, #tpu.memory_space<vmem>> -> memref<4x8x129xf32, #tpu.memory_space<vmem>>
        tpu.vector_store_idx %scatter3A_715[%shift_right_arithmetic3A_474, %and3A_480, %broadcast_in_dim3A_701], %mul3A_709 : memref<4x8x129xf32, #tpu.memory_space<vmem>>[vector<16xi32>, vector<16xi32>, vector<16xi32>], vector<16xf32>,
        %get3A_716 = arith.constant 3 : i32
        %get3A_717 = arith.index_cast %get3A_716 : i32 to index
        %get3A_718 = arith.index_cast %scan3A_700 : i32 to index
        %get3A_719 = arith.constant 16 : index
        %get3A_720 = tpu.vector_load %arg6[%get3A_717, %get3A_718, %get3A_719] {strides = array<i32>} : memref<4x128x32xf32, #tpu.memory_space<vmem>>, vector<16xf32>,
        %mul3A_721 = arith.constant 5.65685415 : f32
        %mul3A_722 = vector.broadcast %mul3A_721 : f32 to vector<16xf32>
        %mul3A_723 = arith.mulf %get3A_720, %mul3A_722 : vector<16xf32>
        %scatter3A_724 = arith.constant 3 : i32
        %scatter3A_725 = arith.constant 0 : i32
        %scatter3A_726 = arith.constant 0 : i32
        %scatter3A_727 = arith.constant 0 : i32
        %scatter3A_728 = tpu.memref_slice %arg7[%scatter3A_724, %scatter3A_725, %scatter3A_726, %scatter3A_727] : memref<4x4x8x129xf32, #tpu.memory_space<vmem>> -> memref<1x4x8x129xf32, #tpu.memory_space<vmem>>
        %scatter3A_729 = tpu.memref_squeeze %scatter3A_728 : memref<1x4x8x129xf32, #tpu.memory_space<vmem>> -> memref<4x8x129xf32, #tpu.memory_space<vmem>>
        tpu.vector_store_idx %scatter3A_729[%shift_right_arithmetic3A_477, %and3A_483, %broadcast_in_dim3A_701], %mul3A_723 : memref<4x8x129xf32, #tpu.memory_space<vmem>>[vector<16xi32>, vector<16xi32>, vector<16xi32>], vector<16xf32>,
        %scan3A_730 = arith.constant 6 : i32
        %scan3A_731 = arith.addi %scan3A_548, %scan3A_730 : i32
        %broadcast_in_dim3A_732 = vector.broadcast %scan3A_731 : i32 to vector<16xi32>
        %get3A_733 = arith.constant 3 : i32
        %get3A_734 = arith.index_cast %get3A_733 : i32 to index
        %get3A_735 = arith.index_cast %scan3A_731 : i32 to index
        %get3A_736 = arith.constant 0 : index
        %get3A_737 = tpu.vector_load %arg6[%get3A_734, %get3A_735, %get3A_736] {strides = array<i32>} : memref<4x128x32xf32, #tpu.memory_space<vmem>>, vector<16xf32>,
        %mul3A_738 = arith.constant 5.65685415 : f32
        %mul3A_739 = vector.broadcast %mul3A_738 : f32 to vector<16xf32>
        %mul3A_740 = arith.mulf %get3A_737, %mul3A_739 : vector<16xf32>
        %scatter3A_741 = arith.constant 3 : i32
        %scatter3A_742 = arith.constant 0 : i32
        %scatter3A_743 = arith.constant 0 : i32
        %scatter3A_744 = arith.constant 0 : i32
        %scatter3A_745 = tpu.memref_slice %arg7[%scatter3A_741, %scatter3A_742, %scatter3A_743, %scatter3A_744] : memref<4x4x8x129xf32, #tpu.memory_space<vmem>> -> memref<1x4x8x129xf32, #tpu.memory_space<vmem>>
        %scatter3A_746 = tpu.memref_squeeze %scatter3A_745 : memref<1x4x8x129xf32, #tpu.memory_space<vmem>> -> memref<4x8x129xf32, #tpu.memory_space<vmem>>
        tpu.vector_store_idx %scatter3A_746[%shift_right_arithmetic3A_474, %and3A_480, %broadcast_in_dim3A_732], %mul3A_740 : memref<4x8x129xf32, #tpu.memory_space<vmem>>[vector<16xi32>, vector<16xi32>, vector<16xi32>], vector<16xf32>,
        %get3A_747 = arith.constant 3 : i32
        %get3A_748 = arith.index_cast %get3A_747 : i32 to index
        %get3A_749 = arith.index_cast %scan3A_731 : i32 to index
        %get3A_750 = arith.constant 16 : index
        %get3A_751 = tpu.vector_load %arg6[%get3A_748, %get3A_749, %get3A_750] {strides = array<i32>} : memref<4x128x32xf32, #tpu.memory_space<vmem>>, vector<16xf32>,
        %mul3A_752 = arith.constant 5.65685415 : f32
        %mul3A_753 = vector.broadcast %mul3A_752 : f32 to vector<16xf32>
        %mul3A_754 = arith.mulf %get3A_751, %mul3A_753 : vector<16xf32>
        %scatter3A_755 = arith.constant 3 : i32
        %scatter3A_756 = arith.constant 0 : i32
        %scatter3A_757 = arith.constant 0 : i32
        %scatter3A_758 = arith.constant 0 : i32
        %scatter3A_759 = tpu.memref_slice %arg7[%scatter3A_755, %scatter3A_756, %scatter3A_757, %scatter3A_758] : memref<4x4x8x129xf32, #tpu.memory_space<vmem>> -> memref<1x4x8x129xf32, #tpu.memory_space<vmem>>
        %scatter3A_760 = tpu.memref_squeeze %scatter3A_759 : memref<1x4x8x129xf32, #tpu.memory_space<vmem>> -> memref<4x8x129xf32, #tpu.memory_space<vmem>>
        tpu.vector_store_idx %scatter3A_760[%shift_right_arithmetic3A_477, %and3A_483, %broadcast_in_dim3A_732], %mul3A_754 : memref<4x8x129xf32, #tpu.memory_space<vmem>>[vector<16xi32>, vector<16xi32>, vector<16xi32>], vector<16xf32>,
        %scan3A_761 = arith.constant 7 : i32
        %scan3A_762 = arith.addi %scan3A_548, %scan3A_761 : i32
        %broadcast_in_dim3A_763 = vector.broadcast %scan3A_762 : i32 to vector<16xi32>
        %get3A_764 = arith.constant 3 : i32
        %get3A_765 = arith.index_cast %get3A_764 : i32 to index
        %get3A_766 = arith.index_cast %scan3A_762 : i32 to index
        %get3A_767 = arith.constant 0 : index
        %get3A_768 = tpu.vector_load %arg6[%get3A_765, %get3A_766, %get3A_767] {strides = array<i32>} : memref<4x128x32xf32, #tpu.memory_space<vmem>>, vector<16xf32>,
        %mul3A_769 = arith.constant 5.65685415 : f32
        %mul3A_770 = vector.broadcast %mul3A_769 : f32 to vector<16xf32>
        %mul3A_771 = arith.mulf %get3A_768, %mul3A_770 : vector<16xf32>
        %scatter3A_772 = arith.constant 3 : i32
        %scatter3A_773 = arith.constant 0 : i32
        %scatter3A_774 = arith.constant 0 : i32
        %scatter3A_775 = arith.constant 0 : i32
        %scatter3A_776 = tpu.memref_slice %arg7[%scatter3A_772, %scatter3A_773, %scatter3A_774, %scatter3A_775] : memref<4x4x8x129xf32, #tpu.memory_space<vmem>> -> memref<1x4x8x129xf32, #tpu.memory_space<vmem>>
        %scatter3A_777 = tpu.memref_squeeze %scatter3A_776 : memref<1x4x8x129xf32, #tpu.memory_space<vmem>> -> memref<4x8x129xf32, #tpu.memory_space<vmem>>
        tpu.vector_store_idx %scatter3A_777[%shift_right_arithmetic3A_474, %and3A_480, %broadcast_in_dim3A_763], %mul3A_771 : memref<4x8x129xf32, #tpu.memory_space<vmem>>[vector<16xi32>, vector<16xi32>, vector<16xi32>], vector<16xf32>,
        %get3A_778 = arith.constant 3 : i32
        %get3A_779 = arith.index_cast %get3A_778 : i32 to index
        %get3A_780 = arith.index_cast %scan3A_762 : i32 to index
        %get3A_781 = arith.constant 16 : index
        %get3A_782 = tpu.vector_load %arg6[%get3A_779, %get3A_780, %get3A_781] {strides = array<i32>} : memref<4x128x32xf32, #tpu.memory_space<vmem>>, vector<16xf32>,
        %mul3A_783 = arith.constant 5.65685415 : f32
        %mul3A_784 = vector.broadcast %mul3A_783 : f32 to vector<16xf32>
        %mul3A_785 = arith.mulf %get3A_782, %mul3A_784 : vector<16xf32>
        %scatter3A_786 = arith.constant 3 : i32
        %scatter3A_787 = arith.constant 0 : i32
        %scatter3A_788 = arith.constant 0 : i32
        %scatter3A_789 = arith.constant 0 : i32
        %scatter3A_790 = tpu.memref_slice %arg7[%scatter3A_786, %scatter3A_787, %scatter3A_788, %scatter3A_789] : memref<4x4x8x129xf32, #tpu.memory_space<vmem>> -> memref<1x4x8x129xf32, #tpu.memory_space<vmem>>
        %scatter3A_791 = tpu.memref_squeeze %scatter3A_790 : memref<1x4x8x129xf32, #tpu.memory_space<vmem>> -> memref<4x8x129xf32, #tpu.memory_space<vmem>>
        tpu.vector_store_idx %scatter3A_791[%shift_right_arithmetic3A_477, %and3A_483, %broadcast_in_dim3A_763], %mul3A_785 : memref<4x8x129xf32, #tpu.memory_space<vmem>>[vector<16xi32>, vector<16xi32>, vector<16xi32>], vector<16xf32>,
      }
      %scan3A_489 = arith.constant 128 : i32
      %jit3A_490 = arith.constant 50 : i32
      %div3A_491 = arith.divsi %add3A_451, %jit3A_490 : i32
      %sign3A_492 = arith.constant 0 : i32
      %sign3A_493 = arith.cmpi sgt, %add3A_451, %sign3A_492 : i32
      %sign3A_494 = arith.extui %sign3A_493 : i1 to i32
      %sign3A_495 = arith.constant 0 : i32
      %sign3A_496 = arith.cmpi slt, %add3A_451, %sign3A_495 : i32
      %sign3A_497 = arith.extui %sign3A_496 : i1 to i32
      %sign3A_498 = arith.subi %sign3A_494, %sign3A_497 : i32
      %sign3A_499 = arith.constant 0 : i32
      %sign3A_500 = arith.cmpi sgt, %jit3A_490, %sign3A_499 : i32
      %sign3A_501 = arith.extui %sign3A_500 : i1 to i32
      %sign3A_502 = arith.constant 0 : i32
      %sign3A_503 = arith.cmpi slt, %jit3A_490, %sign3A_502 : i32
      %sign3A_504 = arith.extui %sign3A_503 : i1 to i32
      %sign3A_505 = arith.subi %sign3A_501, %sign3A_504 : i32
      %ne3A_506 = arith.cmpi ne, %sign3A_498, %sign3A_505 : i32
      %rem3A_507 = arith.remsi %add3A_451, %jit3A_490 : i32
      %ne3A_508 = arith.constant 0 : i32
      %ne3A_509 = arith.cmpi ne, %rem3A_507, %ne3A_508 : i32
      %and3A_510 = arith.andi %ne3A_506, %ne3A_509 : i1
      %sub3A_511 = arith.constant 1 : i32
      %sub3A_512 = arith.subi %div3A_491, %sub3A_511 : i32
      %select_n3A_513 = arith.select %and3A_510, %sub3A_512, %div3A_491 : i32
      %mul3A_514 = arith.constant 50 : i32
      %mul3A_515 = arith.muli %select_n3A_513, %mul3A_514 : i32
      %sub3A_516 = arith.subi %add3A_451, %mul3A_515 : i32
      %mul3A_517 = arith.constant 4 : i32
      %mul3A_518 = arith.muli %add3A, %mul3A_517 : i32
      %add3A_519 = arith.addi %mul3A_518, %select_n3A_513 : i32
      %dma_start3A_520 = arith.constant 3 : i32
      %dma_start3A_521 = arith.constant 0 : i32
      %dma_start3A_522 = arith.constant 0 : i32
      %dma_start3A_523 = arith.constant 0 : i32
      %dma_start3A_524 = tpu.memref_slice %arg7[%dma_start3A_520, %dma_start3A_521, %dma_start3A_522, %dma_start3A_523] : memref<4x4x8x129xf32, #tpu.memory_space<vmem>> -> memref<1x4x8x128xf32, #tpu.memory_space<vmem>>
      %dma_start3A_525 = tpu.memref_squeeze %dma_start3A_524 : memref<1x4x8x128xf32, #tpu.memory_space<vmem>> -> memref<4x8x128xf32, #tpu.memory_space<vmem>>
      %dma_start3A_526 = arith.constant 0 : i32
      %dma_start3A_527 = arith.constant 0 : i32
      %dma_start3A_528 = arith.constant 0 : i32
      %dma_start3A_529 = tpu.memref_slice %arg4[%sub3A_516, %dma_start3A_526, %add3A_519, %dma_start3A_527, %dma_start3A_528] : memref<50x4x128x8x128xf32, #tpu.memory_space<hbm>> -> memref<1x4x1x8x128xf32, #tpu.memory_space<hbm>>
      %dma_start3A_530 = tpu.memref_squeeze %dma_start3A_529 : memref<1x4x1x8x128xf32, #tpu.memory_space<hbm>> -> memref<4x8x128xf32, #tpu.memory_space<hbm>>
      %dma_start3A_531 = arith.constant 0 : i32
      %dma_start3A_532 = arith.constant 0 : i32
      %dma_start3A_533 = arith.constant 0 : i32
      %dma_start3A_534 = tpu.memref_slice %arg4[%sub3A_516, %dma_start3A_531, %add3A_519, %dma_start3A_532, %dma_start3A_533] : memref<50x4x128x8x128xf32, #tpu.memory_space<hbm>> -> memref<1x4x1x8x128xf32, #tpu.memory_space<hbm>>
      %dma_start3A_535 = tpu.memref_squeeze %dma_start3A_534 : memref<1x4x1x8x128xf32, #tpu.memory_space<hbm>> -> memref<4x8x128xf32, #tpu.memory_space<hbm>>
      %dma_start3A_536 = arith.constant 0 : i32
      %dma_start3A_537 = arith.constant 0 : i32
      %dma_start3A_538 = arith.constant 0 : i32
      %dma_start3A_539 = tpu.memref_slice %arg7[%dma_start3A_520, %dma_start3A_536, %dma_start3A_537, %dma_start3A_538] : memref<4x4x8x129xf32, #tpu.memory_space<vmem>> -> memref<1x4x8x128xf32, #tpu.memory_space<vmem>>
      %dma_start3A_540 = tpu.memref_squeeze %dma_start3A_539 : memref<1x4x8x128xf32, #tpu.memory_space<vmem>> -> memref<4x8x128xf32, #tpu.memory_space<vmem>>
      tpu.enqueue_dma source(%dma_start3A_540 : memref<4x8x128xf32, #tpu.memory_space<vmem>>) target(%dma_start3A_535 : memref<4x8x128xf32, #tpu.memory_space<hbm>>) target_semaphore(%arg15 : memref<!tpu.dma_semaphore, #tpu.memory_space<semaphore_mem>>)
      %add3A_541 = arith.constant 4 : i32
      %add3A_542 = arith.addi %add3A_451, %add3A_541 : i32
      %lt3A_543 = arith.constant 200 : i32
      %lt3A_544 = arith.cmpi slt, %add3A_542, %lt3A_543 : i32
      %convert_element_type3A_545 = arith.extui %lt3A_544 : i1 to i32
      %cond3A_546 = arith.constant 0 : i32
      %cond3A_547 = arith.cmpi ne, %convert_element_type3A_545, %cond3A_546 : i32
      scf.if %cond3A_547 {
        %add3A_548 = arith.constant 4 : i32
        %add3A_549 = arith.addi %add3A_451, %add3A_548 : i32
        %dma_start3A_550 = arith.constant 3 : i32
        %dma_start3A_551 = arith.constant 0 : i32
        %dma_start3A_552 = arith.constant 0 : i32
        %dma_start3A_553 = tpu.memref_slice %arg6[%dma_start3A_550, %dma_start3A_551, %dma_start3A_552] : memref<4x128x32xf32, #tpu.memory_space<vmem>> -> memref<1x128x32xf32, #tpu.memory_space<vmem>>
        %dma_start3A_554 = tpu.memref_squeeze %dma_start3A_553 : memref<1x128x32xf32, #tpu.memory_space<vmem>> -> memref<128x32xf32, #tpu.memory_space<vmem>>
        %dma_start3A_555 = arith.constant 0 : i32
        %dma_start3A_556 = tpu.memref_slice %arg5[%add3A_549, %dma_start3A_555] : memref<200x128xi32, #tpu.memory_space<vmem>> -> memref<1x128xi32, #tpu.memory_space<vmem>>
        %dma_start3A_557 = tpu.memref_squeeze %dma_start3A_556 : memref<1x128xi32, #tpu.memory_space<vmem>> -> memref<128xi32, #tpu.memory_space<vmem>>
        %dma_start3A_558 = arith.constant 0 : i32
        %dma_start3A_559 = arith.constant 0 : i32
        %dma_start3A_560 = tpu.memref_slice %arg3[%dma_start3A_558, %dma_start3A_559] : memref<1000000x32xf32, #tpu.memory_space<hbm>> -> memref<1000000x32xf32, #tpu.memory_space<hbm>>
        tpu.enqueue_indirect_dma source(%dma_start3A_560 : memref<1000000x32xf32, #tpu.memory_space<hbm>>) target(%dma_start3A_554 : memref<128x32xf32, #tpu.memory_space<vmem>>) offsets(%dma_start3A_557 : memref<128xi32, #tpu.memory_space<vmem>>) semaphore(%arg11 : memref<!tpu.dma_semaphore, #tpu.memory_space<semaphore_mem>>)
      } else {
      }
    }
    %scan3A_61 = arith.constant 50 : i32
    %mul3A_62 = arith.constant 4 : i32
    %mul3A_63 = arith.muli %add3A, %mul3A_62 : i32
    %add3A_64 = arith.constant 3 : i32
    %add3A_65 = arith.addi %mul3A_63, %add3A_64 : i32
    %dma_wait3A = arith.constant 0 : i32
    %dma_wait3A_66 = arith.constant 46 : i32
    %dma_wait3A_67 = arith.constant 0 : i32
    %dma_wait3A_68 = arith.constant 0 : i32
    %dma_wait3A_69 = arith.constant 0 : i32
    %dma_wait3A_70 = tpu.memref_slice %arg7[%dma_wait3A, %dma_wait3A_67, %dma_wait3A_68, %dma_wait3A_69] : memref<4x4x8x129xf32, #tpu.memory_space<vmem>> -> memref<1x4x8x128xf32, #tpu.memory_space<vmem>>
    %dma_wait3A_71 = tpu.memref_squeeze %dma_wait3A_70 : memref<1x4x8x128xf32, #tpu.memory_space<vmem>> -> memref<4x8x128xf32, #tpu.memory_space<vmem>>
    %dma_wait3A_72 = arith.constant 0 : i32
    %dma_wait3A_73 = arith.constant 0 : i32
    %dma_wait3A_74 = arith.constant 0 : i32
    %dma_wait3A_75 = tpu.memref_slice %arg4[%dma_wait3A_66, %dma_wait3A_72, %add3A_65, %dma_wait3A_73, %dma_wait3A_74] : memref<50x4x128x8x128xf32, #tpu.memory_space<hbm>> -> memref<1x4x1x8x128xf32, #tpu.memory_space<hbm>>
    %dma_wait3A_76 = tpu.memref_squeeze %dma_wait3A_75 : memref<1x4x1x8x128xf32, #tpu.memory_space<hbm>> -> memref<4x8x128xf32, #tpu.memory_space<hbm>>
    %dma_wait3A_77 = arith.constant 0 : i32
    %dma_wait3A_78 = arith.constant 0 : i32
    %dma_wait3A_79 = arith.constant 0 : i32
    %dma_wait3A_80 = tpu.memref_slice %arg4[%dma_wait3A_66, %dma_wait3A_77, %add3A_65, %dma_wait3A_78, %dma_wait3A_79] : memref<50x4x128x8x128xf32, #tpu.memory_space<hbm>> -> memref<1x4x1x8x128xf32, #tpu.memory_space<hbm>>
    %dma_wait3A_81 = tpu.memref_squeeze %dma_wait3A_80 : memref<1x4x1x8x128xf32, #tpu.memory_space<hbm>> -> memref<4x8x128xf32, #tpu.memory_space<hbm>>
    %dma_wait3A_82 = arith.constant 0 : i32
    %dma_wait3A_83 = arith.constant 0 : i32
    %dma_wait3A_84 = arith.constant 0 : i32
    %dma_wait3A_85 = tpu.memref_slice %arg7[%dma_wait3A, %dma_wait3A_82, %dma_wait3A_83, %dma_wait3A_84] : memref<4x4x8x129xf32, #tpu.memory_space<vmem>> -> memref<1x4x8x128xf32, #tpu.memory_space<vmem>>
    %dma_wait3A_86 = tpu.memref_squeeze %dma_wait3A_85 : memref<1x4x8x128xf32, #tpu.memory_space<vmem>> -> memref<4x8x128xf32, #tpu.memory_space<vmem>>
    tpu.wait_dma2 semaphore(%arg12 : memref<!tpu.dma_semaphore, #tpu.memory_space<semaphore_mem>>) src(%dma_wait3A_86 : memref<4x8x128xf32, #tpu.memory_space<vmem>>) dst(%dma_wait3A_81 : memref<4x8x128xf32, #tpu.memory_space<hbm>>)
    %mul3A_87 = arith.constant 4 : i32
    %mul3A_88 = arith.muli %add3A, %mul3A_87 : i32
    %add3A_89 = arith.constant 3 : i32
    %add3A_90 = arith.addi %mul3A_88, %add3A_89 : i32
    %dma_wait3A_91 = arith.constant 1 : i32
    %dma_wait3A_92 = arith.constant 47 : i32
    %dma_wait3A_93 = arith.constant 0 : i32
    %dma_wait3A_94 = arith.constant 0 : i32
    %dma_wait3A_95 = arith.constant 0 : i32
    %dma_wait3A_96 = tpu.memref_slice %arg7[%dma_wait3A_91, %dma_wait3A_93, %dma_wait3A_94, %dma_wait3A_95] : memref<4x4x8x129xf32, #tpu.memory_space<vmem>> -> memref<1x4x8x128xf32, #tpu.memory_space<vmem>>
    %dma_wait3A_97 = tpu.memref_squeeze %dma_wait3A_96 : memref<1x4x8x128xf32, #tpu.memory_space<vmem>> -> memref<4x8x128xf32, #tpu.memory_space<vmem>>
    %dma_wait3A_98 = arith.constant 0 : i32
    %dma_wait3A_99 = arith.constant 0 : i32
    %dma_wait3A_100 = arith.constant 0 : i32
    %dma_wait3A_101 = tpu.memref_slice %arg4[%dma_wait3A_92, %dma_wait3A_98, %add3A_90, %dma_wait3A_99, %dma_wait3A_100] : memref<50x4x128x8x128xf32, #tpu.memory_space<hbm>> -> memref<1x4x1x8x128xf32, #tpu.memory_space<hbm>>
    %dma_wait3A_102 = tpu.memref_squeeze %dma_wait3A_101 : memref<1x4x1x8x128xf32, #tpu.memory_space<hbm>> -> memref<4x8x128xf32, #tpu.memory_space<hbm>>
    %dma_wait3A_103 = arith.constant 0 : i32
    %dma_wait3A_104 = arith.constant 0 : i32
    %dma_wait3A_105 = arith.constant 0 : i32
    %dma_wait3A_106 = tpu.memref_slice %arg4[%dma_wait3A_92, %dma_wait3A_103, %add3A_90, %dma_wait3A_104, %dma_wait3A_105] : memref<50x4x128x8x128xf32, #tpu.memory_space<hbm>> -> memref<1x4x1x8x128xf32, #tpu.memory_space<hbm>>
    %dma_wait3A_107 = tpu.memref_squeeze %dma_wait3A_106 : memref<1x4x1x8x128xf32, #tpu.memory_space<hbm>> -> memref<4x8x128xf32, #tpu.memory_space<hbm>>
    %dma_wait3A_108 = arith.constant 0 : i32
    %dma_wait3A_109 = arith.constant 0 : i32
    %dma_wait3A_110 = arith.constant 0 : i32
    %dma_wait3A_111 = tpu.memref_slice %arg7[%dma_wait3A_91, %dma_wait3A_108, %dma_wait3A_109, %dma_wait3A_110] : memref<4x4x8x129xf32, #tpu.memory_space<vmem>> -> memref<1x4x8x128xf32, #tpu.memory_space<vmem>>
    %dma_wait3A_112 = tpu.memref_squeeze %dma_wait3A_111 : memref<1x4x8x128xf32, #tpu.memory_space<vmem>> -> memref<4x8x128xf32, #tpu.memory_space<vmem>>
    tpu.wait_dma2 semaphore(%arg13 : memref<!tpu.dma_semaphore, #tpu.memory_space<semaphore_mem>>) src(%dma_wait3A_112 : memref<4x8x128xf32, #tpu.memory_space<vmem>>) dst(%dma_wait3A_107 : memref<4x8x128xf32, #tpu.memory_space<hbm>>)
    %mul3A_113 = arith.constant 4 : i32
    %mul3A_114 = arith.muli %add3A, %mul3A_113 : i32
    %add3A_115 = arith.constant 3 : i32
    %add3A_116 = arith.addi %mul3A_114, %add3A_115 : i32
    %dma_wait3A_117 = arith.constant 2 : i32
    %dma_wait3A_118 = arith.constant 48 : i32
    %dma_wait3A_119 = arith.constant 0 : i32
    %dma_wait3A_120 = arith.constant 0 : i32
    %dma_wait3A_121 = arith.constant 0 : i32
    %dma_wait3A_122 = tpu.memref_slice %arg7[%dma_wait3A_117, %dma_wait3A_119, %dma_wait3A_120, %dma_wait3A_121] : memref<4x4x8x129xf32, #tpu.memory_space<vmem>> -> memref<1x4x8x128xf32, #tpu.memory_space<vmem>>
    %dma_wait3A_123 = tpu.memref_squeeze %dma_wait3A_122 : memref<1x4x8x128xf32, #tpu.memory_space<vmem>> -> memref<4x8x128xf32, #tpu.memory_space<vmem>>
    %dma_wait3A_124 = arith.constant 0 : i32
    %dma_wait3A_125 = arith.constant 0 : i32
    %dma_wait3A_126 = arith.constant 0 : i32
    %dma_wait3A_127 = tpu.memref_slice %arg4[%dma_wait3A_118, %dma_wait3A_124, %add3A_116, %dma_wait3A_125, %dma_wait3A_126] : memref<50x4x128x8x128xf32, #tpu.memory_space<hbm>> -> memref<1x4x1x8x128xf32, #tpu.memory_space<hbm>>
    %dma_wait3A_128 = tpu.memref_squeeze %dma_wait3A_127 : memref<1x4x1x8x128xf32, #tpu.memory_space<hbm>> -> memref<4x8x128xf32, #tpu.memory_space<hbm>>
    %dma_wait3A_129 = arith.constant 0 : i32
    %dma_wait3A_130 = arith.constant 0 : i32
    %dma_wait3A_131 = arith.constant 0 : i32
    %dma_wait3A_132 = tpu.memref_slice %arg4[%dma_wait3A_118, %dma_wait3A_129, %add3A_116, %dma_wait3A_130, %dma_wait3A_131] : memref<50x4x128x8x128xf32, #tpu.memory_space<hbm>> -> memref<1x4x1x8x128xf32, #tpu.memory_space<hbm>>
    %dma_wait3A_133 = tpu.memref_squeeze %dma_wait3A_132 : memref<1x4x1x8x128xf32, #tpu.memory_space<hbm>> -> memref<4x8x128xf32, #tpu.memory_space<hbm>>
    %dma_wait3A_134 = arith.constant 0 : i32
    %dma_wait3A_135 = arith.constant 0 : i32
    %dma_wait3A_136 = arith.constant 0 : i32
    %dma_wait3A_137 = tpu.memref_slice %arg7[%dma_wait3A_117, %dma_wait3A_134, %dma_wait3A_135, %dma_wait3A_136] : memref<4x4x8x129xf32, #tpu.memory_space<vmem>> -> memref<1x4x8x128xf32, #tpu.memory_space<vmem>>
    %dma_wait3A_138 = tpu.memref_squeeze %dma_wait3A_137 : memref<1x4x8x128xf32, #tpu.memory_space<vmem>> -> memref<4x8x128xf32, #tpu.memory_space<vmem>>
    tpu.wait_dma2 semaphore(%arg14 : memref<!tpu.dma_semaphore, #tpu.memory_space<semaphore_mem>>) src(%dma_wait3A_138 : memref<4x8x128xf32, #tpu.memory_space<vmem>>) dst(%dma_wait3A_133 : memref<4x8x128xf32, #tpu.memory_space<hbm>>)
    %mul3A_139 = arith.constant 4 : i32
    %mul3A_140 = arith.muli %add3A, %mul3A_139 : i32
    %add3A_141 = arith.constant 3 : i32
    %add3A_142 = arith.addi %mul3A_140, %add3A_141 : i32
    %dma_wait3A_143 = arith.constant 3 : i32
    %dma_wait3A_144 = arith.constant 49 : i32
    %dma_wait3A_145 = arith.constant 0 : i32
    %dma_wait3A_146 = arith.constant 0 : i32
    %dma_wait3A_147 = arith.constant 0 : i32
    %dma_wait3A_148 = tpu.memref_slice %arg7[%dma_wait3A_143, %dma_wait3A_145, %dma_wait3A_146, %dma_wait3A_147] : memref<4x4x8x129xf32, #tpu.memory_space<vmem>> -> memref<1x4x8x128xf32, #tpu.memory_space<vmem>>
    %dma_wait3A_149 = tpu.memref_squeeze %dma_wait3A_148 : memref<1x4x8x128xf32, #tpu.memory_space<vmem>> -> memref<4x8x128xf32, #tpu.memory_space<vmem>>
    %dma_wait3A_150 = arith.constant 0 : i32
    %dma_wait3A_151 = arith.constant 0 : i32
    %dma_wait3A_152 = arith.constant 0 : i32
    %dma_wait3A_153 = tpu.memref_slice %arg4[%dma_wait3A_144, %dma_wait3A_150, %add3A_142, %dma_wait3A_151, %dma_wait3A_152] : memref<50x4x128x8x128xf32, #tpu.memory_space<hbm>> -> memref<1x4x1x8x128xf32, #tpu.memory_space<hbm>>
    %dma_wait3A_154 = tpu.memref_squeeze %dma_wait3A_153 : memref<1x4x1x8x128xf32, #tpu.memory_space<hbm>> -> memref<4x8x128xf32, #tpu.memory_space<hbm>>
    %dma_wait3A_155 = arith.constant 0 : i32
    %dma_wait3A_156 = arith.constant 0 : i32
    %dma_wait3A_157 = arith.constant 0 : i32
    %dma_wait3A_158 = tpu.memref_slice %arg4[%dma_wait3A_144, %dma_wait3A_155, %add3A_142, %dma_wait3A_156, %dma_wait3A_157] : memref<50x4x128x8x128xf32, #tpu.memory_space<hbm>> -> memref<1x4x1x8x128xf32, #tpu.memory_space<hbm>>
    %dma_wait3A_159 = tpu.memref_squeeze %dma_wait3A_158 : memref<1x4x1x8x128xf32, #tpu.memory_space<hbm>> -> memref<4x8x128xf32, #tpu.memory_space<hbm>>
    %dma_wait3A_160 = arith.constant 0 : i32
    %dma_wait3A_161 = arith.constant 0 : i32
    %dma_wait3A_162 = arith.constant 0 : i32
    %dma_wait3A_163 = tpu.memref_slice %arg7[%dma_wait3A_143, %dma_wait3A_160, %dma_wait3A_161, %dma_wait3A_162] : memref<4x4x8x129xf32, #tpu.memory_space<vmem>> -> memref<1x4x8x128xf32, #tpu.memory_space<vmem>>
    %dma_wait3A_164 = tpu.memref_squeeze %dma_wait3A_163 : memref<1x4x8x128xf32, #tpu.memory_space<vmem>> -> memref<4x8x128xf32, #tpu.memory_space<vmem>>
    tpu.wait_dma2 semaphore(%arg15 : memref<!tpu.dma_semaphore, #tpu.memory_space<semaphore_mem>>) src(%dma_wait3A_164 : memref<4x8x128xf32, #tpu.memory_space<vmem>>) dst(%dma_wait3A_159 : memref<4x8x128xf32, #tpu.memory_space<hbm>>)
    return
  }
}

</mosaic_0001>

<sc_bundles>
// kernel: _embed.3.cloned.1.call-start
scs
__scs_entry_jumppad:
0x0: {  	(pc) =	sbr.rel $0x88, $3  }
0x1: {  	(tag) =	ssettag $0x0;
	lr =	simm.s32 $0x1  }
0x2: {  	[smem:$0x3F9F] =	sst lr;
	_ =	strace $0xD0000000  }
0x3: {  	_ = 	snop  }
0x4: {  	_ = 	snop  }
0x5: {  	_ = 	snop  }
0x6: {  	_ = 	snop  }
0x7: {  	_ = 	snop  }
__scs_overlays_trampoline_lowered:
0x8: {  	[smem:$0x3FAE] =	sst s0  }
0x9: {  	[smem:$0x3FAF] =	sst s1  }
0xa: {  	[smem:$0x3FB0] =	sst s2  }
0xb: {  	[smem:$0x3FB1] =	sst s3  }
0xc: {  	[smem:$0x3FB2] =	sst s4  }
0xd: {  	[smem:$0x3FB3] =	sst s5  }
0xe: {  	[smem:$0x3FB4] =	sst s6  }
0xf: {  	[smem:$0x3FB5] =	sst s7  }
0x10: {  	[smem:$0x3FB6] =	sst s8  }
0x11: {  	[smem:$0x3FB7] =	sst s9;
	s0 =	simm.s32 @!p0 $0x0  }
0x12: {  	s1 =	sld [smem:$0x3F9D];
	s0 =	simm.s32 @p0 $0x1  }
0x13: {  	[smem:$0x3FB8] =	sst s0;
	s0 =	simm.s32 @!p1 $0x0  }
0x14: {  	s2 =	sld [smem:$0x3F9C];
	s0 =	simm.s32 @p1 $0x1  }
0x15: {  	[smem:$0x3FB9] =	sst s0;
	s0 =	simm.s32 @!p2 $0x0  }
0x16: {  	s3 =	sld [smem:$0x3FDB];
	s0 =	simm.s32 @p2 $0x1  }
0x17: {  	s4 =	simm.s32 $0x1BF5;
	[smem:$0x3FBB] =	sst s0  }
0x18: {  	s0 =	sld [smem:$0x3F9E];
	_ =	swait.ge [sflag:s4], $0x0  }
0x19: {  	s7 =	sld [smem:$0x3F9F]  }
0x1a: {  	s8 =	sadd.s32 $0xFFFFE003, lr  }
0x1b: {  	s9 =	sadd.s32 $0xFFFFFEF7, lr;
	s5 =	simm.s32 $0xFFFFFFFF;
	p2 =	slt.u32 s8, $0xFFFFF086  }
0x1c: {  	p1 =	slt.u32 s9, $0xF7A;
	s5 =	simm.s32 @!p2 $0x0  }
0x1d: {  	s5 =	simm.s32 @p1 $0x1;
	p0 =	seq.s32 s7, s2  }
0x1e: {  	s7 =	smul.u32 @!p0 $0xF7A, s2;
	p2 =	seq.s32 @!p0 s5, $0x0  }
0x1f: {  	s9 =	smul.u32 $0xF7A, s1;
	s8 =	simm.s32 @!p0 $0x1BF5;
	p2 =	por !p2, p0  }
0x20: {  	[sflag:s8] =	ssyncset.s32 @!p0 $0xFFFFF086;
	s6 =	sadd.s32 @!p0 s3, s7;
	s7 =	simm.s32 @!p0 $0x108  }
0x21: {  	s3 =	sadd.s32 s3, s9;
	s6 =	sadd.s32 @!p0 $0x88, s6;
	s7 =	simm.s32 @p2 $0x1082  }
0x22: {  	[simem:s7], [sflag:s8] =	dma.local @!p0 [hbm:s6], $0xF7A  }
0x23: {  	s9 =	sor.u32 $0xD0000000, s2;
	s6 =	simm.s32 $0x108;
	_ =	swait.ge @!p0 [sflag:s8], $0x0  }
0x24: {  	s3 =	sadd.s32 $0x88, s3;
	s6 =	simm.s32 @!p1 $0x1082;
	[sflag:s4] =	ssyncset.s32 $0xFFFFF086  }
0x25: {  	[simem:s6], [sflag:s4] =	dma.local [hbm:s3], $0xF7A  }
0x26: {  	[smem:$0x3F9F] =	sst s1;
	(tag) =	ssettag s2;
	_ =	strace s9  }
0x27: {  	s1 =	sld [smem:$0x3FAF]  }
0x28: {  	s2 =	sld [smem:$0x3FB0]  }
0x29: {  	s4 =	sld [smem:$0x3FB2]  }
0x2a: {  	p0 =	seq.s32 s5, $0x0;
	s5 =	sld [smem:$0x3FB3]  }
0x2b: {  	s6 =	sld [smem:$0x3FB4]  }
0x2c: {  	s7 =	sld [smem:$0x3FB5]  }
0x2d: {  	s3 =	simm.s32 $0x108;
	s8 =	sld [smem:$0x3FB6]  }
0x2e: {  	s3 =	simm.s32 @!p0 $0x1082;
	s9 =	sld [smem:$0x3FB7]  }
0x2f: {  	lr =	sadd.s32 s0, s3;
	s0 =	sld [smem:$0x3FAE]  }
0x30: {  	s3 =	sld [smem:$0x3FB1]  }
0x31: {  	[smem:$0x3FBA] =	sst s10  }
0x32: {  	s10 =	sld [smem:$0x3FB8];
	_ =	sdelay $0x3  }
0x33: {  	p0 =	seq.s32 s10, $0x1;
	s10 =	sld [smem:$0x3FBA];
	_ =	sdelay $0x3  }
0x34: {  	[smem:$0x3FBA] =	sst s10  }
0x35: {  	s10 =	sld [smem:$0x3FB9];
	_ =	sdelay $0x3  }
0x36: {  	p1 =	seq.s32 s10, $0x1;
	s10 =	sld [smem:$0x3FBA];
	_ =	sdelay $0x3  }
0x37: {  	[smem:$0x3FBA] =	sst s10  }
0x38: {  	s10 =	sld [smem:$0x3FBB]  }
0x39: {  	_ = 	snop;
	(pc) =	sbr.ind lr, $3  }
0x3a: {  	_ = 	snop  }
0x3b: {  	_ = 	snop  }
0x3c: {  	p2 =	seq.s32 s10, $0x1;
	s10 =	sld [smem:$0x3FBA]  }
0x3d: {  	_ =	shalt  }
0x3e: {  	_ =	shalt  }
0x3f: {  	_ =	shalt  }
0x40: {  	_ =	shalt  }
0x41: {  	_ =	shalt  }
0x42: {  	_ =	shalt  }
0x43: {  	_ =	shalt  }
0x44: {  	_ =	shalt  }
0x45: {  	_ =	shalt  }
0x46: {  	_ =	shalt  }
0x47: {  	_ =	shalt  }
0x48: {  	_ =	shalt  }
0x49: {  	_ =	shalt  }
0x4a: {  	_ =	shalt  }
0x4b: {  	_ =	shalt  }
0x4c: {  	_ =	shalt  }
0x4d: {  	_ =	shalt  }
0x4e: {  	_ =	shalt  }
0x4f: {  	_ =	shalt  }
0x50: {  	_ =	shalt  }
0x51: {  	_ =	shalt  }
0x52: {  	_ =	shalt  }
0x53: {  	_ =	shalt  }
0x54: {  	_ =	shalt  }
0x55: {  	_ =	shalt  }
0x56: {  	_ =	shalt  }
0x57: {  	_ =	shalt  }
0x58: {  	_ =	shalt  }
0x59: {  	_ =	shalt  }
0x5a: {  	_ =	shalt  }
0x5b: {  	_ =	shalt  }
0x5c: {  	_ =	shalt  }
0x5d: {  	_ =	shalt  }
0x5e: {  	_ =	shalt  }
0x5f: {  	_ =	shalt  }
0x60: {  	_ =	shalt  }
0x61: {  	_ =	shalt  }
0x62: {  	_ =	shalt  }
0x63: {  	_ =	shalt  }
0x64: {  	_ =	shalt  }
0x65: {  	_ =	shalt  }
0x66: {  	_ =	shalt  }
0x67: {  	_ =	shalt  }
0x68: {  	_ =	shalt  }
0x69: {  	_ =	shalt  }
0x6a: {  	_ =	shalt  }
0x6b: {  	_ =	shalt  }
0x6c: {  	_ =	shalt  }
0x6d: {  	_ =	shalt  }
0x6e: {  	_ =	shalt  }
0x6f: {  	_ =	shalt  }
0x70: {  	_ =	shalt  }
0x71: {  	_ =	shalt  }
0x72: {  	_ =	shalt  }
0x73: {  	_ =	shalt  }
0x74: {  	_ =	shalt  }
0x75: {  	_ =	shalt  }
0x76: {  	_ =	shalt  }
0x77: {  	_ =	shalt  }
0x78: {  	_ =	shalt  }
0x79: {  	_ =	shalt  }
0x7a: {  	_ =	shalt  }
0x7b: {  	_ =	shalt  }
0x7c: {  	_ =	shalt  }
0x7d: {  	_ =	shalt  }
0x7e: {  	_ =	shalt  }
0x7f: {  	_ =	shalt  }
0x80: {  	_ =	shalt  }
0x81: {  	_ =	shalt  }
0x82: {  	_ =	shalt  }
0x83: {  	_ =	shalt  }
0x84: {  	_ =	shalt  }
0x85: {  	_ =	shalt  }
0x86: {  	_ =	shalt  }
0x87: {  	_ =	shalt  }
.Lfunc_end0:
.L_simem_size_0:
called_computation_lowered:
.L_overlay_start_0:
0x88: {  	s2 =	sld [smem:$0x3FD9]  }
0x89: {  	s3 =	sld [smem:$0x3FFE];
	_ =	sdelay $0x1  }
0x8a: {  	s1 =	srdreg.scid  }
0x8b: {  	s0 =	sand.u32 $0x1, s1  }
0x8c: {  	s17 =	sshll.u32 s0, $0xA;
	s2 =	sadd.s32 s3, s2  }
0x8d: {  	s2 =	sadd.s32 s2, s17  }
0x8e: {  	[smem:$0x3FC6] =	sst s2  }
0x8f: {  	_ = 	snop  }
0x90: {  	s2 =	sld [smem:$0x3FD0];
	(tm) =	ssettm $0x1  }
0x91: {  	s18 =	sld [smem:$0x3FFB];
	_ =	sdelay $0x3  }
0x92: {  	_ =	strace s18  }
0x93: {  	s3 =	sld [smem:$0x3FFC];
	_ =	sdelay $0x3  }
0x94: {  	_ =	strace s3  }
0x95: {  	s3 =	sld [smem:$0x3FFD];
	_ =	sdelay $0x3  }
0x96: {  	_ =	strace s3  }
0x97: {  	_ =	strace $0x8FFFFFFF  }
0x98: {  	s19 =	sld [smem:$0x3FDB];
	_ =	sdelay $0x1  }
0x99: {  	s4 =	simm.s32 $_scs_section_size  }
0x9a: {  	s5 =	simm.s32 $_size__tile_overlayer_lowered;
	s6 =	simm.s32 $_tile_overlayer_lowered  }
0x9b: {  	s22 =	simm.s32 $0x1BFF;
	s21 =	sshll.u32 s6, $0x1;
	s3 =	sadd.s32 s4, s19  }
0x9c: {  	s7 =	simm.s32 $0x0;
	s20 =	sshll.u32 s5, $0x1;
	s5 =	sadd.s32 s21, s3  }
0x9d: {  	[timem:s7], [sflag:s22] =	dma.local [hbm:s5], s20  }
0x9e: {  	_ =	swait.ge [sflag:s22], s20  }
0x9f: {  	s4 =	ssub.s32 $0x0, s20;
	[sflag:s22] =	ssyncset.done $0x0  }
0xa0: {  	[sflag:s22] =	ssyncadd.s32 s4;
	_ =	sdelay $0x1  }
0xa1: {  	s23 =	simm.s32 $0x1B8B  }
0xa2: {  	_ =	swait.ge [sflag:s23], $0x1  }
0xa3: {  	[sflag:s23] =	ssyncset.done $0x0  }
0xa4: {  	s25 =	simm.s32 $0x1B8E;
	s24 =	sld [smem:$0x3FFE];
	[sflag:s23] =	ssyncadd.s32 $0xFFFFFFFF  }
0xa5: {  	s26 =	simm.s32 $execute0_lowered;
	[smem:$0x3FD2] =	sst s25  }
0xa6: {  	s5 =	sshll.u32 s26, $0x1;
	_ =	strace $0x80000046;
	[dreg:$0x1] =	wrdreg $0xFFFFFFFF  }
0xa7: {  	s28 =	simm.s32 $_size_execute0_lowered;
	s3 =	sadd.s32 s3, s5;
	[dreg:$0x0] =	wrdreg $0x0  }
0xa8: {  	s5 =	sshll.u32 s28, $0x1;
	[dreg:$0x2] =	wrdreg s3  }
0xa9: {  	[dreg:$0x3] =	wrdreg s5  }
0xaa: {  	[dreg:$0x4] =	wrdreg $0xC0  }
0xab: {  	_ =	task [dreg:s7], $0x5FFFF  }
0xac: {  	[dreg:$0x1] =	wrdreg $0xFFFFFFFF  }
0xad: {  	[dreg:$0x0] =	wrdreg $0x60  }
0xae: {  	[dreg:$0x2] =	wrdreg s24  }
0xaf: {  	[dreg:$0x3] =	wrdreg s2  }
0xb0: {  	[dreg:$0x4] =	wrdreg $0x9  }
0xb1: {  	_ =	task.clear_ibuf [dreg:s7], $0x5FFFF;
	_ =	strace $0x90000046  }
0xb2: {  	s29 =	simm.s32 $0x9;
	_ =	strace $0x80000048  }
0xb3: {  	_ =	swait.ge [sflag:s29], $0x1  }
0xb4: {  	[sflag:s29] =	ssyncadd.s32 $0xFFFFFFFF  }
0xb5: {  	_ =	strace $0x90000048  }
0xb6: {  	_ =	sfence  }
0xb7: {  	s30 =	sld [smem:$0x0];
	_ =	sdelay $0x2  }
0xb8: {  	s31 =	sshll.u32 s1, $0xD;
	s1 =	sshrl.u32 s1, $0x2  }
0xb9: {  	s3 =	sand.u32 $0x4000, s31;
	s1 =	sadd.s32 s1, s30  }
0xba: {  	s0 =	sor.u32 s3, s0;
	s1 =	sshll.u32 s1, $0x11  }
0xbb: {  	s0 =	sor.u32 s1, s0  }
0xbc: {  	s0 =	sadd.s32 $0x8F2B, s0  }
0xbd: {  	[sflag:s0] =	ssyncadd.remote.s32 $0x1  }
0xbe: {  	_ =	sfence.sel $0xFFFF  }
0xbf: {  	[dreg:$0x0] =	wrdreg $0xFFFFFFFF;
	(pc) =	sbr.abs _section_cstart, $3  }
0xc0: {  	[dreg:$0x1] =	wrdreg $0xFFFFFFFF  }
0xc1: {  	_ =	task.clear_ibuf [dreg:s7], $0x2FFFF;
	_ =	strace $0x9FFFFFFF  }
0xc2: {  	(tm) =	ssettm $0x7FFFFFFF  }
0xc3: {  	_ =	shalt  }
tec
execute0_lowered:
.L_overlay_start_1:
0x0: {  	(tag) =	ssettag $0x1  }
0x1: {  	s0 =	rddreg [dreg:$0x0]  }
0x2: {  	s2 =	rddreg [dreg:$0x1];
	s1 =	srdreg.scid  }
0x3: {  	s4 =	stileid.u32;
	s3 =	simm.s32 $0x0;
	s11 =	simm.s32 $0x80  }
0x4: {  	s23 =	simm.s32 $0x1;
	s24 =	simm.s32 $0xA400;
	s14 =	simm.s32 $0xB500  }
0x5: {  	s7 =	simm.s32 $0x3;
	s8 =	simm.s32 $0xC600;
	s15 =	simm.s32 $0x4  }
0x6: {  	s16 =	simm.s32 $0xD700;
	s10 =	simm.s32 $0xE4D0;
	s12 =	simm.s32 $0xE558  }
0x7: {  	s13 =	simm.s32 $0xE5E0;
	s1 =	sand.u32 $0x1, s1;
	s4 =	sshll.u32 s4, $0x1  }
0x8: {  	s22 =	simm.s32 $0xE668;
	s25 =	simm.s32 $0xE6F0;
	s5 =	sor.u32 s1, s4  }
0x9: {  	v0 =	vlaneseq.u32;
	s17 =	simm.s32 $0x0;
	[smem:$0x7FF] =	sst s3;
	s4 =	sshll.u32 s5, $0x6  }
0xa: {  	v1 =	vimm.s32 $0x0;
	vm0 =	vcmask $0x300;
	v0 =	vmul.u32 $0x88, v0;
	_ =	strace $0x80000047;
	s1 =	ssub.s32 $0x2, s1;
	s6 =	sadd.s32 s4, s0  }
0xb: {  	v1 =	vsel vm0, $0x3, v1;
	s26 =	sshrl.u32 s1, $0x1;
	s9 =	sshll.u32 s5, $0x2;
	s28 =	sadd.s32 $0x600, s6  }
.Ltmp0:
0xc: {  	v2 =	vadd.s32 $0x880, v0;
	v3 =	vor.u32 $0x1, v0;
	v4 =	vadd.s32 $0x881, v0;
	s29 =	sadd.s32 $0x610, s6;
	[dreg:$0x3] =	wrdreg s28;
	(pc) =	sbr.rel .LBB2_1-.Ltmp0, $4  }
0xd: {  	v5 =	vor.u32 $0x2, v0;
	v6 =	vadd.s32 $0x882, v0;
	v7 =	vor.u32 $0x3, v0;
	s4 =	sadd.s32 $0xF42A00, s0;
	s30 =	sadd.s32 $0x620, s6;
	[dreg:$0x4] =	wrdreg s29  }
0xe: {  	v8 =	vadd.s32 $0x883, v0;
	v9 =	vor.u32 $0x4, v0;
	v10 =	vadd.s32 $0x884, v0;
	s0 =	ssub.s32 s1, s26;
	s31 =	sadd.s32 $0x630, s6;
	[dreg:$0x5] =	wrdreg s30  }
0xf: {  	v11 =	vor.u32 $0x5, v0;
	v12 =	vadd.s32 $0x885, v0;
	v13 =	vor.u32 $0x6, v0;
	s1 =	simm.s32 $0x2;
	s0 =	smax.u32 s0, $0x1;
	[dreg:$0x6] =	wrdreg s31  }
0x10: {  	v14 =	vadd.s32 $0x886, v0;
	v15 =	vor.u32 $0x7, v0;
	v16 =	vadd.s32 $0x887, v0;
	s26 =	simm.s32 $0xE778;
	s6 =	simm.s32 $0xE448;
	[dreg:$0x7] =	wrdreg s0  }
.LBB2_12:
0x11: {  	s0 =	simm.s32 $0x5  }
0x12: {  	_ =	swait.ge [sflag:s0], $0x1000  }
0x13: {  	[sflag:s0] =	ssyncset.done $0x0  }
0x14: {  	s29 =	simm.s32 $0x6;
	[sflag:s0] =	ssyncadd.s32 $0xFFFFF000  }
0x15: {  	_ =	swait.ge [sflag:s29], $0x1000  }
0x16: {  	[sflag:s29] =	ssyncset.done $0x0  }
0x17: {  	s30 =	simm.s32 $0x7;
	[sflag:s29] =	ssyncadd.s32 $0xFFFFF000  }
0x18: {  	_ =	swait.ge [sflag:s30], $0x1000  }
0x19: {  	[sflag:s30] =	ssyncset.done $0x0  }
0x1a: {  	s5 =	simm.s32 $0x8;
	[sflag:s30] =	ssyncadd.s32 $0xFFFFF000  }
0x1b: {  	_ =	swait.ge [sflag:s5], $0x1000  }
0x1c: {  	s17 =	rddreg [dreg:$0x8]  }
0x1d: {  	s31 =	rddreg [dreg:$0x7];
	s17 =	sadd.s32 $0x1, s17  }
0x1e: {  	p0 =	sne.s32 s17, s31  }
.Ltmp1:
0x1f: {  	_ = 	snop;
	(pc) =	sbr.rel @!p0 .LBB2_13-.Ltmp1, $3  }
0x20: {  	_ =	sdelay $0x1  }
0x21: {  	[sflag:s5] =	ssyncset.done $0x0  }
0x22: {  	[sflag:s5] =	ssyncadd.s32 $0xFFFFF000  }
.LBB2_1:
0x23: {  	[dreg:$0x8] =	wrdreg s17  }
0x24: {  	s0 =	rddreg [dreg:$0x3];
	s5 =	simm.s32 $0x4000;
	s19 =	simm.s32 $0x9  }
0x25: {  	[tilespmem:s3], [sflag:$0x9] =	stream.strided.gather [hbm4b:s0+s11], $0x1900, s5, s11, $0x38;
	[tilespmem:$0xE800] =	vst v63  }
0x26: {  	_ =	swait.ge [sflag:s19], $0x1900  }
0x27: {  	[sflag:s19] =	ssyncset.done $0x0  }
0x28: {  	s18 =	simm.s32 $0x1900;
	s20 =	rddreg [dreg:$0x4];
	[sflag:s19] =	ssyncadd.s32 $0xFFFFE700  }
0x29: {  	[tilespmem:s18], [sflag:$0x9] =	stream.strided.gather [hbm4b:s20+s11], $0x1900, s5, s11, $0x38;
	[tilespmem:$0xE800] =	vst v63  }
0x2a: {  	_ =	swait.ge [sflag:s19], $0x1900  }
0x2b: {  	[sflag:s19] =	ssyncset.done $0x0  }
0x2c: {  	s29 =	simm.s32 $0x3200;
	s21 =	rddreg [dreg:$0x5];
	[sflag:s19] =	ssyncadd.s32 $0xFFFFE700  }
0x2d: {  	[tilespmem:s29], [sflag:$0x9] =	stream.strided.gather [hbm4b:s21+s11], $0x1900, s5, s11, $0x38;
	[tilespmem:$0xE800] =	vst v63  }
0x2e: {  	_ =	swait.ge [sflag:s19], $0x1900  }
0x2f: {  	[sflag:s19] =	ssyncset.done $0x0  }
0x30: {  	s31 =	simm.s32 $0x4B00;
	s30 =	rddreg [dreg:$0x6];
	[sflag:s19] =	ssyncadd.s32 $0xFFFFE700  }
0x31: {  	[tilespmem:s31], [sflag:$0x9] =	stream.strided.gather [hbm4b:s30+s11], $0x1900, s5, s11, $0x38;
	[tilespmem:$0xE800] =	vst v63  }
0x32: {  	_ =	swait.ge [sflag:s19], $0x1900  }
0x33: {  	[sflag:s19] =	ssyncset.done $0x0  }
0x34: {  	[sflag:s19] =	ssyncadd.s32 $0xFFFFE700;
	s19 =	simm.s32 $0x6400  }
0x35: {  	[tilespmem:s19], [sflag:$0x1] =	stream.indirect.gather [hbm4b:s4+s11], $0x20, s3, s11, $0xb8;
	[tilespmem:$0xE800] =	vst v63  }
0x36: {  	s20 =	simm.s32 $0x7400  }
0x37: {  	[tilespmem:s20], [sflag:$0x2] =	stream.indirect.gather [hbm4b:s4+s11], $0x20, s11, s11, $0xb8;
	[tilespmem:$0xE800] =	vst v63  }
0x38: {  	s21 =	simm.s32 $0x100;
	s29 =	simm.s32 $0x8400  }
0x39: {  	[tilespmem:s29], [sflag:$0x3] =	stream.indirect.gather [hbm4b:s4+s11], $0x20, s21, s11, $0xb8;
	[tilespmem:$0xE800] =	vst v63  }
0x3a: {  	s28 =	simm.s32 $0x0;
	s30 =	simm.s32 $0x180;
	s31 =	simm.s32 $0x9400  }
0x3b: {  	[tilespmem:s31], [sflag:$0x4] =	stream.indirect.gather [hbm4b:s4+s11], $0x20, s30, s11, $0xb8;
	[tilespmem:$0xE800] =	vst v63  }
.LBB2_2:
0x3c: {  	_ =	swait.ge [sflag:s23], $0x1000  }
0x3d: {  	p0 =	seq.s32 s28, $0x0;
	[sflag:s23] =	ssyncset.done $0x0  }
0x3e: {  	s17 =	simm.s32 $0x0;
	s0 =	simm.s32 @!p0 $0x5;
	[sflag:s23] =	ssyncadd.s32 $0xFFFFF000  }
0x3f: {  	v17 =	vmov s17;
	_ =	swait.ge @!p0 [sflag:s0], $0x1000  }
0x40: {  	v17 =	vshrl.u32 v17, $0x3;
	[sflag:s0] =	ssyncset.done @!p0 $0x0  }
0x41: {  	v17 =	vshll.u32 v17, v1;
	[sflag:s0] =	ssyncadd.s32 @!p0 $0xFFFFF000;
	s0 =	simm.s32 $0x6480  }
0x42: {  	v17 =	vbroadcast v17, $0x0;
	v18 =	vld [tilespmem:s0+$0xFFFFFF80];
	_ =	sdelay $0x1  }
0x43: {  	v19 =	vadd.s32 v0, v17;
	_ =	sdelay $0x2  }
0x44: {  	v18 =	vmul.f32 $5.656854150e+00, v18;
	_ =	sdelay $0x1  }
0x45: {  	[tilespmem:v19+s24+$0x0] =	vst.idx.msk $0xffff, v18  }
0x46: {  	v18 =	vld [tilespmem:s0+$0xFFFFFF90];
	_ =	sdelay $0x1  }
0x47: {  	v17 =	vadd.s32 v2, v17;
	_ =	sdelay $0x1  }
0x48: {  	s5 =	simm.s32 $0x1  }
0x49: {  	v19 =	vmov s5;
	v18 =	vmul.f32 $5.656854150e+00, v18  }
0x4a: {  	v19 =	vshrl.u32 v19, $0x3  }
0x4b: {  	[tilespmem:v17+s24+$0x0] =	vst.idx.msk $0xffff, v18;
	v17 =	vshll.u32 v19, v1  }
0x4c: {  	v18 =	vld [tilespmem:s0+$0xFFFFFFA0];
	v17 =	vbroadcast v17, $0x0;
	_ =	sdelay $0x1  }
0x4d: {  	v19 =	vadd.s32 v3, v17;
	_ =	sdelay $0x2  }
0x4e: {  	v18 =	vmul.f32 $5.656854150e+00, v18;
	_ =	sdelay $0x1  }
0x4f: {  	[tilespmem:v19+s24+$0x0] =	vst.idx.msk $0xffff, v18  }
0x50: {  	v18 =	vld [tilespmem:s0+$0xFFFFFFB0];
	_ =	sdelay $0x1  }
0x51: {  	v17 =	vadd.s32 v4, v17;
	_ =	sdelay $0x1  }
0x52: {  	s18 =	simm.s32 $0x2  }
0x53: {  	v19 =	vmov s18;
	v18 =	vmul.f32 $5.656854150e+00, v18  }
0x54: {  	v19 =	vshrl.u32 v19, $0x3  }
0x55: {  	[tilespmem:v17+s24+$0x0] =	vst.idx.msk $0xffff, v18;
	v17 =	vshll.u32 v19, v1  }
0x56: {  	v18 =	vld [tilespmem:s0+$0xFFFFFFC0];
	v17 =	vbroadcast v17, $0x0;
	_ =	sdelay $0x1  }
0x57: {  	v19 =	vadd.s32 v5, v17;
	_ =	sdelay $0x2  }
0x58: {  	v18 =	vmul.f32 $5.656854150e+00, v18;
	_ =	sdelay $0x1  }
0x59: {  	[tilespmem:v19+s24+$0x0] =	vst.idx.msk $0xffff, v18  }
0x5a: {  	v18 =	vld [tilespmem:s0+$0xFFFFFFD0];
	_ =	sdelay $0x1  }
0x5b: {  	v17 =	vadd.s32 v6, v17;
	_ =	sdelay $0x1  }
0x5c: {  	s19 =	simm.s32 $0x3  }
0x5d: {  	v19 =	vmov s19;
	v18 =	vmul.f32 $5.656854150e+00, v18  }
0x5e: {  	v19 =	vshrl.u32 v19, $0x3  }
0x5f: {  	[tilespmem:v17+s24+$0x0] =	vst.idx.msk $0xffff, v18;
	v17 =	vshll.u32 v19, v1  }
0x60: {  	v18 =	vld [tilespmem:s0+$0xFFFFFFE0];
	v17 =	vbroadcast v17, $0x0;
	_ =	sdelay $0x1  }
0x61: {  	v19 =	vadd.s32 v7, v17;
	_ =	sdelay $0x2  }
0x62: {  	v18 =	vmul.f32 $5.656854150e+00, v18;
	_ =	sdelay $0x1  }
0x63: {  	[tilespmem:v19+s24+$0x0] =	vst.idx.msk $0xffff, v18  }
0x64: {  	v18 =	vld [tilespmem:s0+$0xFFFFFFF0];
	_ =	sdelay $0x1  }
0x65: {  	v17 =	vadd.s32 v8, v17;
	_ =	sdelay $0x1  }
0x66: {  	s20 =	simm.s32 $0x4  }
0x67: {  	v19 =	vmov s20;
	v18 =	vmul.f32 $5.656854150e+00, v18  }
0x68: {  	v19 =	vshrl.u32 v19, $0x3  }
0x69: {  	[tilespmem:v17+s24+$0x0] =	vst.idx.msk $0xffff, v18;
	v17 =	vshll.u32 v19, v1  }
0x6a: {  	v18 =	vld [tilespmem:s0+$0x0];
	v17 =	vbroadcast v17, $0x0;
	_ =	sdelay $0x1  }
0x6b: {  	v19 =	vadd.s32 v9, v17;
	_ =	sdelay $0x2  }
0x6c: {  	v18 =	vmul.f32 $5.656854150e+00, v18;
	_ =	sdelay $0x1  }
0x6d: {  	[tilespmem:v19+s24+$0x0] =	vst.idx.msk $0xffff, v18  }
0x6e: {  	v18 =	vld [tilespmem:s0+$0x10];
	_ =	sdelay $0x1  }
0x6f: {  	v17 =	vadd.s32 v10, v17;
	_ =	sdelay $0x1  }
0x70: {  	s21 =	simm.s32 $0x5  }
0x71: {  	v19 =	vmov s21;
	v18 =	vmul.f32 $5.656854150e+00, v18  }
0x72: {  	v19 =	vshrl.u32 v19, $0x3  }
0x73: {  	[tilespmem:v17+s24+$0x0] =	vst.idx.msk $0xffff, v18;
	v17 =	vshll.u32 v19, v1  }
0x74: {  	v18 =	vld [tilespmem:s0+$0x20];
	v17 =	vbroadcast v17, $0x0;
	_ =	sdelay $0x1  }
0x75: {  	v19 =	vadd.s32 v11, v17;
	_ =	sdelay $0x2  }
0x76: {  	v18 =	vmul.f32 $5.656854150e+00, v18;
	_ =	sdelay $0x1  }
0x77: {  	[tilespmem:v19+s24+$0x0] =	vst.idx.msk $0xffff, v18  }
0x78: {  	v18 =	vld [tilespmem:s0+$0x30];
	_ =	sdelay $0x1  }
0x79: {  	v17 =	vadd.s32 v12, v17;
	_ =	sdelay $0x1  }
0x7a: {  	s30 =	simm.s32 $0x6  }
0x7b: {  	v19 =	vmov s30;
	v18 =	vmul.f32 $5.656854150e+00, v18  }
0x7c: {  	v19 =	vshrl.u32 v19, $0x3  }
0x7d: {  	[tilespmem:v17+s24+$0x0] =	vst.idx.msk $0xffff, v18;
	v17 =	vshll.u32 v19, v1  }
0x7e: {  	v18 =	vld [tilespmem:s0+$0x40];
	v17 =	vbroadcast v17, $0x0;
	_ =	sdelay $0x1  }
0x7f: {  	v19 =	vadd.s32 v13, v17;
	_ =	sdelay $0x2  }
0x80: {  	v18 =	vmul.f32 $5.656854150e+00, v18;
	_ =	sdelay $0x1  }
0x81: {  	[tilespmem:v19+s24+$0x0] =	vst.idx.msk $0xffff, v18  }
0x82: {  	v18 =	vld [tilespmem:s0+$0x50];
	_ =	sdelay $0x1  }
0x83: {  	v17 =	vadd.s32 v14, v17;
	_ =	sdelay $0x1  }
0x84: {  	s31 =	simm.s32 $0x7  }
0x85: {  	v19 =	vmov s31;
	v18 =	vmul.f32 $5.656854150e+00, v18  }
0x86: {  	v19 =	vshrl.u32 v19, $0x3  }
0x87: {  	[tilespmem:v17+s24+$0x0] =	vst.idx.msk $0xffff, v18;
	v17 =	vshll.u32 v19, v1  }
0x88: {  	v18 =	vld [tilespmem:s0+$0x60];
	v17 =	vbroadcast v17, $0x0;
	_ =	sdelay $0x1  }
0x89: {  	v19 =	vadd.s32 v15, v17;
	_ =	sdelay $0x2  }
0x8a: {  	v18 =	vmul.f32 $5.656854150e+00, v18;
	_ =	sdelay $0x1  }
0x8b: {  	[tilespmem:v19+s24+$0x0] =	vst.idx.msk $0xffff, v18  }
0x8c: {  	v18 =	vld [tilespmem:s0+$0x70];
	_ =	sdelay $0x1  }
0x8d: {  	v17 =	vadd.s32 v16, v17  }
0x8e: {  	s17 =	simm.s32 $0x8  }
0x8f: {  	v19 =	vmov s17  }
0x90: {  	s29 =	sshll.u32 s28, $0x2;
	s18 =	simm.s32 $0x10;
	v19 =	vshrl.u32 v19, $0x3;
	v18 =	vmul.f32 $5.656854150e+00, v18  }
.LBB2_3:
0x91: {  	p1 =	slt.u32 s18, $0x78  }
0x92: {  	v19 =	vshll.u32 v19, v1;
	[tilespmem:v17+s24+$0x0] =	vst.idx.msk $0xffff, v18;
	s0 =	sadd.s32 $0x100, s0;
	s19 =	smov.u32 s18;
	s18 =	sadd.s32 $0x8, s18  }
0x93: {  	v17 =	vld [tilespmem:s0+$0xFFFFFF80];
	v18 =	vbroadcast v19, $0x0;
	_ =	sdelay $0x1  }
0x94: {  	v19 =	vadd.s32 v0, v18;
	_ =	sdelay $0x2  }
0x95: {  	v17 =	vmul.f32 $5.656854150e+00, v17;
	_ =	sdelay $0x1  }
0x96: {  	[tilespmem:v19+s24+$0x0] =	vst.idx.msk $0xffff, v17  }
0x97: {  	v17 =	vld [tilespmem:s0+$0xFFFFFF90];
	_ =	sdelay $0x1  }
0x98: {  	v18 =	vadd.s32 v2, v18;
	_ =	sdelay $0x1  }
0x99: {  	s20 =	sadd.s32 $0x1, s17  }
0x9a: {  	v19 =	vmov s20;
	v17 =	vmul.f32 $5.656854150e+00, v17  }
0x9b: {  	v19 =	vshrl.u32 v19, $0x3  }
0x9c: {  	[tilespmem:v18+s24+$0x0] =	vst.idx.msk $0xffff, v17;
	v17 =	vshll.u32 v19, v1  }
0x9d: {  	v18 =	vld [tilespmem:s0+$0xFFFFFFA0];
	v17 =	vbroadcast v17, $0x0;
	_ =	sdelay $0x1  }
0x9e: {  	v19 =	vadd.s32 v3, v17;
	_ =	sdelay $0x2  }
0x9f: {  	v18 =	vmul.f32 $5.656854150e+00, v18;
	_ =	sdelay $0x1  }
0xa0: {  	[tilespmem:v19+s24+$0x0] =	vst.idx.msk $0xffff, v18  }
0xa1: {  	v18 =	vld [tilespmem:s0+$0xFFFFFFB0];
	_ =	sdelay $0x1  }
0xa2: {  	v17 =	vadd.s32 v4, v17;
	_ =	sdelay $0x1  }
0xa3: {  	s20 =	sadd.s32 $0x2, s17  }
0xa4: {  	v19 =	vmov s20;
	v18 =	vmul.f32 $5.656854150e+00, v18  }
0xa5: {  	v19 =	vshrl.u32 v19, $0x3  }
0xa6: {  	[tilespmem:v17+s24+$0x0] =	vst.idx.msk $0xffff, v18;
	v17 =	vshll.u32 v19, v1  }
0xa7: {  	v18 =	vld [tilespmem:s0+$0xFFFFFFC0];
	v17 =	vbroadcast v17, $0x0;
	_ =	sdelay $0x1  }
0xa8: {  	v19 =	vadd.s32 v5, v17;
	_ =	sdelay $0x2  }
0xa9: {  	v18 =	vmul.f32 $5.656854150e+00, v18;
	_ =	sdelay $0x1  }
0xaa: {  	[tilespmem:v19+s24+$0x0] =	vst.idx.msk $0xffff, v18  }
0xab: {  	v18 =	vld [tilespmem:s0+$0xFFFFFFD0];
	_ =	sdelay $0x1  }
0xac: {  	v17 =	vadd.s32 v6, v17;
	_ =	sdelay $0x1  }
0xad: {  	s20 =	sadd.s32 $0x3, s17  }
0xae: {  	v19 =	vmov s20;
	v18 =	vmul.f32 $5.656854150e+00, v18  }
0xaf: {  	v19 =	vshrl.u32 v19, $0x3  }
0xb0: {  	[tilespmem:v17+s24+$0x0] =	vst.idx.msk $0xffff, v18;
	v17 =	vshll.u32 v19, v1  }
0xb1: {  	v18 =	vld [tilespmem:s0+$0xFFFFFFE0];
	v17 =	vbroadcast v17, $0x0;
	_ =	sdelay $0x1  }
0xb2: {  	v19 =	vadd.s32 v7, v17;
	_ =	sdelay $0x2  }
0xb3: {  	v18 =	vmul.f32 $5.656854150e+00, v18;
	_ =	sdelay $0x1  }
0xb4: {  	[tilespmem:v19+s24+$0x0] =	vst.idx.msk $0xffff, v18  }
0xb5: {  	v18 =	vld [tilespmem:s0+$0xFFFFFFF0];
	_ =	sdelay $0x1  }
0xb6: {  	v17 =	vadd.s32 v8, v17;
	_ =	sdelay $0x1  }
0xb7: {  	s20 =	sadd.s32 $0x4, s17  }
0xb8: {  	v19 =	vmov s20;
	v18 =	vmul.f32 $5.656854150e+00, v18  }
0xb9: {  	v19 =	vshrl.u32 v19, $0x3  }
0xba: {  	[tilespmem:v17+s24+$0x0] =	vst.idx.msk $0xffff, v18;
	v17 =	vshll.u32 v19, v1  }
0xbb: {  	v18 =	vld [tilespmem:s0+$0x0];
	v17 =	vbroadcast v17, $0x0;
	_ =	sdelay $0x1  }
0xbc: {  	v19 =	vadd.s32 v9, v17;
	_ =	sdelay $0x2  }
0xbd: {  	v18 =	vmul.f32 $5.656854150e+00, v18;
	_ =	sdelay $0x1  }
0xbe: {  	[tilespmem:v19+s24+$0x0] =	vst.idx.msk $0xffff, v18  }
0xbf: {  	v18 =	vld [tilespmem:s0+$0x10];
	_ =	sdelay $0x1  }
0xc0: {  	v17 =	vadd.s32 v10, v17;
	_ =	sdelay $0x1  }
0xc1: {  	s20 =	sadd.s32 $0x5, s17  }
0xc2: {  	v19 =	vmov s20;
	v18 =	vmul.f32 $5.656854150e+00, v18  }
0xc3: {  	v19 =	vshrl.u32 v19, $0x3  }
0xc4: {  	[tilespmem:v17+s24+$0x0] =	vst.idx.msk $0xffff, v18;
	v17 =	vshll.u32 v19, v1  }
0xc5: {  	v18 =	vld [tilespmem:s0+$0x20];
	v17 =	vbroadcast v17, $0x0;
	_ =	sdelay $0x1  }
0xc6: {  	v19 =	vadd.s32 v11, v17;
	_ =	sdelay $0x2  }
0xc7: {  	v18 =	vmul.f32 $5.656854150e+00, v18;
	_ =	sdelay $0x1  }
0xc8: {  	[tilespmem:v19+s24+$0x0] =	vst.idx.msk $0xffff, v18  }
0xc9: {  	v18 =	vld [tilespmem:s0+$0x30];
	_ =	sdelay $0x1  }
0xca: {  	v17 =	vadd.s32 v12, v17;
	_ =	sdelay $0x1  }
0xcb: {  	s20 =	sadd.s32 $0x6, s17  }
0xcc: {  	v19 =	vmov s20;
	v18 =	vmul.f32 $5.656854150e+00, v18  }
0xcd: {  	v19 =	vshrl.u32 v19, $0x3  }
0xce: {  	[tilespmem:v17+s24+$0x0] =	vst.idx.msk $0xffff, v18;
	v17 =	vshll.u32 v19, v1  }
0xcf: {  	v18 =	vld [tilespmem:s0+$0x40];
	v17 =	vbroadcast v17, $0x0;
	_ =	sdelay $0x1  }
0xd0: {  	v19 =	vadd.s32 v13, v17;
	_ =	sdelay $0x2  }
0xd1: {  	v18 =	vmul.f32 $5.656854150e+00, v18;
	_ =	sdelay $0x1  }
0xd2: {  	[tilespmem:v19+s24+$0x0] =	vst.idx.msk $0xffff, v18  }
0xd3: {  	v18 =	vld [tilespmem:s0+$0x50];
	_ =	sdelay $0x1  }
0xd4: {  	v17 =	vadd.s32 v14, v17;
	_ =	sdelay $0x1  }
0xd5: {  	s20 =	sadd.s32 $0x7, s17;
	s17 =	smov.u32 s19  }
0xd6: {  	v19 =	vmov s20;
	v18 =	vmul.f32 $5.656854150e+00, v18  }
0xd7: {  	v19 =	vshrl.u32 v19, $0x3  }
0xd8: {  	[tilespmem:v17+s24+$0x0] =	vst.idx.msk $0xffff, v18;
	v17 =	vshll.u32 v19, v1  }
0xd9: {  	v18 =	vld [tilespmem:s0+$0x60];
	v17 =	vbroadcast v17, $0x0;
	_ =	sdelay $0x1  }
0xda: {  	v19 =	vadd.s32 v15, v17;
	_ =	sdelay $0x2  }
0xdb: {  	v18 =	vmul.f32 $5.656854150e+00, v18;
	_ =	sdelay $0x1  }
0xdc: {  	[tilespmem:v19+s24+$0x0] =	vst.idx.msk $0xffff, v18  }
0xdd: {  	v18 =	vld [tilespmem:s0+$0x70];
	_ =	sdelay $0x1  }
.Ltmp2:
0xde: {  	v17 =	vadd.s32 v16, v17;
	(pc) =	sbr.rel @p1 .LBB2_3-.Ltmp2, $3  }
0xdf: {  	_ =	sdelay $0x1  }
0xe0: {  	v19 =	vmov s17;
	v18 =	vmul.f32 $5.656854150e+00, v18  }
0xe1: {  	v19 =	vshrl.u32 v19, $0x3  }
0xe2: {  	_ =	sdelay $0x3  }
0xe3: {  	v19 =	vshll.u32 v19, v1;
	[tilespmem:v17+s24+$0x0] =	vst.idx.msk $0xffff, v18;
	s0 =	sadd.s32 $0x100, s0  }
0xe4: {  	v17 =	vld [tilespmem:s0+$0xFFFFFF80];
	v18 =	vbroadcast v19, $0x0;
	_ =	sdelay $0x1  }
0xe5: {  	v19 =	vadd.s32 v0, v18;
	_ =	sdelay $0x2  }
0xe6: {  	v17 =	vmul.f32 $5.656854150e+00, v17;
	_ =	sdelay $0x1  }
0xe7: {  	[tilespmem:v19+s24+$0x0] =	vst.idx.msk $0xffff, v17  }
0xe8: {  	v17 =	vld [tilespmem:s0+$0xFFFFFF90];
	_ =	sdelay $0x1  }
0xe9: {  	v18 =	vadd.s32 v2, v18;
	_ =	sdelay $0x1  }
0xea: {  	s18 =	sadd.s32 $0x1, s17  }
0xeb: {  	v19 =	vmov s18;
	v17 =	vmul.f32 $5.656854150e+00, v17  }
0xec: {  	v19 =	vshrl.u32 v19, $0x3  }
0xed: {  	[tilespmem:v18+s24+$0x0] =	vst.idx.msk $0xffff, v17;
	v17 =	vshll.u32 v19, v1  }
0xee: {  	v18 =	vld [tilespmem:s0+$0xFFFFFFA0];
	v17 =	vbroadcast v17, $0x0;
	_ =	sdelay $0x1  }
0xef: {  	v19 =	vadd.s32 v3, v17;
	_ =	sdelay $0x2  }
0xf0: {  	v18 =	vmul.f32 $5.656854150e+00, v18;
	_ =	sdelay $0x1  }
0xf1: {  	[tilespmem:v19+s24+$0x0] =	vst.idx.msk $0xffff, v18  }
0xf2: {  	v18 =	vld [tilespmem:s0+$0xFFFFFFB0];
	_ =	sdelay $0x1  }
0xf3: {  	v17 =	vadd.s32 v4, v17;
	_ =	sdelay $0x1  }
0xf4: {  	s21 =	sadd.s32 $0x2, s17  }
0xf5: {  	v19 =	vmov s21;
	v18 =	vmul.f32 $5.656854150e+00, v18  }
0xf6: {  	v19 =	vshrl.u32 v19, $0x3  }
0xf7: {  	[tilespmem:v17+s24+$0x0] =	vst.idx.msk $0xffff, v18;
	v17 =	vshll.u32 v19, v1  }
0xf8: {  	v18 =	vld [tilespmem:s0+$0xFFFFFFC0];
	v17 =	vbroadcast v17, $0x0;
	_ =	sdelay $0x1  }
0xf9: {  	v19 =	vadd.s32 v5, v17;
	_ =	sdelay $0x2  }
0xfa: {  	v18 =	vmul.f32 $5.656854150e+00, v18;
	_ =	sdelay $0x1  }
0xfb: {  	[tilespmem:v19+s24+$0x0] =	vst.idx.msk $0xffff, v18  }
0xfc: {  	v18 =	vld [tilespmem:s0+$0xFFFFFFD0];
	_ =	sdelay $0x1  }
0xfd: {  	v17 =	vadd.s32 v6, v17;
	_ =	sdelay $0x1  }
0xfe: {  	s5 =	sadd.s32 $0x3, s17  }
0xff: {  	v19 =	vmov s5;
	v18 =	vmul.f32 $5.656854150e+00, v18  }
0x100: {  	v19 =	vshrl.u32 v19, $0x3  }
0x101: {  	[tilespmem:v17+s24+$0x0] =	vst.idx.msk $0xffff, v18;
	v17 =	vshll.u32 v19, v1  }
0x102: {  	v18 =	vld [tilespmem:s0+$0xFFFFFFE0];
	v17 =	vbroadcast v17, $0x0;
	_ =	sdelay $0x1  }
0x103: {  	v19 =	vadd.s32 v7, v17;
	_ =	sdelay $0x2  }
0x104: {  	v18 =	vmul.f32 $5.656854150e+00, v18;
	_ =	sdelay $0x1  }
0x105: {  	[tilespmem:v19+s24+$0x0] =	vst.idx.msk $0xffff, v18  }
0x106: {  	v18 =	vld [tilespmem:s0+$0xFFFFFFF0];
	_ =	sdelay $0x1  }
0x107: {  	v17 =	vadd.s32 v8, v17;
	_ =	sdelay $0x1  }
0x108: {  	s19 =	sadd.s32 $0x4, s17  }
0x109: {  	v19 =	vmov s19;
	v18 =	vmul.f32 $5.656854150e+00, v18  }
0x10a: {  	v19 =	vshrl.u32 v19, $0x3  }
0x10b: {  	[tilespmem:v17+s24+$0x0] =	vst.idx.msk $0xffff, v18;
	v17 =	vshll.u32 v19, v1  }
0x10c: {  	v18 =	vld [tilespmem:s0+$0x0];
	v17 =	vbroadcast v17, $0x0;
	_ =	sdelay $0x1  }
0x10d: {  	v19 =	vadd.s32 v9, v17;
	_ =	sdelay $0x2  }
0x10e: {  	v18 =	vmul.f32 $5.656854150e+00, v18;
	_ =	sdelay $0x1  }
0x10f: {  	[tilespmem:v19+s24+$0x0] =	vst.idx.msk $0xffff, v18  }
0x110: {  	v18 =	vld [tilespmem:s0+$0x10];
	_ =	sdelay $0x1  }
0x111: {  	v17 =	vadd.s32 v10, v17;
	_ =	sdelay $0x1  }
0x112: {  	s20 =	sadd.s32 $0x5, s17  }
0x113: {  	v19 =	vmov s20;
	v18 =	vmul.f32 $5.656854150e+00, v18  }
0x114: {  	v19 =	vshrl.u32 v19, $0x3  }
0x115: {  	[tilespmem:v17+s24+$0x0] =	vst.idx.msk $0xffff, v18;
	v17 =	vshll.u32 v19, v1  }
0x116: {  	v18 =	vld [tilespmem:s0+$0x20];
	v17 =	vbroadcast v17, $0x0;
	_ =	sdelay $0x1  }
0x117: {  	v19 =	vadd.s32 v11, v17;
	_ =	sdelay $0x2  }
0x118: {  	v18 =	vmul.f32 $5.656854150e+00, v18;
	_ =	sdelay $0x1  }
0x119: {  	[tilespmem:v19+s24+$0x0] =	vst.idx.msk $0xffff, v18  }
0x11a: {  	v18 =	vld [tilespmem:s0+$0x30];
	_ =	sdelay $0x1  }
0x11b: {  	v17 =	vadd.s32 v12, v17;
	_ =	sdelay $0x1  }
0x11c: {  	s21 =	sadd.s32 $0x6, s17  }
0x11d: {  	v19 =	vmov s21;
	v18 =	vmul.f32 $5.656854150e+00, v18  }
0x11e: {  	v19 =	vshrl.u32 v19, $0x3  }
0x11f: {  	[tilespmem:v17+s24+$0x0] =	vst.idx.msk $0xffff, v18;
	v17 =	vshll.u32 v19, v1  }
0x120: {  	v18 =	vld [tilespmem:s0+$0x40];
	v17 =	vbroadcast v17, $0x0;
	_ =	sdelay $0x1  }
0x121: {  	v19 =	vadd.s32 v13, v17;
	_ =	sdelay $0x2  }
0x122: {  	v18 =	vmul.f32 $5.656854150e+00, v18;
	_ =	sdelay $0x1  }
0x123: {  	[tilespmem:v19+s24+$0x0] =	vst.idx.msk $0xffff, v18  }
0x124: {  	v18 =	vld [tilespmem:s0+$0x50];
	_ =	sdelay $0x1  }
0x125: {  	v17 =	vadd.s32 v14, v17;
	_ =	sdelay $0x1  }
0x126: {  	s5 =	sadd.s32 $0x7, s17  }
0x127: {  	v19 =	vmov s5;
	v18 =	vmul.f32 $5.656854150e+00, v18  }
0x128: {  	v19 =	vshrl.u32 v19, $0x3  }
0x129: {  	[tilespmem:v17+s24+$0x0] =	vst.idx.msk $0xffff, v18;
	v17 =	vshll.u32 v19, v1  }
0x12a: {  	v18 =	vld [tilespmem:s0+$0x60];
	v17 =	vbroadcast v17, $0x0;
	_ =	sdelay $0x1  }
0x12b: {  	v19 =	vadd.s32 v15, v17;
	_ =	sdelay $0x2  }
0x12c: {  	v18 =	vmul.f32 $5.656854150e+00, v18  }
0x12d: {  	s18 =	smulhi.u32 $0x51EB851F, s29  }
0x12e: {  	[tilespmem:v19+s24+$0x0] =	vst.idx.msk $0xffff, v18  }
0x12f: {  	s19 =	sshrl.u32 s18, $0x4;
	v18 =	vld [tilespmem:s0+$0x70]  }
0x130: {  	s31 =	smul.u32 $0xFFFFFFCE, s19  }
0x131: {  	v17 =	vadd.s32 v16, v17  }
0x132: {  	s20 =	sadd.s32 s29, s31;
	s0 =	sadd.s32 s9, s19  }
0x133: {  	s17 =	sshll.u32 s20, $0x13;
	s0 =	sshll.u32 s0, $0xA  }
0x134: {  	s17 =	sadd.s32 s0, s17;
	v18 =	vmul.f32 $5.656854150e+00, v18  }
0x135: {  	s17 =	sshrl.u32 s17, $0x3  }
0x136: {  	s17 =	sadd.s32 s2, s17;
	[tilespmem:v17+s24+$0x0] =	vst.idx.msk $0xffff, v18  }
0x137: {  	[hbm4b:s17+s3] =	stream.linear.scatter [tilespmem:s24], [sflag:$0x5], $0x80, $0x38;
	[tilespmem:$0xE800] =	vst v63  }
0x138: {  	s5 =	simm.s32 $0xA488;
	s21 =	sadd.s32 $0x10, s17  }
0x139: {  	[hbm4b:s21+s3] =	stream.linear.scatter [tilespmem:s5], [sflag:$0x5], $0x80, $0x38;
	[tilespmem:$0xE800] =	vst v63  }
0x13a: {  	s19 =	simm.s32 $0xA510;
	s5 =	sadd.s32 $0x20, s17  }
0x13b: {  	[hbm4b:s5+s3] =	stream.linear.scatter [tilespmem:s19], [sflag:$0x5], $0x80, $0x38;
	[tilespmem:$0xE800] =	vst v63  }
0x13c: {  	s20 =	sadd.s32 $0x30, s17;
	s21 =	simm.s32 $0xA598  }
0x13d: {  	[hbm4b:s20+s3] =	stream.linear.scatter [tilespmem:s21], [sflag:$0x5], $0x80, $0x38;
	[tilespmem:$0xE800] =	vst v63  }
0x13e: {  	s5 =	sadd.s32 $0x40, s17;
	s19 =	simm.s32 $0xA620  }
0x13f: {  	[hbm4b:s5+s3] =	stream.linear.scatter [tilespmem:s19], [sflag:$0x5], $0x80, $0x38;
	[tilespmem:$0xE800] =	vst v63  }
0x140: {  	s20 =	sadd.s32 $0x50, s17;
	s21 =	simm.s32 $0xA6A8  }
0x141: {  	[hbm4b:s20+s3] =	stream.linear.scatter [tilespmem:s21], [sflag:$0x5], $0x80, $0x38;
	[tilespmem:$0xE800] =	vst v63  }
0x142: {  	s5 =	sadd.s32 $0x60, s17;
	s19 =	simm.s32 $0xA730  }
0x143: {  	[hbm4b:s5+s3] =	stream.linear.scatter [tilespmem:s19], [sflag:$0x5], $0x80, $0x38;
	[tilespmem:$0xE800] =	vst v63  }
0x144: {  	s20 =	sadd.s32 $0x70, s17;
	s21 =	simm.s32 $0xA7B8  }
0x145: {  	[hbm4b:s20+s3] =	stream.linear.scatter [tilespmem:s21], [sflag:$0x5], $0x80, $0x38;
	[tilespmem:$0xE800] =	vst v63  }
0x146: {  	s5 =	sadd.s32 $0x4000, s17;
	s19 =	simm.s32 $0xA840  }
0x147: {  	[hbm4b:s5+s3] =	stream.linear.scatter [tilespmem:s19], [sflag:$0x5], $0x80, $0x38;
	[tilespmem:$0xE800] =	vst v63  }
0x148: {  	s20 =	sadd.s32 $0x4010, s17;
	s21 =	simm.s32 $0xA8C8  }
0x149: {  	[hbm4b:s20+s3] =	stream.linear.scatter [tilespmem:s21], [sflag:$0x5], $0x80, $0x38;
	[tilespmem:$0xE800] =	vst v63  }
0x14a: {  	s5 =	sadd.s32 $0x4020, s17;
	s19 =	simm.s32 $0xA950  }
0x14b: {  	[hbm4b:s5+s3] =	stream.linear.scatter [tilespmem:s19], [sflag:$0x5], $0x80, $0x38;
	[tilespmem:$0xE800] =	vst v63  }
0x14c: {  	s20 =	sadd.s32 $0x4030, s17;
	s21 =	simm.s32 $0xA9D8  }
0x14d: {  	[hbm4b:s20+s3] =	stream.linear.scatter [tilespmem:s21], [sflag:$0x5], $0x80, $0x38;
	[tilespmem:$0xE800] =	vst v63  }
0x14e: {  	s5 =	sadd.s32 $0x4040, s17;
	s19 =	simm.s32 $0xAA60  }
0x14f: {  	[hbm4b:s5+s3] =	stream.linear.scatter [tilespmem:s19], [sflag:$0x5], $0x80, $0x38;
	[tilespmem:$0xE800] =	vst v63  }
0x150: {  	s20 =	sadd.s32 $0x4050, s17;
	s21 =	simm.s32 $0xAAE8  }
0x151: {  	[hbm4b:s20+s3] =	stream.linear.scatter [tilespmem:s21], [sflag:$0x5], $0x80, $0x38;
	[tilespmem:$0xE800] =	vst v63  }
0x152: {  	s5 =	sadd.s32 $0x4060, s17;
	s19 =	simm.s32 $0xAB70  }
0x153: {  	[hbm4b:s5+s3] =	stream.linear.scatter [tilespmem:s19], [sflag:$0x5], $0x80, $0x38;
	[tilespmem:$0xE800] =	vst v63  }
0x154: {  	s20 =	sadd.s32 $0x4070, s17;
	s21 =	simm.s32 $0xABF8  }
0x155: {  	[hbm4b:s20+s3] =	stream.linear.scatter [tilespmem:s21], [sflag:$0x5], $0x80, $0x38;
	[tilespmem:$0xE800] =	vst v63  }
0x156: {  	s5 =	sadd.s32 $0x8000, s17;
	s19 =	simm.s32 $0xAC80  }
0x157: {  	[hbm4b:s5+s3] =	stream.linear.scatter [tilespmem:s19], [sflag:$0x5], $0x80, $0x38;
	[tilespmem:$0xE800] =	vst v63  }
0x158: {  	s20 =	sadd.s32 $0x8010, s17;
	s21 =	simm.s32 $0xAD08  }
0x159: {  	[hbm4b:s20+s3] =	stream.linear.scatter [tilespmem:s21], [sflag:$0x5], $0x80, $0x38;
	[tilespmem:$0xE800] =	vst v63  }
0x15a: {  	s5 =	sadd.s32 $0x8020, s17;
	s19 =	simm.s32 $0xAD90  }
0x15b: {  	[hbm4b:s5+s3] =	stream.linear.scatter [tilespmem:s19], [sflag:$0x5], $0x80, $0x38;
	[tilespmem:$0xE800] =	vst v63  }
0x15c: {  	s20 =	sadd.s32 $0x8030, s17;
	s21 =	simm.s32 $0xAE18  }
0x15d: {  	[hbm4b:s20+s3] =	stream.linear.scatter [tilespmem:s21], [sflag:$0x5], $0x80, $0x38;
	[tilespmem:$0xE800] =	vst v63  }
0x15e: {  	s5 =	sadd.s32 $0x8040, s17;
	s19 =	simm.s32 $0xAEA0  }
0x15f: {  	[hbm4b:s5+s3] =	stream.linear.scatter [tilespmem:s19], [sflag:$0x5], $0x80, $0x38;
	[tilespmem:$0xE800] =	vst v63  }
0x160: {  	s20 =	sadd.s32 $0x8050, s17;
	s21 =	simm.s32 $0xAF28  }
0x161: {  	[hbm4b:s20+s3] =	stream.linear.scatter [tilespmem:s21], [sflag:$0x5], $0x80, $0x38;
	[tilespmem:$0xE800] =	vst v63  }
0x162: {  	s5 =	sadd.s32 $0x8060, s17;
	s19 =	simm.s32 $0xAFB0  }
0x163: {  	[hbm4b:s5+s3] =	stream.linear.scatter [tilespmem:s19], [sflag:$0x5], $0x80, $0x38;
	[tilespmem:$0xE800] =	vst v63  }
0x164: {  	s20 =	sadd.s32 $0x8070, s17;
	s21 =	simm.s32 $0xB038  }
0x165: {  	[hbm4b:s20+s3] =	stream.linear.scatter [tilespmem:s21], [sflag:$0x5], $0x80, $0x38;
	[tilespmem:$0xE800] =	vst v63  }
0x166: {  	s5 =	sadd.s32 $0xC000, s17;
	s19 =	simm.s32 $0xB0C0  }
0x167: {  	[hbm4b:s5+s3] =	stream.linear.scatter [tilespmem:s19], [sflag:$0x5], $0x80, $0x38;
	[tilespmem:$0xE800] =	vst v63  }
0x168: {  	s20 =	sadd.s32 $0xC010, s17;
	s21 =	simm.s32 $0xB148  }
0x169: {  	[hbm4b:s20+s3] =	stream.linear.scatter [tilespmem:s21], [sflag:$0x5], $0x80, $0x38;
	[tilespmem:$0xE800] =	vst v63  }
0x16a: {  	s5 =	sadd.s32 $0xC020, s17;
	s19 =	simm.s32 $0xB1D0  }
0x16b: {  	[hbm4b:s5+s3] =	stream.linear.scatter [tilespmem:s19], [sflag:$0x5], $0x80, $0x38;
	[tilespmem:$0xE800] =	vst v63  }
0x16c: {  	s20 =	sadd.s32 $0xC030, s17;
	s21 =	simm.s32 $0xB258  }
0x16d: {  	[hbm4b:s20+s3] =	stream.linear.scatter [tilespmem:s21], [sflag:$0x5], $0x80, $0x38;
	[tilespmem:$0xE800] =	vst v63  }
0x16e: {  	s5 =	sadd.s32 $0xC040, s17;
	s19 =	simm.s32 $0xB2E0  }
0x16f: {  	[hbm4b:s5+s3] =	stream.linear.scatter [tilespmem:s19], [sflag:$0x5], $0x80, $0x38;
	[tilespmem:$0xE800] =	vst v63  }
0x170: {  	s20 =	sadd.s32 $0xC050, s17;
	s21 =	simm.s32 $0xB368  }
0x171: {  	[hbm4b:s20+s3] =	stream.linear.scatter [tilespmem:s21], [sflag:$0x5], $0x80, $0x38;
	[tilespmem:$0xE800] =	vst v63  }
0x172: {  	s19 =	sadd.s32 $0xC060, s17;
	s20 =	simm.s32 $0xB3F0  }
0x173: {  	[hbm4b:s19+s3] =	stream.linear.scatter [tilespmem:s20], [sflag:$0x5], $0x80, $0x38;
	[tilespmem:$0xE800] =	vst v63  }
0x174: {  	p1 =	seq.s32 s28, $0x31;
	s17 =	sadd.s32 $0xC070, s17;
	s21 =	simm.s32 $0xB478  }
0x175: {  	[hbm4b:s17+s3] =	stream.linear.scatter [tilespmem:s21], [sflag:$0x5], $0x80, $0x38;
	[tilespmem:$0xE800] =	vst v63  }
0x176: {  	s17 =	sshll.u32 @!p1 s28, $0x9  }
0x177: {  	s30 =	sand.u32 @!p1 $0x3FFFFE00, s17  }
0x178: {  	s18 =	simm.s32 @!p1 $0x80;
	s19 =	simm.s32 @!p1 $0x6400;
	s17 =	sadd.s32 @!p1 $0x200, s30  }
0x179: {  	[tilespmem:s19], [sflag:$0x1] =	stream.indirect.gather @!p1 [hbm4b:s4+s18], $0x20, s17, s18, $0xb8;
	[tilespmem:$0xE800] =	vst v63  }
0x17a: {  	_ =	swait.ge [sflag:s1], $0x1000  }
0x17b: {  	[sflag:s1] =	ssyncset.done $0x0  }
0x17c: {  	s5 =	simm.s32 $0x0;
	s17 =	simm.s32 @!p0 $0x6;
	[sflag:s1] =	ssyncadd.s32 $0xFFFFF000  }
0x17d: {  	v17 =	vmov s5;
	_ =	swait.ge @!p0 [sflag:s17], $0x1000  }
0x17e: {  	v17 =	vshrl.u32 v17, $0x3;
	[sflag:s17] =	ssyncset.done @!p0 $0x0  }
0x17f: {  	v17 =	vshll.u32 v17, v1;
	[sflag:s17] =	ssyncadd.s32 @!p0 $0xFFFFF000;
	s17 =	simm.s32 $0x74F0  }
0x180: {  	v17 =	vbroadcast v17, $0x0;
	v18 =	vld [tilespmem:s17+$0xFFFFFF10];
	_ =	sdelay $0x1  }
0x181: {  	v19 =	vadd.s32 v0, v17;
	_ =	sdelay $0x2  }
0x182: {  	v18 =	vmul.f32 $5.656854150e+00, v18;
	_ =	sdelay $0x1  }
0x183: {  	[tilespmem:v19+s14+$0x0] =	vst.idx.msk $0xffff, v18  }
0x184: {  	v18 =	vld [tilespmem:s17+$0xFFFFFF20];
	_ =	sdelay $0x1  }
0x185: {  	v17 =	vadd.s32 v2, v17;
	_ =	sdelay $0x1  }
0x186: {  	s19 =	simm.s32 $0x1  }
0x187: {  	v19 =	vmov s19;
	v18 =	vmul.f32 $5.656854150e+00, v18  }
0x188: {  	v19 =	vshrl.u32 v19, $0x3  }
0x189: {  	[tilespmem:v17+s14+$0x0] =	vst.idx.msk $0xffff, v18;
	v17 =	vshll.u32 v19, v1  }
0x18a: {  	v18 =	vld [tilespmem:s17+$0xFFFFFF30];
	v17 =	vbroadcast v17, $0x0;
	_ =	sdelay $0x1  }
0x18b: {  	v19 =	vadd.s32 v3, v17;
	_ =	sdelay $0x2  }
0x18c: {  	v18 =	vmul.f32 $5.656854150e+00, v18;
	_ =	sdelay $0x1  }
0x18d: {  	[tilespmem:v19+s14+$0x0] =	vst.idx.msk $0xffff, v18  }
0x18e: {  	v18 =	vld [tilespmem:s17+$0xFFFFFF40];
	_ =	sdelay $0x1  }
0x18f: {  	v17 =	vadd.s32 v4, v17;
	_ =	sdelay $0x1  }
0x190: {  	s20 =	simm.s32 $0x2  }
0x191: {  	v19 =	vmov s20;
	v18 =	vmul.f32 $5.656854150e+00, v18  }
0x192: {  	v19 =	vshrl.u32 v19, $0x3  }
0x193: {  	[tilespmem:v17+s14+$0x0] =	vst.idx.msk $0xffff, v18;
	v17 =	vshll.u32 v19, v1  }
0x194: {  	v18 =	vld [tilespmem:s17+$0xFFFFFF50];
	v17 =	vbroadcast v17, $0x0;
	_ =	sdelay $0x1  }
0x195: {  	v19 =	vadd.s32 v5, v17;
	_ =	sdelay $0x2  }
0x196: {  	v18 =	vmul.f32 $5.656854150e+00, v18;
	_ =	sdelay $0x1  }
0x197: {  	[tilespmem:v19+s14+$0x0] =	vst.idx.msk $0xffff, v18  }
0x198: {  	v18 =	vld [tilespmem:s17+$0xFFFFFF60];
	_ =	sdelay $0x1  }
0x199: {  	v17 =	vadd.s32 v6, v17;
	_ =	sdelay $0x1  }
0x19a: {  	s21 =	simm.s32 $0x3  }
0x19b: {  	v19 =	vmov s21;
	v18 =	vmul.f32 $5.656854150e+00, v18  }
0x19c: {  	v19 =	vshrl.u32 v19, $0x3  }
0x19d: {  	[tilespmem:v17+s14+$0x0] =	vst.idx.msk $0xffff, v18;
	v17 =	vshll.u32 v19, v1  }
0x19e: {  	v18 =	vld [tilespmem:s17+$0xFFFFFF70];
	v17 =	vbroadcast v17, $0x0;
	_ =	sdelay $0x1  }
0x19f: {  	v19 =	vadd.s32 v7, v17;
	_ =	sdelay $0x2  }
0x1a0: {  	v18 =	vmul.f32 $5.656854150e+00, v18;
	_ =	sdelay $0x1  }
0x1a1: {  	[tilespmem:v19+s14+$0x0] =	vst.idx.msk $0xffff, v18  }
0x1a2: {  	v18 =	vld [tilespmem:s17+$0xFFFFFF80];
	_ =	sdelay $0x1  }
0x1a3: {  	v17 =	vadd.s32 v8, v17;
	_ =	sdelay $0x1  }
0x1a4: {  	s5 =	simm.s32 $0x4  }
0x1a5: {  	v19 =	vmov s5;
	v18 =	vmul.f32 $5.656854150e+00, v18  }
0x1a6: {  	v19 =	vshrl.u32 v19, $0x3  }
0x1a7: {  	[tilespmem:v17+s14+$0x0] =	vst.idx.msk $0xffff, v18;
	v17 =	vshll.u32 v19, v1  }
0x1a8: {  	v18 =	vld [tilespmem:s17+$0xFFFFFF90];
	v17 =	vbroadcast v17, $0x0;
	_ =	sdelay $0x1  }
0x1a9: {  	v19 =	vadd.s32 v9, v17;
	_ =	sdelay $0x2  }
0x1aa: {  	v18 =	vmul.f32 $5.656854150e+00, v18;
	_ =	sdelay $0x1  }
0x1ab: {  	[tilespmem:v19+s14+$0x0] =	vst.idx.msk $0xffff, v18  }
0x1ac: {  	v18 =	vld [tilespmem:s17+$0xFFFFFFA0];
	_ =	sdelay $0x1  }
0x1ad: {  	v17 =	vadd.s32 v10, v17;
	_ =	sdelay $0x1  }
0x1ae: {  	s19 =	simm.s32 $0x5  }
0x1af: {  	v19 =	vmov s19;
	v18 =	vmul.f32 $5.656854150e+00, v18  }
0x1b0: {  	v19 =	vshrl.u32 v19, $0x3  }
0x1b1: {  	[tilespmem:v17+s14+$0x0] =	vst.idx.msk $0xffff, v18;
	v17 =	vshll.u32 v19, v1  }
0x1b2: {  	v18 =	vld [tilespmem:s17+$0xFFFFFFB0];
	v17 =	vbroadcast v17, $0x0;
	_ =	sdelay $0x1  }
0x1b3: {  	v19 =	vadd.s32 v11, v17;
	_ =	sdelay $0x2  }
0x1b4: {  	v18 =	vmul.f32 $5.656854150e+00, v18;
	_ =	sdelay $0x1  }
0x1b5: {  	[tilespmem:v19+s14+$0x0] =	vst.idx.msk $0xffff, v18  }
0x1b6: {  	v18 =	vld [tilespmem:s17+$0xFFFFFFC0];
	_ =	sdelay $0x1  }
0x1b7: {  	v17 =	vadd.s32 v12, v17;
	_ =	sdelay $0x1  }
0x1b8: {  	s20 =	simm.s32 $0x6  }
0x1b9: {  	v19 =	vmov s20;
	v18 =	vmul.f32 $5.656854150e+00, v18  }
0x1ba: {  	v19 =	vshrl.u32 v19, $0x3  }
0x1bb: {  	[tilespmem:v17+s14+$0x0] =	vst.idx.msk $0xffff, v18;
	v17 =	vshll.u32 v19, v1  }
0x1bc: {  	v18 =	vld [tilespmem:s17+$0xFFFFFFD0];
	v17 =	vbroadcast v17, $0x0;
	_ =	sdelay $0x1  }
0x1bd: {  	v19 =	vadd.s32 v13, v17;
	_ =	sdelay $0x2  }
0x1be: {  	v18 =	vmul.f32 $5.656854150e+00, v18;
	_ =	sdelay $0x1  }
0x1bf: {  	[tilespmem:v19+s14+$0x0] =	vst.idx.msk $0xffff, v18  }
0x1c0: {  	v18 =	vld [tilespmem:s17+$0xFFFFFFE0];
	_ =	sdelay $0x1  }
0x1c1: {  	v17 =	vadd.s32 v14, v17;
	_ =	sdelay $0x1  }
0x1c2: {  	s21 =	simm.s32 $0x7  }
0x1c3: {  	v19 =	vmov s21;
	v18 =	vmul.f32 $5.656854150e+00, v18  }
0x1c4: {  	v19 =	vshrl.u32 v19, $0x3  }
0x1c5: {  	[tilespmem:v17+s14+$0x0] =	vst.idx.msk $0xffff, v18;
	v17 =	vshll.u32 v19, v1  }
0x1c6: {  	v18 =	vld [tilespmem:s17+$0xFFFFFFF0];
	v17 =	vbroadcast v17, $0x0;
	_ =	sdelay $0x1  }
0x1c7: {  	v19 =	vadd.s32 v15, v17;
	_ =	sdelay $0x2  }
0x1c8: {  	v18 =	vmul.f32 $5.656854150e+00, v18;
	_ =	sdelay $0x1  }
0x1c9: {  	[tilespmem:v19+s14+$0x0] =	vst.idx.msk $0xffff, v18  }
0x1ca: {  	v18 =	vld [tilespmem:s17+$0x0];
	_ =	sdelay $0x1  }
0x1cb: {  	v17 =	vadd.s32 v16, v17  }
0x1cc: {  	s19 =	simm.s32 $0x8  }
0x1cd: {  	v19 =	vmov s19  }
0x1ce: {  	s18 =	sor.u32 $0x1, s29;
	s20 =	simm.s32 $0x10;
	v19 =	vshrl.u32 v19, $0x3;
	v18 =	vmul.f32 $5.656854150e+00, v18  }
.LBB2_5:
0x1cf: {  	p2 =	slt.u32 s20, $0x78  }
0x1d0: {  	v19 =	vshll.u32 v19, v1;
	[tilespmem:v17+s14+$0x0] =	vst.idx.msk $0xffff, v18;
	s17 =	sadd.s32 $0x100, s17;
	s21 =	smov.u32 s20;
	s20 =	sadd.s32 $0x8, s20  }
0x1d1: {  	v17 =	vld [tilespmem:s17+$0xFFFFFF10];
	v18 =	vbroadcast v19, $0x0;
	_ =	sdelay $0x1  }
0x1d2: {  	v19 =	vadd.s32 v0, v18;
	_ =	sdelay $0x2  }
0x1d3: {  	v17 =	vmul.f32 $5.656854150e+00, v17;
	_ =	sdelay $0x1  }
0x1d4: {  	[tilespmem:v19+s14+$0x0] =	vst.idx.msk $0xffff, v17  }
0x1d5: {  	v17 =	vld [tilespmem:s17+$0xFFFFFF20];
	_ =	sdelay $0x1  }
0x1d6: {  	v18 =	vadd.s32 v2, v18;
	_ =	sdelay $0x1  }
0x1d7: {  	s5 =	sadd.s32 $0x1, s19  }
0x1d8: {  	v19 =	vmov s5;
	v17 =	vmul.f32 $5.656854150e+00, v17  }
0x1d9: {  	v19 =	vshrl.u32 v19, $0x3  }
0x1da: {  	[tilespmem:v18+s14+$0x0] =	vst.idx.msk $0xffff, v17;
	v17 =	vshll.u32 v19, v1  }
0x1db: {  	v18 =	vld [tilespmem:s17+$0xFFFFFF30];
	v17 =	vbroadcast v17, $0x0;
	_ =	sdelay $0x1  }
0x1dc: {  	v19 =	vadd.s32 v3, v17;
	_ =	sdelay $0x2  }
0x1dd: {  	v18 =	vmul.f32 $5.656854150e+00, v18;
	_ =	sdelay $0x1  }
0x1de: {  	[tilespmem:v19+s14+$0x0] =	vst.idx.msk $0xffff, v18  }
0x1df: {  	v18 =	vld [tilespmem:s17+$0xFFFFFF40];
	_ =	sdelay $0x1  }
0x1e0: {  	v17 =	vadd.s32 v4, v17;
	_ =	sdelay $0x1  }
0x1e1: {  	s5 =	sadd.s32 $0x2, s19  }
0x1e2: {  	v19 =	vmov s5;
	v18 =	vmul.f32 $5.656854150e+00, v18  }
0x1e3: {  	v19 =	vshrl.u32 v19, $0x3  }
0x1e4: {  	[tilespmem:v17+s14+$0x0] =	vst.idx.msk $0xffff, v18;
	v17 =	vshll.u32 v19, v1  }
0x1e5: {  	v18 =	vld [tilespmem:s17+$0xFFFFFF50];
	v17 =	vbroadcast v17, $0x0;
	_ =	sdelay $0x1  }
0x1e6: {  	v19 =	vadd.s32 v5, v17;
	_ =	sdelay $0x2  }
0x1e7: {  	v18 =	vmul.f32 $5.656854150e+00, v18;
	_ =	sdelay $0x1  }
0x1e8: {  	[tilespmem:v19+s14+$0x0] =	vst.idx.msk $0xffff, v18  }
0x1e9: {  	v18 =	vld [tilespmem:s17+$0xFFFFFF60];
	_ =	sdelay $0x1  }
0x1ea: {  	v17 =	vadd.s32 v6, v17;
	_ =	sdelay $0x1  }
0x1eb: {  	s5 =	sadd.s32 $0x3, s19  }
0x1ec: {  	v19 =	vmov s5;
	v18 =	vmul.f32 $5.656854150e+00, v18  }
0x1ed: {  	v19 =	vshrl.u32 v19, $0x3  }
0x1ee: {  	[tilespmem:v17+s14+$0x0] =	vst.idx.msk $0xffff, v18;
	v17 =	vshll.u32 v19, v1  }
0x1ef: {  	v18 =	vld [tilespmem:s17+$0xFFFFFF70];
	v17 =	vbroadcast v17, $0x0;
	_ =	sdelay $0x1  }
0x1f0: {  	v19 =	vadd.s32 v7, v17;
	_ =	sdelay $0x2  }
0x1f1: {  	v18 =	vmul.f32 $5.656854150e+00, v18;
	_ =	sdelay $0x1  }
0x1f2: {  	[tilespmem:v19+s14+$0x0] =	vst.idx.msk $0xffff, v18  }
0x1f3: {  	v18 =	vld [tilespmem:s17+$0xFFFFFF80];
	_ =	sdelay $0x1  }
0x1f4: {  	v17 =	vadd.s32 v8, v17;
	_ =	sdelay $0x1  }
0x1f5: {  	s5 =	sadd.s32 $0x4, s19  }
0x1f6: {  	v19 =	vmov s5;
	v18 =	vmul.f32 $5.656854150e+00, v18  }
0x1f7: {  	v19 =	vshrl.u32 v19, $0x3  }
0x1f8: {  	[tilespmem:v17+s14+$0x0] =	vst.idx.msk $0xffff, v18;
	v17 =	vshll.u32 v19, v1  }
0x1f9: {  	v18 =	vld [tilespmem:s17+$0xFFFFFF90];
	v17 =	vbroadcast v17, $0x0;
	_ =	sdelay $0x1  }
0x1fa: {  	v19 =	vadd.s32 v9, v17;
	_ =	sdelay $0x2  }
0x1fb: {  	v18 =	vmul.f32 $5.656854150e+00, v18;
	_ =	sdelay $0x1  }
0x1fc: {  	[tilespmem:v19+s14+$0x0] =	vst.idx.msk $0xffff, v18  }
0x1fd: {  	v18 =	vld [tilespmem:s17+$0xFFFFFFA0];
	_ =	sdelay $0x1  }
0x1fe: {  	v17 =	vadd.s32 v10, v17;
	_ =	sdelay $0x1  }
0x1ff: {  	s5 =	sadd.s32 $0x5, s19  }
0x200: {  	v19 =	vmov s5;
	v18 =	vmul.f32 $5.656854150e+00, v18  }
0x201: {  	v19 =	vshrl.u32 v19, $0x3  }
0x202: {  	[tilespmem:v17+s14+$0x0] =	vst.idx.msk $0xffff, v18;
	v17 =	vshll.u32 v19, v1  }
0x203: {  	v18 =	vld [tilespmem:s17+$0xFFFFFFB0];
	v17 =	vbroadcast v17, $0x0;
	_ =	sdelay $0x1  }
0x204: {  	v19 =	vadd.s32 v11, v17;
	_ =	sdelay $0x2  }
0x205: {  	v18 =	vmul.f32 $5.656854150e+00, v18;
	_ =	sdelay $0x1  }
0x206: {  	[tilespmem:v19+s14+$0x0] =	vst.idx.msk $0xffff, v18  }
0x207: {  	v18 =	vld [tilespmem:s17+$0xFFFFFFC0];
	_ =	sdelay $0x1  }
0x208: {  	v17 =	vadd.s32 v12, v17;
	_ =	sdelay $0x1  }
0x209: {  	s5 =	sadd.s32 $0x6, s19  }
0x20a: {  	v19 =	vmov s5;
	v18 =	vmul.f32 $5.656854150e+00, v18  }
0x20b: {  	v19 =	vshrl.u32 v19, $0x3  }
0x20c: {  	[tilespmem:v17+s14+$0x0] =	vst.idx.msk $0xffff, v18;
	v17 =	vshll.u32 v19, v1  }
0x20d: {  	v18 =	vld [tilespmem:s17+$0xFFFFFFD0];
	v17 =	vbroadcast v17, $0x0;
	_ =	sdelay $0x1  }
0x20e: {  	v19 =	vadd.s32 v13, v17;
	_ =	sdelay $0x2  }
0x20f: {  	v18 =	vmul.f32 $5.656854150e+00, v18;
	_ =	sdelay $0x1  }
0x210: {  	[tilespmem:v19+s14+$0x0] =	vst.idx.msk $0xffff, v18  }
0x211: {  	v18 =	vld [tilespmem:s17+$0xFFFFFFE0];
	_ =	sdelay $0x1  }
0x212: {  	v17 =	vadd.s32 v14, v17;
	_ =	sdelay $0x1  }
0x213: {  	s5 =	sadd.s32 $0x7, s19;
	s19 =	smov.u32 s21  }
0x214: {  	v19 =	vmov s5;
	v18 =	vmul.f32 $5.656854150e+00, v18  }
0x215: {  	v19 =	vshrl.u32 v19, $0x3  }
0x216: {  	[tilespmem:v17+s14+$0x0] =	vst.idx.msk $0xffff, v18;
	v17 =	vshll.u32 v19, v1  }
0x217: {  	v18 =	vld [tilespmem:s17+$0xFFFFFFF0];
	v17 =	vbroadcast v17, $0x0;
	_ =	sdelay $0x1  }
0x218: {  	v19 =	vadd.s32 v15, v17;
	_ =	sdelay $0x2  }
0x219: {  	v18 =	vmul.f32 $5.656854150e+00, v18;
	_ =	sdelay $0x1  }
0x21a: {  	[tilespmem:v19+s14+$0x0] =	vst.idx.msk $0xffff, v18  }
0x21b: {  	v18 =	vld [tilespmem:s17+$0x0];
	_ =	sdelay $0x1  }
.Ltmp3:
0x21c: {  	v17 =	vadd.s32 v16, v17;
	(pc) =	sbr.rel @p2 .LBB2_5-.Ltmp3, $3  }
0x21d: {  	_ =	sdelay $0x1  }
0x21e: {  	v19 =	vmov s19;
	v18 =	vmul.f32 $5.656854150e+00, v18  }
0x21f: {  	v19 =	vshrl.u32 v19, $0x3  }
0x220: {  	_ =	sdelay $0x3  }
0x221: {  	v19 =	vshll.u32 v19, v1;
	[tilespmem:v17+s14+$0x0] =	vst.idx.msk $0xffff, v18;
	s17 =	sadd.s32 $0x100, s17  }
0x222: {  	v17 =	vld [tilespmem:s17+$0xFFFFFF10];
	v18 =	vbroadcast v19, $0x0;
	_ =	sdelay $0x1  }
0x223: {  	v19 =	vadd.s32 v0, v18;
	_ =	sdelay $0x2  }
0x224: {  	v17 =	vmul.f32 $5.656854150e+00, v17;
	_ =	sdelay $0x1  }
0x225: {  	[tilespmem:v19+s14+$0x0] =	vst.idx.msk $0xffff, v17  }
0x226: {  	v17 =	vld [tilespmem:s17+$0xFFFFFF20];
	_ =	sdelay $0x1  }
0x227: {  	v18 =	vadd.s32 v2, v18;
	_ =	sdelay $0x1  }
0x228: {  	s5 =	sadd.s32 $0x1, s19  }
0x229: {  	v19 =	vmov s5;
	v17 =	vmul.f32 $5.656854150e+00, v17  }
0x22a: {  	v19 =	vshrl.u32 v19, $0x3  }
0x22b: {  	[tilespmem:v18+s14+$0x0] =	vst.idx.msk $0xffff, v17;
	v17 =	vshll.u32 v19, v1  }
0x22c: {  	v18 =	vld [tilespmem:s17+$0xFFFFFF30];
	v17 =	vbroadcast v17, $0x0;
	_ =	sdelay $0x1  }
0x22d: {  	v19 =	vadd.s32 v3, v17;
	_ =	sdelay $0x2  }
0x22e: {  	v18 =	vmul.f32 $5.656854150e+00, v18;
	_ =	sdelay $0x1  }
0x22f: {  	[tilespmem:v19+s14+$0x0] =	vst.idx.msk $0xffff, v18  }
0x230: {  	v18 =	vld [tilespmem:s17+$0xFFFFFF40];
	_ =	sdelay $0x1  }
0x231: {  	v17 =	vadd.s32 v4, v17;
	_ =	sdelay $0x1  }
0x232: {  	s20 =	sadd.s32 $0x2, s19  }
0x233: {  	v19 =	vmov s20;
	v18 =	vmul.f32 $5.656854150e+00, v18  }
0x234: {  	v19 =	vshrl.u32 v19, $0x3  }
0x235: {  	[tilespmem:v17+s14+$0x0] =	vst.idx.msk $0xffff, v18;
	v17 =	vshll.u32 v19, v1  }
0x236: {  	v18 =	vld [tilespmem:s17+$0xFFFFFF50];
	v17 =	vbroadcast v17, $0x0;
	_ =	sdelay $0x1  }
0x237: {  	v19 =	vadd.s32 v5, v17;
	_ =	sdelay $0x2  }
0x238: {  	v18 =	vmul.f32 $5.656854150e+00, v18;
	_ =	sdelay $0x1  }
0x239: {  	[tilespmem:v19+s14+$0x0] =	vst.idx.msk $0xffff, v18  }
0x23a: {  	v18 =	vld [tilespmem:s17+$0xFFFFFF60];
	_ =	sdelay $0x1  }
0x23b: {  	v17 =	vadd.s32 v6, v17;
	_ =	sdelay $0x1  }
0x23c: {  	s21 =	sadd.s32 $0x3, s19  }
0x23d: {  	v19 =	vmov s21;
	v18 =	vmul.f32 $5.656854150e+00, v18  }
0x23e: {  	v19 =	vshrl.u32 v19, $0x3  }
0x23f: {  	[tilespmem:v17+s14+$0x0] =	vst.idx.msk $0xffff, v18;
	v17 =	vshll.u32 v19, v1  }
0x240: {  	v18 =	vld [tilespmem:s17+$0xFFFFFF70];
	v17 =	vbroadcast v17, $0x0;
	_ =	sdelay $0x1  }
0x241: {  	v19 =	vadd.s32 v7, v17;
	_ =	sdelay $0x2  }
0x242: {  	v18 =	vmul.f32 $5.656854150e+00, v18;
	_ =	sdelay $0x1  }
0x243: {  	[tilespmem:v19+s14+$0x0] =	vst.idx.msk $0xffff, v18  }
0x244: {  	v18 =	vld [tilespmem:s17+$0xFFFFFF80];
	_ =	sdelay $0x1  }
0x245: {  	v17 =	vadd.s32 v8, v17;
	_ =	sdelay $0x1  }
0x246: {  	s20 =	sadd.s32 $0x4, s19  }
0x247: {  	v19 =	vmov s20;
	v18 =	vmul.f32 $5.656854150e+00, v18  }
0x248: {  	v19 =	vshrl.u32 v19, $0x3  }
0x249: {  	[tilespmem:v17+s14+$0x0] =	vst.idx.msk $0xffff, v18;
	v17 =	vshll.u32 v19, v1  }
0x24a: {  	v18 =	vld [tilespmem:s17+$0xFFFFFF90];
	v17 =	vbroadcast v17, $0x0;
	_ =	sdelay $0x1  }
0x24b: {  	v19 =	vadd.s32 v9, v17;
	_ =	sdelay $0x2  }
0x24c: {  	v18 =	vmul.f32 $5.656854150e+00, v18;
	_ =	sdelay $0x1  }
0x24d: {  	[tilespmem:v19+s14+$0x0] =	vst.idx.msk $0xffff, v18  }
0x24e: {  	v18 =	vld [tilespmem:s17+$0xFFFFFFA0];
	_ =	sdelay $0x1  }
0x24f: {  	v17 =	vadd.s32 v10, v17;
	_ =	sdelay $0x1  }
0x250: {  	s21 =	sadd.s32 $0x5, s19  }
0x251: {  	v19 =	vmov s21;
	v18 =	vmul.f32 $5.656854150e+00, v18  }
0x252: {  	v19 =	vshrl.u32 v19, $0x3  }
0x253: {  	[tilespmem:v17+s14+$0x0] =	vst.idx.msk $0xffff, v18;
	v17 =	vshll.u32 v19, v1  }
0x254: {  	v18 =	vld [tilespmem:s17+$0xFFFFFFB0];
	v17 =	vbroadcast v17, $0x0;
	_ =	sdelay $0x1  }
0x255: {  	v19 =	vadd.s32 v11, v17;
	_ =	sdelay $0x2  }
0x256: {  	v18 =	vmul.f32 $5.656854150e+00, v18;
	_ =	sdelay $0x1  }
0x257: {  	[tilespmem:v19+s14+$0x0] =	vst.idx.msk $0xffff, v18  }
0x258: {  	v18 =	vld [tilespmem:s17+$0xFFFFFFC0];
	_ =	sdelay $0x1  }
0x259: {  	v17 =	vadd.s32 v12, v17;
	_ =	sdelay $0x1  }
0x25a: {  	s20 =	sadd.s32 $0x6, s19  }
0x25b: {  	v19 =	vmov s20;
	v18 =	vmul.f32 $5.656854150e+00, v18  }
0x25c: {  	v19 =	vshrl.u32 v19, $0x3  }
0x25d: {  	[tilespmem:v17+s14+$0x0] =	vst.idx.msk $0xffff, v18;
	v17 =	vshll.u32 v19, v1  }
0x25e: {  	v18 =	vld [tilespmem:s17+$0xFFFFFFD0];
	v17 =	vbroadcast v17, $0x0;
	_ =	sdelay $0x1  }
0x25f: {  	v19 =	vadd.s32 v13, v17;
	_ =	sdelay $0x2  }
0x260: {  	v18 =	vmul.f32 $5.656854150e+00, v18;
	_ =	sdelay $0x1  }
0x261: {  	[tilespmem:v19+s14+$0x0] =	vst.idx.msk $0xffff, v18  }
0x262: {  	v18 =	vld [tilespmem:s17+$0xFFFFFFE0];
	_ =	sdelay $0x1  }
0x263: {  	v17 =	vadd.s32 v14, v17;
	_ =	sdelay $0x1  }
0x264: {  	s21 =	sadd.s32 $0x7, s19  }
0x265: {  	v19 =	vmov s21;
	v18 =	vmul.f32 $5.656854150e+00, v18  }
0x266: {  	v19 =	vshrl.u32 v19, $0x3  }
0x267: {  	[tilespmem:v17+s14+$0x0] =	vst.idx.msk $0xffff, v18;
	v17 =	vshll.u32 v19, v1  }
0x268: {  	v18 =	vld [tilespmem:s17+$0xFFFFFFF0];
	v17 =	vbroadcast v17, $0x0;
	_ =	sdelay $0x1  }
0x269: {  	v19 =	vadd.s32 v15, v17;
	_ =	sdelay $0x2  }
0x26a: {  	v18 =	vmul.f32 $5.656854150e+00, v18;
	_ =	sdelay $0x1  }
0x26b: {  	[tilespmem:v19+s14+$0x0] =	vst.idx.msk $0xffff, v18  }
0x26c: {  	v18 =	vld [tilespmem:s17+$0x0];
	_ =	sdelay $0x1  }
0x26d: {  	v17 =	vadd.s32 v16, v17  }
0x26e: {  	s18 =	sadd.s32 s31, s18  }
0x26f: {  	s5 =	sshll.u32 s18, $0x13  }
0x270: {  	s0 =	sadd.s32 s0, s5;
	v18 =	vmul.f32 $5.656854150e+00, v18  }
0x271: {  	s0 =	sshrl.u32 s0, $0x3  }
0x272: {  	s0 =	sadd.s32 s2, s0;
	[tilespmem:v17+s14+$0x0] =	vst.idx.msk $0xffff, v18  }
0x273: {  	[hbm4b:s0+s3] =	stream.linear.scatter [tilespmem:s14], [sflag:$0x6], $0x80, $0x38;
	[tilespmem:$0xE800] =	vst v63  }
0x274: {  	s19 =	sadd.s32 $0x10, s0;
	s20 =	simm.s32 $0xB588  }
0x275: {  	[hbm4b:s19+s3] =	stream.linear.scatter [tilespmem:s20], [sflag:$0x6], $0x80, $0x38;
	[tilespmem:$0xE800] =	vst v63  }
0x276: {  	s31 =	simm.s32 $0xB610;
	s21 =	sadd.s32 $0x20, s0  }
0x277: {  	[hbm4b:s21+s3] =	stream.linear.scatter [tilespmem:s31], [sflag:$0x6], $0x80, $0x38;
	[tilespmem:$0xE800] =	vst v63  }
0x278: {  	s18 =	simm.s32 $0xB698;
	s17 =	sadd.s32 $0x30, s0  }
0x279: {  	[hbm4b:s17+s3] =	stream.linear.scatter [tilespmem:s18], [sflag:$0x6], $0x80, $0x38;
	[tilespmem:$0xE800] =	vst v63  }
0x27a: {  	s19 =	sadd.s32 $0x40, s0;
	s20 =	simm.s32 $0xB720  }
0x27b: {  	[hbm4b:s19+s3] =	stream.linear.scatter [tilespmem:s20], [sflag:$0x6], $0x80, $0x38;
	[tilespmem:$0xE800] =	vst v63  }
0x27c: {  	s21 =	sadd.s32 $0x50, s0;
	s31 =	simm.s32 $0xB7A8  }
0x27d: {  	[hbm4b:s21+s3] =	stream.linear.scatter [tilespmem:s31], [sflag:$0x6], $0x80, $0x38;
	[tilespmem:$0xE800] =	vst v63  }
0x27e: {  	s17 =	sadd.s32 $0x60, s0;
	s18 =	simm.s32 $0xB830  }
0x27f: {  	[hbm4b:s17+s3] =	stream.linear.scatter [tilespmem:s18], [sflag:$0x6], $0x80, $0x38;
	[tilespmem:$0xE800] =	vst v63  }
0x280: {  	s19 =	sadd.s32 $0x70, s0;
	s20 =	simm.s32 $0xB8B8  }
0x281: {  	[hbm4b:s19+s3] =	stream.linear.scatter [tilespmem:s20], [sflag:$0x6], $0x80, $0x38;
	[tilespmem:$0xE800] =	vst v63  }
0x282: {  	s21 =	sadd.s32 $0x4000, s0;
	s31 =	simm.s32 $0xB940  }
0x283: {  	[hbm4b:s21+s3] =	stream.linear.scatter [tilespmem:s31], [sflag:$0x6], $0x80, $0x38;
	[tilespmem:$0xE800] =	vst v63  }
0x284: {  	s17 =	sadd.s32 $0x4010, s0;
	s18 =	simm.s32 $0xB9C8  }
0x285: {  	[hbm4b:s17+s3] =	stream.linear.scatter [tilespmem:s18], [sflag:$0x6], $0x80, $0x38;
	[tilespmem:$0xE800] =	vst v63  }
0x286: {  	s19 =	sadd.s32 $0x4020, s0;
	s20 =	simm.s32 $0xBA50  }
0x287: {  	[hbm4b:s19+s3] =	stream.linear.scatter [tilespmem:s20], [sflag:$0x6], $0x80, $0x38;
	[tilespmem:$0xE800] =	vst v63  }
0x288: {  	s21 =	sadd.s32 $0x4030, s0;
	s31 =	simm.s32 $0xBAD8  }
0x289: {  	[hbm4b:s21+s3] =	stream.linear.scatter [tilespmem:s31], [sflag:$0x6], $0x80, $0x38;
	[tilespmem:$0xE800] =	vst v63  }
0x28a: {  	s17 =	sadd.s32 $0x4040, s0;
	s18 =	simm.s32 $0xBB60  }
0x28b: {  	[hbm4b:s17+s3] =	stream.linear.scatter [tilespmem:s18], [sflag:$0x6], $0x80, $0x38;
	[tilespmem:$0xE800] =	vst v63  }
0x28c: {  	s19 =	sadd.s32 $0x4050, s0;
	s20 =	simm.s32 $0xBBE8  }
0x28d: {  	[hbm4b:s19+s3] =	stream.linear.scatter [tilespmem:s20], [sflag:$0x6], $0x80, $0x38;
	[tilespmem:$0xE800] =	vst v63  }
0x28e: {  	s21 =	sadd.s32 $0x4060, s0;
	s31 =	simm.s32 $0xBC70  }
0x28f: {  	[hbm4b:s21+s3] =	stream.linear.scatter [tilespmem:s31], [sflag:$0x6], $0x80, $0x38;
	[tilespmem:$0xE800] =	vst v63  }
0x290: {  	s17 =	sadd.s32 $0x4070, s0;
	s18 =	simm.s32 $0xBCF8  }
0x291: {  	[hbm4b:s17+s3] =	stream.linear.scatter [tilespmem:s18], [sflag:$0x6], $0x80, $0x38;
	[tilespmem:$0xE800] =	vst v63  }
0x292: {  	s19 =	sadd.s32 $0x8000, s0;
	s20 =	simm.s32 $0xBD80  }
0x293: {  	[hbm4b:s19+s3] =	stream.linear.scatter [tilespmem:s20], [sflag:$0x6], $0x80, $0x38;
	[tilespmem:$0xE800] =	vst v63  }
0x294: {  	s21 =	sadd.s32 $0x8010, s0;
	s31 =	simm.s32 $0xBE08  }
0x295: {  	[hbm4b:s21+s3] =	stream.linear.scatter [tilespmem:s31], [sflag:$0x6], $0x80, $0x38;
	[tilespmem:$0xE800] =	vst v63  }
0x296: {  	s17 =	sadd.s32 $0x8020, s0;
	s18 =	simm.s32 $0xBE90  }
0x297: {  	[hbm4b:s17+s3] =	stream.linear.scatter [tilespmem:s18], [sflag:$0x6], $0x80, $0x38;
	[tilespmem:$0xE800] =	vst v63  }
0x298: {  	s19 =	sadd.s32 $0x8030, s0;
	s20 =	simm.s32 $0xBF18  }
0x299: {  	[hbm4b:s19+s3] =	stream.linear.scatter [tilespmem:s20], [sflag:$0x6], $0x80, $0x38;
	[tilespmem:$0xE800] =	vst v63  }
0x29a: {  	s21 =	sadd.s32 $0x8040, s0;
	s31 =	simm.s32 $0xBFA0  }
0x29b: {  	[hbm4b:s21+s3] =	stream.linear.scatter [tilespmem:s31], [sflag:$0x6], $0x80, $0x38;
	[tilespmem:$0xE800] =	vst v63  }
0x29c: {  	s17 =	sadd.s32 $0x8050, s0;
	s18 =	simm.s32 $0xC028  }
0x29d: {  	[hbm4b:s17+s3] =	stream.linear.scatter [tilespmem:s18], [sflag:$0x6], $0x80, $0x38;
	[tilespmem:$0xE800] =	vst v63  }
0x29e: {  	s19 =	sadd.s32 $0x8060, s0;
	s20 =	simm.s32 $0xC0B0  }
0x29f: {  	[hbm4b:s19+s3] =	stream.linear.scatter [tilespmem:s20], [sflag:$0x6], $0x80, $0x38;
	[tilespmem:$0xE800] =	vst v63  }
0x2a0: {  	s21 =	sadd.s32 $0x8070, s0;
	s31 =	simm.s32 $0xC138  }
0x2a1: {  	[hbm4b:s21+s3] =	stream.linear.scatter [tilespmem:s31], [sflag:$0x6], $0x80, $0x38;
	[tilespmem:$0xE800] =	vst v63  }
0x2a2: {  	s17 =	sadd.s32 $0xC000, s0;
	s18 =	simm.s32 $0xC1C0  }
0x2a3: {  	[hbm4b:s17+s3] =	stream.linear.scatter [tilespmem:s18], [sflag:$0x6], $0x80, $0x38;
	[tilespmem:$0xE800] =	vst v63  }
0x2a4: {  	s19 =	sadd.s32 $0xC010, s0;
	s20 =	simm.s32 $0xC248  }
0x2a5: {  	[hbm4b:s19+s3] =	stream.linear.scatter [tilespmem:s20], [sflag:$0x6], $0x80, $0x38;
	[tilespmem:$0xE800] =	vst v63  }
0x2a6: {  	s21 =	sadd.s32 $0xC020, s0;
	s31 =	simm.s32 $0xC2D0  }
0x2a7: {  	[hbm4b:s21+s3] =	stream.linear.scatter [tilespmem:s31], [sflag:$0x6], $0x80, $0x38;
	[tilespmem:$0xE800] =	vst v63  }
0x2a8: {  	s17 =	sadd.s32 $0xC030, s0;
	s18 =	simm.s32 $0xC358  }
0x2a9: {  	[hbm4b:s17+s3] =	stream.linear.scatter [tilespmem:s18], [sflag:$0x6], $0x80, $0x38;
	[tilespmem:$0xE800] =	vst v63  }
0x2aa: {  	s19 =	sadd.s32 $0xC040, s0;
	s20 =	simm.s32 $0xC3E0  }
0x2ab: {  	[hbm4b:s19+s3] =	stream.linear.scatter [tilespmem:s20], [sflag:$0x6], $0x80, $0x38;
	[tilespmem:$0xE800] =	vst v63  }
0x2ac: {  	s21 =	sadd.s32 $0xC050, s0;
	s31 =	simm.s32 $0xC468  }
0x2ad: {  	[hbm4b:s21+s3] =	stream.linear.scatter [tilespmem:s31], [sflag:$0x6], $0x80, $0x38;
	[tilespmem:$0xE800] =	vst v63  }
0x2ae: {  	s18 =	sadd.s32 $0xC060, s0;
	s19 =	simm.s32 $0xC4F0  }
0x2af: {  	[hbm4b:s18+s3] =	stream.linear.scatter [tilespmem:s19], [sflag:$0x6], $0x80, $0x38;
	[tilespmem:$0xE800] =	vst v63  }
0x2b0: {  	s0 =	sadd.s32 $0xC070, s0;
	s20 =	simm.s32 $0xC578  }
0x2b1: {  	[hbm4b:s0+s3] =	stream.linear.scatter [tilespmem:s20], [sflag:$0x6], $0x80, $0x38;
	[tilespmem:$0xE800] =	vst v63  }
0x2b2: {  	s5 =	simm.s32 @!p1 $0x80;
	s17 =	simm.s32 @!p1 $0x7400;
	s0 =	sadd.s32 @!p1 $0x280, s30  }
0x2b3: {  	[tilespmem:s17], [sflag:$0x2] =	stream.indirect.gather @!p1 [hbm4b:s4+s5], $0x20, s0, s5, $0xb8;
	[tilespmem:$0xE800] =	vst v63  }
0x2b4: {  	_ =	swait.ge [sflag:s7], $0x1000  }
0x2b5: {  	[sflag:s7] =	ssyncset.done $0x0  }
0x2b6: {  	s21 =	simm.s32 $0x0;
	s0 =	simm.s32 @!p0 $0x7;
	[sflag:s7] =	ssyncadd.s32 $0xFFFFF000  }
0x2b7: {  	v17 =	vmov s21;
	_ =	swait.ge @!p0 [sflag:s0], $0x1000  }
0x2b8: {  	v17 =	vshrl.u32 v17, $0x3;
	[sflag:s0] =	ssyncset.done @!p0 $0x0  }
0x2b9: {  	v17 =	vshll.u32 v17, v1;
	s17 =	simm.s32 $0x84F0;
	[sflag:s0] =	ssyncadd.s32 @!p0 $0xFFFFF000  }
0x2ba: {  	v17 =	vbroadcast v17, $0x0;
	v18 =	vld [tilespmem:s17+$0xFFFFFF10];
	_ =	sdelay $0x1  }
0x2bb: {  	v19 =	vadd.s32 v0, v17;
	_ =	sdelay $0x2  }
0x2bc: {  	v18 =	vmul.f32 $5.656854150e+00, v18;
	_ =	sdelay $0x1  }
0x2bd: {  	[tilespmem:v19+s8+$0x0] =	vst.idx.msk $0xffff, v18  }
0x2be: {  	v18 =	vld [tilespmem:s17+$0xFFFFFF20];
	_ =	sdelay $0x1  }
0x2bf: {  	v17 =	vadd.s32 v2, v17;
	_ =	sdelay $0x1  }
0x2c0: {  	s31 =	simm.s32 $0x1  }
0x2c1: {  	v19 =	vmov s31;
	v18 =	vmul.f32 $5.656854150e+00, v18  }
0x2c2: {  	v19 =	vshrl.u32 v19, $0x3  }
0x2c3: {  	[tilespmem:v17+s8+$0x0] =	vst.idx.msk $0xffff, v18;
	v17 =	vshll.u32 v19, v1  }
0x2c4: {  	v18 =	vld [tilespmem:s17+$0xFFFFFF30];
	v17 =	vbroadcast v17, $0x0;
	_ =	sdelay $0x1  }
0x2c5: {  	v19 =	vadd.s32 v3, v17;
	_ =	sdelay $0x2  }
0x2c6: {  	v18 =	vmul.f32 $5.656854150e+00, v18;
	_ =	sdelay $0x1  }
0x2c7: {  	[tilespmem:v19+s8+$0x0] =	vst.idx.msk $0xffff, v18  }
0x2c8: {  	v18 =	vld [tilespmem:s17+$0xFFFFFF40];
	_ =	sdelay $0x1  }
0x2c9: {  	v17 =	vadd.s32 v4, v17;
	_ =	sdelay $0x1  }
0x2ca: {  	s5 =	simm.s32 $0x2  }
0x2cb: {  	v19 =	vmov s5;
	v18 =	vmul.f32 $5.656854150e+00, v18  }
0x2cc: {  	v19 =	vshrl.u32 v19, $0x3  }
0x2cd: {  	[tilespmem:v17+s8+$0x0] =	vst.idx.msk $0xffff, v18;
	v17 =	vshll.u32 v19, v1  }
0x2ce: {  	v18 =	vld [tilespmem:s17+$0xFFFFFF50];
	v17 =	vbroadcast v17, $0x0;
	_ =	sdelay $0x1  }
0x2cf: {  	v19 =	vadd.s32 v5, v17;
	_ =	sdelay $0x2  }
0x2d0: {  	v18 =	vmul.f32 $5.656854150e+00, v18;
	_ =	sdelay $0x1  }
0x2d1: {  	[tilespmem:v19+s8+$0x0] =	vst.idx.msk $0xffff, v18  }
0x2d2: {  	v18 =	vld [tilespmem:s17+$0xFFFFFF60];
	_ =	sdelay $0x1  }
0x2d3: {  	v17 =	vadd.s32 v6, v17;
	_ =	sdelay $0x1  }
0x2d4: {  	s18 =	simm.s32 $0x3  }
0x2d5: {  	v19 =	vmov s18;
	v18 =	vmul.f32 $5.656854150e+00, v18  }
0x2d6: {  	v19 =	vshrl.u32 v19, $0x3  }
0x2d7: {  	[tilespmem:v17+s8+$0x0] =	vst.idx.msk $0xffff, v18;
	v17 =	vshll.u32 v19, v1  }
0x2d8: {  	v18 =	vld [tilespmem:s17+$0xFFFFFF70];
	v17 =	vbroadcast v17, $0x0;
	_ =	sdelay $0x1  }
0x2d9: {  	v19 =	vadd.s32 v7, v17;
	_ =	sdelay $0x2  }
0x2da: {  	v18 =	vmul.f32 $5.656854150e+00, v18;
	_ =	sdelay $0x1  }
0x2db: {  	[tilespmem:v19+s8+$0x0] =	vst.idx.msk $0xffff, v18  }
0x2dc: {  	v18 =	vld [tilespmem:s17+$0xFFFFFF80];
	_ =	sdelay $0x1  }
0x2dd: {  	v17 =	vadd.s32 v8, v17;
	_ =	sdelay $0x1  }
0x2de: {  	s19 =	simm.s32 $0x4  }
0x2df: {  	v19 =	vmov s19;
	v18 =	vmul.f32 $5.656854150e+00, v18  }
0x2e0: {  	v19 =	vshrl.u32 v19, $0x3  }
0x2e1: {  	[tilespmem:v17+s8+$0x0] =	vst.idx.msk $0xffff, v18;
	v17 =	vshll.u32 v19, v1  }
0x2e2: {  	v18 =	vld [tilespmem:s17+$0xFFFFFF90];
	v17 =	vbroadcast v17, $0x0;
	_ =	sdelay $0x1  }
0x2e3: {  	v19 =	vadd.s32 v9, v17;
	_ =	sdelay $0x2  }
0x2e4: {  	v18 =	vmul.f32 $5.656854150e+00, v18;
	_ =	sdelay $0x1  }
0x2e5: {  	[tilespmem:v19+s8+$0x0] =	vst.idx.msk $0xffff, v18  }
0x2e6: {  	v18 =	vld [tilespmem:s17+$0xFFFFFFA0];
	_ =	sdelay $0x1  }
0x2e7: {  	v17 =	vadd.s32 v10, v17;
	_ =	sdelay $0x1  }
0x2e8: {  	s20 =	simm.s32 $0x5  }
0x2e9: {  	v19 =	vmov s20;
	v18 =	vmul.f32 $5.656854150e+00, v18  }
0x2ea: {  	v19 =	vshrl.u32 v19, $0x3  }
0x2eb: {  	[tilespmem:v17+s8+$0x0] =	vst.idx.msk $0xffff, v18;
	v17 =	vshll.u32 v19, v1  }
0x2ec: {  	v18 =	vld [tilespmem:s17+$0xFFFFFFB0];
	v17 =	vbroadcast v17, $0x0;
	_ =	sdelay $0x1  }
0x2ed: {  	v19 =	vadd.s32 v11, v17;
	_ =	sdelay $0x2  }
0x2ee: {  	v18 =	vmul.f32 $5.656854150e+00, v18;
	_ =	sdelay $0x1  }
0x2ef: {  	[tilespmem:v19+s8+$0x0] =	vst.idx.msk $0xffff, v18  }
0x2f0: {  	v18 =	vld [tilespmem:s17+$0xFFFFFFC0];
	_ =	sdelay $0x1  }
0x2f1: {  	v17 =	vadd.s32 v12, v17;
	_ =	sdelay $0x1  }
0x2f2: {  	s21 =	simm.s32 $0x6  }
0x2f3: {  	v19 =	vmov s21;
	v18 =	vmul.f32 $5.656854150e+00, v18  }
0x2f4: {  	v19 =	vshrl.u32 v19, $0x3  }
0x2f5: {  	[tilespmem:v17+s8+$0x0] =	vst.idx.msk $0xffff, v18;
	v17 =	vshll.u32 v19, v1  }
0x2f6: {  	v18 =	vld [tilespmem:s17+$0xFFFFFFD0];
	v17 =	vbroadcast v17, $0x0;
	_ =	sdelay $0x1  }
0x2f7: {  	v19 =	vadd.s32 v13, v17;
	_ =	sdelay $0x2  }
0x2f8: {  	v18 =	vmul.f32 $5.656854150e+00, v18;
	_ =	sdelay $0x1  }
0x2f9: {  	[tilespmem:v19+s8+$0x0] =	vst.idx.msk $0xffff, v18  }
0x2fa: {  	v18 =	vld [tilespmem:s17+$0xFFFFFFE0];
	_ =	sdelay $0x1  }
0x2fb: {  	v17 =	vadd.s32 v14, v17;
	_ =	sdelay $0x1  }
0x2fc: {  	s31 =	simm.s32 $0x7  }
0x2fd: {  	v19 =	vmov s31;
	v18 =	vmul.f32 $5.656854150e+00, v18  }
0x2fe: {  	v19 =	vshrl.u32 v19, $0x3  }
0x2ff: {  	[tilespmem:v17+s8+$0x0] =	vst.idx.msk $0xffff, v18;
	v17 =	vshll.u32 v19, v1  }
0x300: {  	v18 =	vld [tilespmem:s17+$0xFFFFFFF0];
	v17 =	vbroadcast v17, $0x0;
	_ =	sdelay $0x1  }
0x301: {  	v19 =	vadd.s32 v15, v17;
	_ =	sdelay $0x2  }
0x302: {  	v18 =	vmul.f32 $5.656854150e+00, v18;
	_ =	sdelay $0x1  }
0x303: {  	[tilespmem:v19+s8+$0x0] =	vst.idx.msk $0xffff, v18  }
0x304: {  	v18 =	vld [tilespmem:s17+$0x0];
	_ =	sdelay $0x1  }
0x305: {  	v17 =	vadd.s32 v16, v17  }
0x306: {  	s18 =	simm.s32 $0x8  }
0x307: {  	v19 =	vmov s18  }
0x308: {  	s0 =	sor.u32 $0x2, s29;
	s19 =	simm.s32 $0x10;
	v19 =	vshrl.u32 v19, $0x3;
	v18 =	vmul.f32 $5.656854150e+00, v18  }
.LBB2_7:
0x309: {  	p2 =	slt.u32 s19, $0x78  }
0x30a: {  	v19 =	vshll.u32 v19, v1;
	[tilespmem:v17+s8+$0x0] =	vst.idx.msk $0xffff, v18;
	s17 =	sadd.s32 $0x100, s17;
	s20 =	smov.u32 s19;
	s19 =	sadd.s32 $0x8, s19  }
0x30b: {  	v17 =	vld [tilespmem:s17+$0xFFFFFF10];
	v18 =	vbroadcast v19, $0x0;
	_ =	sdelay $0x1  }
0x30c: {  	v19 =	vadd.s32 v0, v18;
	_ =	sdelay $0x2  }
0x30d: {  	v17 =	vmul.f32 $5.656854150e+00, v17;
	_ =	sdelay $0x1  }
0x30e: {  	[tilespmem:v19+s8+$0x0] =	vst.idx.msk $0xffff, v17  }
0x30f: {  	v17 =	vld [tilespmem:s17+$0xFFFFFF20];
	_ =	sdelay $0x1  }
0x310: {  	v18 =	vadd.s32 v2, v18;
	_ =	sdelay $0x1  }
0x311: {  	s5 =	sadd.s32 $0x1, s18  }
0x312: {  	v19 =	vmov s5;
	v17 =	vmul.f32 $5.656854150e+00, v17  }
0x313: {  	v19 =	vshrl.u32 v19, $0x3  }
0x314: {  	[tilespmem:v18+s8+$0x0] =	vst.idx.msk $0xffff, v17;
	v17 =	vshll.u32 v19, v1  }
0x315: {  	v18 =	vld [tilespmem:s17+$0xFFFFFF30];
	v17 =	vbroadcast v17, $0x0;
	_ =	sdelay $0x1  }
0x316: {  	v19 =	vadd.s32 v3, v17;
	_ =	sdelay $0x2  }
0x317: {  	v18 =	vmul.f32 $5.656854150e+00, v18;
	_ =	sdelay $0x1  }
0x318: {  	[tilespmem:v19+s8+$0x0] =	vst.idx.msk $0xffff, v18  }
0x319: {  	v18 =	vld [tilespmem:s17+$0xFFFFFF40];
	_ =	sdelay $0x1  }
0x31a: {  	v17 =	vadd.s32 v4, v17;
	_ =	sdelay $0x1  }
0x31b: {  	s5 =	sadd.s32 $0x2, s18  }
0x31c: {  	v19 =	vmov s5;
	v18 =	vmul.f32 $5.656854150e+00, v18  }
0x31d: {  	v19 =	vshrl.u32 v19, $0x3  }
0x31e: {  	[tilespmem:v17+s8+$0x0] =	vst.idx.msk $0xffff, v18;
	v17 =	vshll.u32 v19, v1  }
0x31f: {  	v18 =	vld [tilespmem:s17+$0xFFFFFF50];
	v17 =	vbroadcast v17, $0x0;
	_ =	sdelay $0x1  }
0x320: {  	v19 =	vadd.s32 v5, v17;
	_ =	sdelay $0x2  }
0x321: {  	v18 =	vmul.f32 $5.656854150e+00, v18;
	_ =	sdelay $0x1  }
0x322: {  	[tilespmem:v19+s8+$0x0] =	vst.idx.msk $0xffff, v18  }
0x323: {  	v18 =	vld [tilespmem:s17+$0xFFFFFF60];
	_ =	sdelay $0x1  }
0x324: {  	v17 =	vadd.s32 v6, v17;
	_ =	sdelay $0x1  }
0x325: {  	s5 =	sadd.s32 $0x3, s18  }
0x326: {  	v19 =	vmov s5;
	v18 =	vmul.f32 $5.656854150e+00, v18  }
0x327: {  	v19 =	vshrl.u32 v19, $0x3  }
0x328: {  	[tilespmem:v17+s8+$0x0] =	vst.idx.msk $0xffff, v18;
	v17 =	vshll.u32 v19, v1  }
0x329: {  	v18 =	vld [tilespmem:s17+$0xFFFFFF70];
	v17 =	vbroadcast v17, $0x0;
	_ =	sdelay $0x1  }
0x32a: {  	v19 =	vadd.s32 v7, v17;
	_ =	sdelay $0x2  }
0x32b: {  	v18 =	vmul.f32 $5.656854150e+00, v18;
	_ =	sdelay $0x1  }
0x32c: {  	[tilespmem:v19+s8+$0x0] =	vst.idx.msk $0xffff, v18  }
0x32d: {  	v18 =	vld [tilespmem:s17+$0xFFFFFF80];
	_ =	sdelay $0x1  }
0x32e: {  	v17 =	vadd.s32 v8, v17;
	_ =	sdelay $0x1  }
0x32f: {  	s5 =	sadd.s32 $0x4, s18  }
0x330: {  	v19 =	vmov s5;
	v18 =	vmul.f32 $5.656854150e+00, v18  }
0x331: {  	v19 =	vshrl.u32 v19, $0x3  }
0x332: {  	[tilespmem:v17+s8+$0x0] =	vst.idx.msk $0xffff, v18;
	v17 =	vshll.u32 v19, v1  }
0x333: {  	v18 =	vld [tilespmem:s17+$0xFFFFFF90];
	v17 =	vbroadcast v17, $0x0;
	_ =	sdelay $0x1  }
0x334: {  	v19 =	vadd.s32 v9, v17;
	_ =	sdelay $0x2  }
0x335: {  	v18 =	vmul.f32 $5.656854150e+00, v18;
	_ =	sdelay $0x1  }
0x336: {  	[tilespmem:v19+s8+$0x0] =	vst.idx.msk $0xffff, v18  }
0x337: {  	v18 =	vld [tilespmem:s17+$0xFFFFFFA0];
	_ =	sdelay $0x1  }
0x338: {  	v17 =	vadd.s32 v10, v17;
	_ =	sdelay $0x1  }
0x339: {  	s5 =	sadd.s32 $0x5, s18  }
0x33a: {  	v19 =	vmov s5;
	v18 =	vmul.f32 $5.656854150e+00, v18  }
0x33b: {  	v19 =	vshrl.u32 v19, $0x3  }
0x33c: {  	[tilespmem:v17+s8+$0x0] =	vst.idx.msk $0xffff, v18;
	v17 =	vshll.u32 v19, v1  }
0x33d: {  	v18 =	vld [tilespmem:s17+$0xFFFFFFB0];
	v17 =	vbroadcast v17, $0x0;
	_ =	sdelay $0x1  }
0x33e: {  	v19 =	vadd.s32 v11, v17;
	_ =	sdelay $0x2  }
0x33f: {  	v18 =	vmul.f32 $5.656854150e+00, v18;
	_ =	sdelay $0x1  }
0x340: {  	[tilespmem:v19+s8+$0x0] =	vst.idx.msk $0xffff, v18  }
0x341: {  	v18 =	vld [tilespmem:s17+$0xFFFFFFC0];
	_ =	sdelay $0x1  }
0x342: {  	v17 =	vadd.s32 v12, v17;
	_ =	sdelay $0x1  }
0x343: {  	s5 =	sadd.s32 $0x6, s18  }
0x344: {  	v19 =	vmov s5;
	v18 =	vmul.f32 $5.656854150e+00, v18  }
0x345: {  	v19 =	vshrl.u32 v19, $0x3  }
0x346: {  	[tilespmem:v17+s8+$0x0] =	vst.idx.msk $0xffff, v18;
	v17 =	vshll.u32 v19, v1  }
0x347: {  	v18 =	vld [tilespmem:s17+$0xFFFFFFD0];
	v17 =	vbroadcast v17, $0x0;
	_ =	sdelay $0x1  }
0x348: {  	v19 =	vadd.s32 v13, v17;
	_ =	sdelay $0x2  }
0x349: {  	v18 =	vmul.f32 $5.656854150e+00, v18;
	_ =	sdelay $0x1  }
0x34a: {  	[tilespmem:v19+s8+$0x0] =	vst.idx.msk $0xffff, v18  }
0x34b: {  	v18 =	vld [tilespmem:s17+$0xFFFFFFE0];
	_ =	sdelay $0x1  }
0x34c: {  	v17 =	vadd.s32 v14, v17;
	_ =	sdelay $0x1  }
0x34d: {  	s5 =	sadd.s32 $0x7, s18;
	s18 =	smov.u32 s20  }
0x34e: {  	v19 =	vmov s5;
	v18 =	vmul.f32 $5.656854150e+00, v18  }
0x34f: {  	v19 =	vshrl.u32 v19, $0x3  }
0x350: {  	[tilespmem:v17+s8+$0x0] =	vst.idx.msk $0xffff, v18;
	v17 =	vshll.u32 v19, v1  }
0x351: {  	v18 =	vld [tilespmem:s17+$0xFFFFFFF0];
	v17 =	vbroadcast v17, $0x0;
	_ =	sdelay $0x1  }
0x352: {  	v19 =	vadd.s32 v15, v17;
	_ =	sdelay $0x2  }
0x353: {  	v18 =	vmul.f32 $5.656854150e+00, v18;
	_ =	sdelay $0x1  }
0x354: {  	[tilespmem:v19+s8+$0x0] =	vst.idx.msk $0xffff, v18  }
0x355: {  	v18 =	vld [tilespmem:s17+$0x0];
	_ =	sdelay $0x1  }
.Ltmp4:
0x356: {  	v17 =	vadd.s32 v16, v17;
	(pc) =	sbr.rel @p2 .LBB2_7-.Ltmp4, $3  }
0x357: {  	_ =	sdelay $0x1  }
0x358: {  	v19 =	vmov s18;
	v18 =	vmul.f32 $5.656854150e+00, v18  }
0x359: {  	v19 =	vshrl.u32 v19, $0x3  }
0x35a: {  	_ =	sdelay $0x3  }
0x35b: {  	v19 =	vshll.u32 v19, v1;
	[tilespmem:v17+s8+$0x0] =	vst.idx.msk $0xffff, v18;
	s17 =	sadd.s32 $0x100, s17  }
0x35c: {  	v17 =	vld [tilespmem:s17+$0xFFFFFF10];
	v18 =	vbroadcast v19, $0x0;
	_ =	sdelay $0x1  }
0x35d: {  	v19 =	vadd.s32 v0, v18;
	_ =	sdelay $0x2  }
0x35e: {  	v17 =	vmul.f32 $5.656854150e+00, v17;
	_ =	sdelay $0x1  }
0x35f: {  	[tilespmem:v19+s8+$0x0] =	vst.idx.msk $0xffff, v17  }
0x360: {  	v17 =	vld [tilespmem:s17+$0xFFFFFF20];
	_ =	sdelay $0x1  }
0x361: {  	v18 =	vadd.s32 v2, v18;
	_ =	sdelay $0x1  }
0x362: {  	s5 =	sadd.s32 $0x1, s18  }
0x363: {  	v19 =	vmov s5;
	v17 =	vmul.f32 $5.656854150e+00, v17  }
0x364: {  	v19 =	vshrl.u32 v19, $0x3  }
0x365: {  	[tilespmem:v18+s8+$0x0] =	vst.idx.msk $0xffff, v17;
	v17 =	vshll.u32 v19, v1  }
0x366: {  	v18 =	vld [tilespmem:s17+$0xFFFFFF30];
	v17 =	vbroadcast v17, $0x0;
	_ =	sdelay $0x1  }
0x367: {  	v19 =	vadd.s32 v3, v17;
	_ =	sdelay $0x2  }
0x368: {  	v18 =	vmul.f32 $5.656854150e+00, v18;
	_ =	sdelay $0x1  }
0x369: {  	[tilespmem:v19+s8+$0x0] =	vst.idx.msk $0xffff, v18  }
0x36a: {  	v18 =	vld [tilespmem:s17+$0xFFFFFF40];
	_ =	sdelay $0x1  }
0x36b: {  	v17 =	vadd.s32 v4, v17;
	_ =	sdelay $0x1  }
0x36c: {  	s21 =	sadd.s32 $0x2, s18  }
0x36d: {  	v19 =	vmov s21;
	v18 =	vmul.f32 $5.656854150e+00, v18  }
0x36e: {  	v19 =	vshrl.u32 v19, $0x3  }
0x36f: {  	[tilespmem:v17+s8+$0x0] =	vst.idx.msk $0xffff, v18;
	v17 =	vshll.u32 v19, v1  }
0x370: {  	v18 =	vld [tilespmem:s17+$0xFFFFFF50];
	v17 =	vbroadcast v17, $0x0;
	_ =	sdelay $0x1  }
0x371: {  	v19 =	vadd.s32 v5, v17;
	_ =	sdelay $0x2  }
0x372: {  	v18 =	vmul.f32 $5.656854150e+00, v18;
	_ =	sdelay $0x1  }
0x373: {  	[tilespmem:v19+s8+$0x0] =	vst.idx.msk $0xffff, v18  }
0x374: {  	v18 =	vld [tilespmem:s17+$0xFFFFFF60];
	_ =	sdelay $0x1  }
0x375: {  	v17 =	vadd.s32 v6, v17;
	_ =	sdelay $0x1  }
0x376: {  	s31 =	sadd.s32 $0x3, s18  }
0x377: {  	v19 =	vmov s31;
	v18 =	vmul.f32 $5.656854150e+00, v18  }
0x378: {  	v19 =	vshrl.u32 v19, $0x3  }
0x379: {  	[tilespmem:v17+s8+$0x0] =	vst.idx.msk $0xffff, v18;
	v17 =	vshll.u32 v19, v1  }
0x37a: {  	v18 =	vld [tilespmem:s17+$0xFFFFFF70];
	v17 =	vbroadcast v17, $0x0;
	_ =	sdelay $0x1  }
0x37b: {  	v19 =	vadd.s32 v7, v17;
	_ =	sdelay $0x2  }
0x37c: {  	v18 =	vmul.f32 $5.656854150e+00, v18;
	_ =	sdelay $0x1  }
0x37d: {  	[tilespmem:v19+s8+$0x0] =	vst.idx.msk $0xffff, v18  }
0x37e: {  	v18 =	vld [tilespmem:s17+$0xFFFFFF80];
	_ =	sdelay $0x1  }
0x37f: {  	v17 =	vadd.s32 v8, v17;
	_ =	sdelay $0x1  }
0x380: {  	s19 =	sadd.s32 $0x4, s18  }
0x381: {  	v19 =	vmov s19;
	v18 =	vmul.f32 $5.656854150e+00, v18  }
0x382: {  	v19 =	vshrl.u32 v19, $0x3  }
0x383: {  	[tilespmem:v17+s8+$0x0] =	vst.idx.msk $0xffff, v18;
	v17 =	vshll.u32 v19, v1  }
0x384: {  	v18 =	vld [tilespmem:s17+$0xFFFFFF90];
	v17 =	vbroadcast v17, $0x0;
	_ =	sdelay $0x1  }
0x385: {  	v19 =	vadd.s32 v9, v17;
	_ =	sdelay $0x2  }
0x386: {  	v18 =	vmul.f32 $5.656854150e+00, v18;
	_ =	sdelay $0x1  }
0x387: {  	[tilespmem:v19+s8+$0x0] =	vst.idx.msk $0xffff, v18  }
0x388: {  	v18 =	vld [tilespmem:s17+$0xFFFFFFA0];
	_ =	sdelay $0x1  }
0x389: {  	v17 =	vadd.s32 v10, v17;
	_ =	sdelay $0x1  }
0x38a: {  	s20 =	sadd.s32 $0x5, s18  }
0x38b: {  	v19 =	vmov s20;
	v18 =	vmul.f32 $5.656854150e+00, v18  }
0x38c: {  	v19 =	vshrl.u32 v19, $0x3  }
0x38d: {  	[tilespmem:v17+s8+$0x0] =	vst.idx.msk $0xffff, v18;
	v17 =	vshll.u32 v19, v1  }
0x38e: {  	v18 =	vld [tilespmem:s17+$0xFFFFFFB0];
	v17 =	vbroadcast v17, $0x0;
	_ =	sdelay $0x1  }
0x38f: {  	v19 =	vadd.s32 v11, v17;
	_ =	sdelay $0x2  }
0x390: {  	v18 =	vmul.f32 $5.656854150e+00, v18;
	_ =	sdelay $0x1  }
0x391: {  	[tilespmem:v19+s8+$0x0] =	vst.idx.msk $0xffff, v18  }
0x392: {  	v18 =	vld [tilespmem:s17+$0xFFFFFFC0];
	_ =	sdelay $0x1  }
0x393: {  	v17 =	vadd.s32 v12, v17;
	_ =	sdelay $0x1  }
0x394: {  	s21 =	sadd.s32 $0x6, s18  }
0x395: {  	v19 =	vmov s21;
	v18 =	vmul.f32 $5.656854150e+00, v18  }
0x396: {  	v19 =	vshrl.u32 v19, $0x3  }
0x397: {  	[tilespmem:v17+s8+$0x0] =	vst.idx.msk $0xffff, v18;
	v17 =	vshll.u32 v19, v1  }
0x398: {  	v18 =	vld [tilespmem:s17+$0xFFFFFFD0];
	v17 =	vbroadcast v17, $0x0;
	_ =	sdelay $0x1  }
0x399: {  	v19 =	vadd.s32 v13, v17;
	_ =	sdelay $0x2  }
0x39a: {  	v18 =	vmul.f32 $5.656854150e+00, v18;
	_ =	sdelay $0x1  }
0x39b: {  	[tilespmem:v19+s8+$0x0] =	vst.idx.msk $0xffff, v18  }
0x39c: {  	v18 =	vld [tilespmem:s17+$0xFFFFFFE0];
	_ =	sdelay $0x1  }
0x39d: {  	v17 =	vadd.s32 v14, v17;
	_ =	sdelay $0x1  }
0x39e: {  	s31 =	sadd.s32 $0x7, s18  }
0x39f: {  	v19 =	vmov s31;
	v18 =	vmul.f32 $5.656854150e+00, v18  }
0x3a0: {  	v19 =	vshrl.u32 v19, $0x3  }
0x3a1: {  	[tilespmem:v17+s8+$0x0] =	vst.idx.msk $0xffff, v18;
	v17 =	vshll.u32 v19, v1  }
0x3a2: {  	v18 =	vld [tilespmem:s17+$0xFFFFFFF0];
	v17 =	vbroadcast v17, $0x0;
	_ =	sdelay $0x1  }
0x3a3: {  	v19 =	vadd.s32 v15, v17;
	_ =	sdelay $0x2  }
0x3a4: {  	v18 =	vmul.f32 $5.656854150e+00, v18  }
0x3a5: {  	s18 =	smulhi.u32 $0x51EB851F, s0  }
0x3a6: {  	[tilespmem:v19+s8+$0x0] =	vst.idx.msk $0xffff, v18  }
0x3a7: {  	s5 =	sshrl.u32 s18, $0x4;
	v18 =	vld [tilespmem:s17+$0x0]  }
0x3a8: {  	s19 =	smul.u32 $0xFFFFFFCE, s5  }
0x3a9: {  	v17 =	vadd.s32 v16, v17  }
0x3aa: {  	s5 =	sadd.s32 s9, s5;
	s20 =	sadd.s32 s0, s19  }
0x3ab: {  	s5 =	sshll.u32 s5, $0xA;
	s0 =	sshll.u32 s20, $0x13  }
0x3ac: {  	s0 =	sadd.s32 s5, s0;
	v18 =	vmul.f32 $5.656854150e+00, v18  }
0x3ad: {  	s0 =	sshrl.u32 s0, $0x3  }
0x3ae: {  	s0 =	sadd.s32 s2, s0;
	[tilespmem:v17+s8+$0x0] =	vst.idx.msk $0xffff, v18  }
0x3af: {  	[hbm4b:s0+s3] =	stream.linear.scatter [tilespmem:s8], [sflag:$0x7], $0x80, $0x38;
	[tilespmem:$0xE800] =	vst v63  }
0x3b0: {  	s21 =	sadd.s32 $0x10, s0;
	s31 =	simm.s32 $0xC688  }
0x3b1: {  	[hbm4b:s21+s3] =	stream.linear.scatter [tilespmem:s31], [sflag:$0x7], $0x80, $0x38;
	[tilespmem:$0xE800] =	vst v63  }
0x3b2: {  	s18 =	simm.s32 $0xC710;
	s17 =	sadd.s32 $0x20, s0  }
0x3b3: {  	[hbm4b:s17+s3] =	stream.linear.scatter [tilespmem:s18], [sflag:$0x7], $0x80, $0x38;
	[tilespmem:$0xE800] =	vst v63  }
0x3b4: {  	s20 =	simm.s32 $0xC798;
	s19 =	sadd.s32 $0x30, s0  }
0x3b5: {  	[hbm4b:s19+s3] =	stream.linear.scatter [tilespmem:s20], [sflag:$0x7], $0x80, $0x38;
	[tilespmem:$0xE800] =	vst v63  }
0x3b6: {  	s21 =	sadd.s32 $0x40, s0;
	s31 =	simm.s32 $0xC820  }
0x3b7: {  	[hbm4b:s21+s3] =	stream.linear.scatter [tilespmem:s31], [sflag:$0x7], $0x80, $0x38;
	[tilespmem:$0xE800] =	vst v63  }
0x3b8: {  	s17 =	sadd.s32 $0x50, s0;
	s18 =	simm.s32 $0xC8A8  }
0x3b9: {  	[hbm4b:s17+s3] =	stream.linear.scatter [tilespmem:s18], [sflag:$0x7], $0x80, $0x38;
	[tilespmem:$0xE800] =	vst v63  }
0x3ba: {  	s19 =	sadd.s32 $0x60, s0;
	s20 =	simm.s32 $0xC930  }
0x3bb: {  	[hbm4b:s19+s3] =	stream.linear.scatter [tilespmem:s20], [sflag:$0x7], $0x80, $0x38;
	[tilespmem:$0xE800] =	vst v63  }
0x3bc: {  	s21 =	sadd.s32 $0x70, s0;
	s31 =	simm.s32 $0xC9B8  }
0x3bd: {  	[hbm4b:s21+s3] =	stream.linear.scatter [tilespmem:s31], [sflag:$0x7], $0x80, $0x38;
	[tilespmem:$0xE800] =	vst v63  }
0x3be: {  	s17 =	sadd.s32 $0x4000, s0;
	s18 =	simm.s32 $0xCA40  }
0x3bf: {  	[hbm4b:s17+s3] =	stream.linear.scatter [tilespmem:s18], [sflag:$0x7], $0x80, $0x38;
	[tilespmem:$0xE800] =	vst v63  }
0x3c0: {  	s19 =	sadd.s32 $0x4010, s0;
	s20 =	simm.s32 $0xCAC8  }
0x3c1: {  	[hbm4b:s19+s3] =	stream.linear.scatter [tilespmem:s20], [sflag:$0x7], $0x80, $0x38;
	[tilespmem:$0xE800] =	vst v63  }
0x3c2: {  	s21 =	sadd.s32 $0x4020, s0;
	s31 =	simm.s32 $0xCB50  }
0x3c3: {  	[hbm4b:s21+s3] =	stream.linear.scatter [tilespmem:s31], [sflag:$0x7], $0x80, $0x38;
	[tilespmem:$0xE800] =	vst v63  }
0x3c4: {  	s17 =	sadd.s32 $0x4030, s0;
	s18 =	simm.s32 $0xCBD8  }
0x3c5: {  	[hbm4b:s17+s3] =	stream.linear.scatter [tilespmem:s18], [sflag:$0x7], $0x80, $0x38;
	[tilespmem:$0xE800] =	vst v63  }
0x3c6: {  	s19 =	sadd.s32 $0x4040, s0;
	s20 =	simm.s32 $0xCC60  }
0x3c7: {  	[hbm4b:s19+s3] =	stream.linear.scatter [tilespmem:s20], [sflag:$0x7], $0x80, $0x38;
	[tilespmem:$0xE800] =	vst v63  }
0x3c8: {  	s21 =	sadd.s32 $0x4050, s0;
	s31 =	simm.s32 $0xCCE8  }
0x3c9: {  	[hbm4b:s21+s3] =	stream.linear.scatter [tilespmem:s31], [sflag:$0x7], $0x80, $0x38;
	[tilespmem:$0xE800] =	vst v63  }
0x3ca: {  	s17 =	sadd.s32 $0x4060, s0;
	s18 =	simm.s32 $0xCD70  }
0x3cb: {  	[hbm4b:s17+s3] =	stream.linear.scatter [tilespmem:s18], [sflag:$0x7], $0x80, $0x38;
	[tilespmem:$0xE800] =	vst v63  }
0x3cc: {  	s19 =	sadd.s32 $0x4070, s0;
	s20 =	simm.s32 $0xCDF8  }
0x3cd: {  	[hbm4b:s19+s3] =	stream.linear.scatter [tilespmem:s20], [sflag:$0x7], $0x80, $0x38;
	[tilespmem:$0xE800] =	vst v63  }
0x3ce: {  	s21 =	sadd.s32 $0x8000, s0;
	s31 =	simm.s32 $0xCE80  }
0x3cf: {  	[hbm4b:s21+s3] =	stream.linear.scatter [tilespmem:s31], [sflag:$0x7], $0x80, $0x38;
	[tilespmem:$0xE800] =	vst v63  }
0x3d0: {  	s17 =	sadd.s32 $0x8010, s0;
	s18 =	simm.s32 $0xCF08  }
0x3d1: {  	[hbm4b:s17+s3] =	stream.linear.scatter [tilespmem:s18], [sflag:$0x7], $0x80, $0x38;
	[tilespmem:$0xE800] =	vst v63  }
0x3d2: {  	s19 =	sadd.s32 $0x8020, s0;
	s20 =	simm.s32 $0xCF90  }
0x3d3: {  	[hbm4b:s19+s3] =	stream.linear.scatter [tilespmem:s20], [sflag:$0x7], $0x80, $0x38;
	[tilespmem:$0xE800] =	vst v63  }
0x3d4: {  	s21 =	sadd.s32 $0x8030, s0;
	s31 =	simm.s32 $0xD018  }
0x3d5: {  	[hbm4b:s21+s3] =	stream.linear.scatter [tilespmem:s31], [sflag:$0x7], $0x80, $0x38;
	[tilespmem:$0xE800] =	vst v63  }
0x3d6: {  	s17 =	sadd.s32 $0x8040, s0;
	s18 =	simm.s32 $0xD0A0  }
0x3d7: {  	[hbm4b:s17+s3] =	stream.linear.scatter [tilespmem:s18], [sflag:$0x7], $0x80, $0x38;
	[tilespmem:$0xE800] =	vst v63  }
0x3d8: {  	s19 =	sadd.s32 $0x8050, s0;
	s20 =	simm.s32 $0xD128  }
0x3d9: {  	[hbm4b:s19+s3] =	stream.linear.scatter [tilespmem:s20], [sflag:$0x7], $0x80, $0x38;
	[tilespmem:$0xE800] =	vst v63  }
0x3da: {  	s21 =	sadd.s32 $0x8060, s0;
	s31 =	simm.s32 $0xD1B0  }
0x3db: {  	[hbm4b:s21+s3] =	stream.linear.scatter [tilespmem:s31], [sflag:$0x7], $0x80, $0x38;
	[tilespmem:$0xE800] =	vst v63  }
0x3dc: {  	s17 =	sadd.s32 $0x8070, s0;
	s18 =	simm.s32 $0xD238  }
0x3dd: {  	[hbm4b:s17+s3] =	stream.linear.scatter [tilespmem:s18], [sflag:$0x7], $0x80, $0x38;
	[tilespmem:$0xE800] =	vst v63  }
0x3de: {  	s19 =	sadd.s32 $0xC000, s0;
	s20 =	simm.s32 $0xD2C0  }
0x3df: {  	[hbm4b:s19+s3] =	stream.linear.scatter [tilespmem:s20], [sflag:$0x7], $0x80, $0x38;
	[tilespmem:$0xE800] =	vst v63  }
0x3e0: {  	s21 =	sadd.s32 $0xC010, s0;
	s31 =	simm.s32 $0xD348  }
0x3e1: {  	[hbm4b:s21+s3] =	stream.linear.scatter [tilespmem:s31], [sflag:$0x7], $0x80, $0x38;
	[tilespmem:$0xE800] =	vst v63  }
0x3e2: {  	s17 =	sadd.s32 $0xC020, s0;
	s18 =	simm.s32 $0xD3D0  }
0x3e3: {  	[hbm4b:s17+s3] =	stream.linear.scatter [tilespmem:s18], [sflag:$0x7], $0x80, $0x38;
	[tilespmem:$0xE800] =	vst v63  }
0x3e4: {  	s19 =	sadd.s32 $0xC030, s0;
	s20 =	simm.s32 $0xD458  }
0x3e5: {  	[hbm4b:s19+s3] =	stream.linear.scatter [tilespmem:s20], [sflag:$0x7], $0x80, $0x38;
	[tilespmem:$0xE800] =	vst v63  }
0x3e6: {  	s21 =	sadd.s32 $0xC040, s0;
	s31 =	simm.s32 $0xD4E0  }
0x3e7: {  	[hbm4b:s21+s3] =	stream.linear.scatter [tilespmem:s31], [sflag:$0x7], $0x80, $0x38;
	[tilespmem:$0xE800] =	vst v63  }
0x3e8: {  	s17 =	sadd.s32 $0xC050, s0;
	s18 =	simm.s32 $0xD568  }
0x3e9: {  	[hbm4b:s17+s3] =	stream.linear.scatter [tilespmem:s18], [sflag:$0x7], $0x80, $0x38;
	[tilespmem:$0xE800] =	vst v63  }
0x3ea: {  	s19 =	sadd.s32 $0xC060, s0;
	s20 =	simm.s32 $0xD5F0  }
0x3eb: {  	[hbm4b:s19+s3] =	stream.linear.scatter [tilespmem:s20], [sflag:$0x7], $0x80, $0x38;
	[tilespmem:$0xE800] =	vst v63  }
0x3ec: {  	s0 =	sadd.s32 $0xC070, s0;
	s21 =	simm.s32 $0xD678  }
0x3ed: {  	[hbm4b:s0+s3] =	stream.linear.scatter [tilespmem:s21], [sflag:$0x7], $0x80, $0x38;
	[tilespmem:$0xE800] =	vst v63  }
0x3ee: {  	s5 =	simm.s32 @!p1 $0x80;
	s17 =	simm.s32 @!p1 $0x8400;
	s0 =	sadd.s32 @!p1 $0x300, s30  }
0x3ef: {  	[tilespmem:s17], [sflag:$0x3] =	stream.indirect.gather @!p1 [hbm4b:s4+s5], $0x20, s0, s5, $0xb8;
	[tilespmem:$0xE800] =	vst v63  }
0x3f0: {  	_ =	swait.ge [sflag:s15], $0x1000  }
0x3f1: {  	[sflag:s15] =	ssyncset.done $0x0  }
0x3f2: {  	s31 =	simm.s32 $0x0;
	s0 =	simm.s32 @!p0 $0x8;
	[sflag:s15] =	ssyncadd.s32 $0xFFFFF000  }
0x3f3: {  	v17 =	vmov s31;
	_ =	swait.ge @!p0 [sflag:s0], $0x1000  }
0x3f4: {  	v17 =	vshrl.u32 v17, $0x3;
	[sflag:s0] =	ssyncset.done @!p0 $0x0  }
0x3f5: {  	v17 =	vshll.u32 v17, v1;
	s17 =	simm.s32 $0x94F0;
	[sflag:s0] =	ssyncadd.s32 @!p0 $0xFFFFF000  }
0x3f6: {  	v17 =	vbroadcast v17, $0x0;
	v18 =	vld [tilespmem:s17+$0xFFFFFF10];
	_ =	sdelay $0x1  }
0x3f7: {  	v19 =	vadd.s32 v0, v17;
	_ =	sdelay $0x2  }
0x3f8: {  	v18 =	vmul.f32 $5.656854150e+00, v18;
	_ =	sdelay $0x1  }
0x3f9: {  	[tilespmem:v19+s16+$0x0] =	vst.idx.msk $0xffff, v18  }
0x3fa: {  	v18 =	vld [tilespmem:s17+$0xFFFFFF20];
	_ =	sdelay $0x1  }
0x3fb: {  	v17 =	vadd.s32 v2, v17;
	_ =	sdelay $0x1  }
0x3fc: {  	s5 =	simm.s32 $0x1  }
0x3fd: {  	v19 =	vmov s5;
	v18 =	vmul.f32 $5.656854150e+00, v18  }
0x3fe: {  	v19 =	vshrl.u32 v19, $0x3  }
0x3ff: {  	[tilespmem:v17+s16+$0x0] =	vst.idx.msk $0xffff, v18;
	v17 =	vshll.u32 v19, v1  }
0x400: {  	v18 =	vld [tilespmem:s17+$0xFFFFFF30];
	v17 =	vbroadcast v17, $0x0;
	_ =	sdelay $0x1  }
0x401: {  	v19 =	vadd.s32 v3, v17;
	_ =	sdelay $0x2  }
0x402: {  	v18 =	vmul.f32 $5.656854150e+00, v18;
	_ =	sdelay $0x1  }
0x403: {  	[tilespmem:v19+s16+$0x0] =	vst.idx.msk $0xffff, v18  }
0x404: {  	v18 =	vld [tilespmem:s17+$0xFFFFFF40];
	_ =	sdelay $0x1  }
0x405: {  	v17 =	vadd.s32 v4, v17;
	_ =	sdelay $0x1  }
0x406: {  	s18 =	simm.s32 $0x2  }
0x407: {  	v19 =	vmov s18;
	v18 =	vmul.f32 $5.656854150e+00, v18  }
0x408: {  	v19 =	vshrl.u32 v19, $0x3  }
0x409: {  	[tilespmem:v17+s16+$0x0] =	vst.idx.msk $0xffff, v18;
	v17 =	vshll.u32 v19, v1  }
0x40a: {  	v18 =	vld [tilespmem:s17+$0xFFFFFF50];
	v17 =	vbroadcast v17, $0x0;
	_ =	sdelay $0x1  }
0x40b: {  	v19 =	vadd.s32 v5, v17;
	_ =	sdelay $0x2  }
0x40c: {  	v18 =	vmul.f32 $5.656854150e+00, v18;
	_ =	sdelay $0x1  }
0x40d: {  	[tilespmem:v19+s16+$0x0] =	vst.idx.msk $0xffff, v18  }
0x40e: {  	v18 =	vld [tilespmem:s17+$0xFFFFFF60];
	_ =	sdelay $0x1  }
0x40f: {  	v17 =	vadd.s32 v6, v17;
	_ =	sdelay $0x1  }
0x410: {  	s19 =	simm.s32 $0x3  }
0x411: {  	v19 =	vmov s19;
	v18 =	vmul.f32 $5.656854150e+00, v18  }
0x412: {  	v19 =	vshrl.u32 v19, $0x3  }
0x413: {  	[tilespmem:v17+s16+$0x0] =	vst.idx.msk $0xffff, v18;
	v17 =	vshll.u32 v19, v1  }
0x414: {  	v18 =	vld [tilespmem:s17+$0xFFFFFF70];
	v17 =	vbroadcast v17, $0x0;
	_ =	sdelay $0x1  }
0x415: {  	v19 =	vadd.s32 v7, v17;
	_ =	sdelay $0x2  }
0x416: {  	v18 =	vmul.f32 $5.656854150e+00, v18;
	_ =	sdelay $0x1  }
0x417: {  	[tilespmem:v19+s16+$0x0] =	vst.idx.msk $0xffff, v18  }
0x418: {  	v18 =	vld [tilespmem:s17+$0xFFFFFF80];
	_ =	sdelay $0x1  }
0x419: {  	v17 =	vadd.s32 v8, v17;
	_ =	sdelay $0x1  }
0x41a: {  	s20 =	simm.s32 $0x4  }
0x41b: {  	v19 =	vmov s20;
	v18 =	vmul.f32 $5.656854150e+00, v18  }
0x41c: {  	v19 =	vshrl.u32 v19, $0x3  }
0x41d: {  	[tilespmem:v17+s16+$0x0] =	vst.idx.msk $0xffff, v18;
	v17 =	vshll.u32 v19, v1  }
0x41e: {  	v18 =	vld [tilespmem:s17+$0xFFFFFF90];
	v17 =	vbroadcast v17, $0x0;
	_ =	sdelay $0x1  }
0x41f: {  	v19 =	vadd.s32 v9, v17;
	_ =	sdelay $0x2  }
0x420: {  	v18 =	vmul.f32 $5.656854150e+00, v18;
	_ =	sdelay $0x1  }
0x421: {  	[tilespmem:v19+s16+$0x0] =	vst.idx.msk $0xffff, v18  }
0x422: {  	v18 =	vld [tilespmem:s17+$0xFFFFFFA0];
	_ =	sdelay $0x1  }
0x423: {  	v17 =	vadd.s32 v10, v17;
	_ =	sdelay $0x1  }
0x424: {  	s21 =	simm.s32 $0x5  }
0x425: {  	v19 =	vmov s21;
	v18 =	vmul.f32 $5.656854150e+00, v18  }
0x426: {  	v19 =	vshrl.u32 v19, $0x3  }
0x427: {  	[tilespmem:v17+s16+$0x0] =	vst.idx.msk $0xffff, v18;
	v17 =	vshll.u32 v19, v1  }
0x428: {  	v18 =	vld [tilespmem:s17+$0xFFFFFFB0];
	v17 =	vbroadcast v17, $0x0;
	_ =	sdelay $0x1  }
0x429: {  	v19 =	vadd.s32 v11, v17;
	_ =	sdelay $0x2  }
0x42a: {  	v18 =	vmul.f32 $5.656854150e+00, v18;
	_ =	sdelay $0x1  }
0x42b: {  	[tilespmem:v19+s16+$0x0] =	vst.idx.msk $0xffff, v18  }
0x42c: {  	v18 =	vld [tilespmem:s17+$0xFFFFFFC0];
	_ =	sdelay $0x1  }
0x42d: {  	v17 =	vadd.s32 v12, v17;
	_ =	sdelay $0x1  }
0x42e: {  	s30 =	simm.s32 $0x6  }
0x42f: {  	v19 =	vmov s30;
	v18 =	vmul.f32 $5.656854150e+00, v18  }
0x430: {  	v19 =	vshrl.u32 v19, $0x3  }
0x431: {  	[tilespmem:v17+s16+$0x0] =	vst.idx.msk $0xffff, v18;
	v17 =	vshll.u32 v19, v1  }
0x432: {  	v18 =	vld [tilespmem:s17+$0xFFFFFFD0];
	v17 =	vbroadcast v17, $0x0;
	_ =	sdelay $0x1  }
0x433: {  	v19 =	vadd.s32 v13, v17;
	_ =	sdelay $0x2  }
0x434: {  	v18 =	vmul.f32 $5.656854150e+00, v18;
	_ =	sdelay $0x1  }
0x435: {  	[tilespmem:v19+s16+$0x0] =	vst.idx.msk $0xffff, v18  }
0x436: {  	v18 =	vld [tilespmem:s17+$0xFFFFFFE0];
	_ =	sdelay $0x1  }
0x437: {  	v17 =	vadd.s32 v14, v17;
	_ =	sdelay $0x1  }
0x438: {  	s31 =	simm.s32 $0x7  }
0x439: {  	v19 =	vmov s31;
	v18 =	vmul.f32 $5.656854150e+00, v18  }
0x43a: {  	v19 =	vshrl.u32 v19, $0x3  }
0x43b: {  	[tilespmem:v17+s16+$0x0] =	vst.idx.msk $0xffff, v18;
	v17 =	vshll.u32 v19, v1  }
0x43c: {  	v18 =	vld [tilespmem:s17+$0xFFFFFFF0];
	v17 =	vbroadcast v17, $0x0;
	_ =	sdelay $0x1  }
0x43d: {  	v19 =	vadd.s32 v15, v17;
	_ =	sdelay $0x2  }
0x43e: {  	v18 =	vmul.f32 $5.656854150e+00, v18;
	_ =	sdelay $0x1  }
0x43f: {  	[tilespmem:v19+s16+$0x0] =	vst.idx.msk $0xffff, v18  }
0x440: {  	v18 =	vld [tilespmem:s17+$0x0];
	_ =	sdelay $0x1  }
0x441: {  	v17 =	vadd.s32 v16, v17  }
0x442: {  	s18 =	simm.s32 $0x8  }
0x443: {  	v19 =	vmov s18  }
0x444: {  	s0 =	sor.u32 $0x3, s29;
	s19 =	simm.s32 $0x10;
	v19 =	vshrl.u32 v19, $0x3;
	v18 =	vmul.f32 $5.656854150e+00, v18  }
.LBB2_9:
0x445: {  	p0 =	slt.u32 s19, $0x78  }
0x446: {  	v19 =	vshll.u32 v19, v1;
	[tilespmem:v17+s16+$0x0] =	vst.idx.msk $0xffff, v18;
	s17 =	sadd.s32 $0x100, s17;
	s20 =	smov.u32 s19;
	s19 =	sadd.s32 $0x8, s19  }
0x447: {  	v17 =	vld [tilespmem:s17+$0xFFFFFF10];
	v18 =	vbroadcast v19, $0x0;
	_ =	sdelay $0x1  }
0x448: {  	v19 =	vadd.s32 v0, v18;
	_ =	sdelay $0x2  }
0x449: {  	v17 =	vmul.f32 $5.656854150e+00, v17;
	_ =	sdelay $0x1  }
0x44a: {  	[tilespmem:v19+s16+$0x0] =	vst.idx.msk $0xffff, v17  }
0x44b: {  	v17 =	vld [tilespmem:s17+$0xFFFFFF20];
	_ =	sdelay $0x1  }
0x44c: {  	v18 =	vadd.s32 v2, v18;
	_ =	sdelay $0x1  }
0x44d: {  	s5 =	sadd.s32 $0x1, s18  }
0x44e: {  	v19 =	vmov s5;
	v17 =	vmul.f32 $5.656854150e+00, v17  }
0x44f: {  	v19 =	vshrl.u32 v19, $0x3  }
0x450: {  	[tilespmem:v18+s16+$0x0] =	vst.idx.msk $0xffff, v17;
	v17 =	vshll.u32 v19, v1  }
0x451: {  	v18 =	vld [tilespmem:s17+$0xFFFFFF30];
	v17 =	vbroadcast v17, $0x0;
	_ =	sdelay $0x1  }
0x452: {  	v19 =	vadd.s32 v3, v17;
	_ =	sdelay $0x2  }
0x453: {  	v18 =	vmul.f32 $5.656854150e+00, v18;
	_ =	sdelay $0x1  }
0x454: {  	[tilespmem:v19+s16+$0x0] =	vst.idx.msk $0xffff, v18  }
0x455: {  	v18 =	vld [tilespmem:s17+$0xFFFFFF40];
	_ =	sdelay $0x1  }
0x456: {  	v17 =	vadd.s32 v4, v17;
	_ =	sdelay $0x1  }
0x457: {  	s5 =	sadd.s32 $0x2, s18  }
0x458: {  	v19 =	vmov s5;
	v18 =	vmul.f32 $5.656854150e+00, v18  }
0x459: {  	v19 =	vshrl.u32 v19, $0x3  }
0x45a: {  	[tilespmem:v17+s16+$0x0] =	vst.idx.msk $0xffff, v18;
	v17 =	vshll.u32 v19, v1  }
0x45b: {  	v18 =	vld [tilespmem:s17+$0xFFFFFF50];
	v17 =	vbroadcast v17, $0x0;
	_ =	sdelay $0x1  }
0x45c: {  	v19 =	vadd.s32 v5, v17;
	_ =	sdelay $0x2  }
0x45d: {  	v18 =	vmul.f32 $5.656854150e+00, v18;
	_ =	sdelay $0x1  }
0x45e: {  	[tilespmem:v19+s16+$0x0] =	vst.idx.msk $0xffff, v18  }
0x45f: {  	v18 =	vld [tilespmem:s17+$0xFFFFFF60];
	_ =	sdelay $0x1  }
0x460: {  	v17 =	vadd.s32 v6, v17;
	_ =	sdelay $0x1  }
0x461: {  	s5 =	sadd.s32 $0x3, s18  }
0x462: {  	v19 =	vmov s5;
	v18 =	vmul.f32 $5.656854150e+00, v18  }
0x463: {  	v19 =	vshrl.u32 v19, $0x3  }
0x464: {  	[tilespmem:v17+s16+$0x0] =	vst.idx.msk $0xffff, v18;
	v17 =	vshll.u32 v19, v1  }
0x465: {  	v18 =	vld [tilespmem:s17+$0xFFFFFF70];
	v17 =	vbroadcast v17, $0x0;
	_ =	sdelay $0x1  }
0x466: {  	v19 =	vadd.s32 v7, v17;
	_ =	sdelay $0x2  }
0x467: {  	v18 =	vmul.f32 $5.656854150e+00, v18;
	_ =	sdelay $0x1  }
0x468: {  	[tilespmem:v19+s16+$0x0] =	vst.idx.msk $0xffff, v18  }
0x469: {  	v18 =	vld [tilespmem:s17+$0xFFFFFF80];
	_ =	sdelay $0x1  }
0x46a: {  	v17 =	vadd.s32 v8, v17;
	_ =	sdelay $0x1  }
0x46b: {  	s5 =	sadd.s32 $0x4, s18  }
0x46c: {  	v19 =	vmov s5;
	v18 =	vmul.f32 $5.656854150e+00, v18  }
0x46d: {  	v19 =	vshrl.u32 v19, $0x3  }
0x46e: {  	[tilespmem:v17+s16+$0x0] =	vst.idx.msk $0xffff, v18;
	v17 =	vshll.u32 v19, v1  }
0x46f: {  	v18 =	vld [tilespmem:s17+$0xFFFFFF90];
	v17 =	vbroadcast v17, $0x0;
	_ =	sdelay $0x1  }
0x470: {  	v19 =	vadd.s32 v9, v17;
	_ =	sdelay $0x2  }
0x471: {  	v18 =	vmul.f32 $5.656854150e+00, v18;
	_ =	sdelay $0x1  }
0x472: {  	[tilespmem:v19+s16+$0x0] =	vst.idx.msk $0xffff, v18  }
0x473: {  	v18 =	vld [tilespmem:s17+$0xFFFFFFA0];
	_ =	sdelay $0x1  }
0x474: {  	v17 =	vadd.s32 v10, v17;
	_ =	sdelay $0x1  }
0x475: {  	s5 =	sadd.s32 $0x5, s18  }
0x476: {  	v19 =	vmov s5;
	v18 =	vmul.f32 $5.656854150e+00, v18  }
0x477: {  	v19 =	vshrl.u32 v19, $0x3  }
0x478: {  	[tilespmem:v17+s16+$0x0] =	vst.idx.msk $0xffff, v18;
	v17 =	vshll.u32 v19, v1  }
0x479: {  	v18 =	vld [tilespmem:s17+$0xFFFFFFB0];
	v17 =	vbroadcast v17, $0x0;
	_ =	sdelay $0x1  }
0x47a: {  	v19 =	vadd.s32 v11, v17;
	_ =	sdelay $0x2  }
0x47b: {  	v18 =	vmul.f32 $5.656854150e+00, v18;
	_ =	sdelay $0x1  }
0x47c: {  	[tilespmem:v19+s16+$0x0] =	vst.idx.msk $0xffff, v18  }
0x47d: {  	v18 =	vld [tilespmem:s17+$0xFFFFFFC0];
	_ =	sdelay $0x1  }
0x47e: {  	v17 =	vadd.s32 v12, v17;
	_ =	sdelay $0x1  }
0x47f: {  	s5 =	sadd.s32 $0x6, s18  }
0x480: {  	v19 =	vmov s5;
	v18 =	vmul.f32 $5.656854150e+00, v18  }
0x481: {  	v19 =	vshrl.u32 v19, $0x3  }
0x482: {  	[tilespmem:v17+s16+$0x0] =	vst.idx.msk $0xffff, v18;
	v17 =	vshll.u32 v19, v1  }
0x483: {  	v18 =	vld [tilespmem:s17+$0xFFFFFFD0];
	v17 =	vbroadcast v17, $0x0;
	_ =	sdelay $0x1  }
0x484: {  	v19 =	vadd.s32 v13, v17;
	_ =	sdelay $0x2  }
0x485: {  	v18 =	vmul.f32 $5.656854150e+00, v18;
	_ =	sdelay $0x1  }
0x486: {  	[tilespmem:v19+s16+$0x0] =	vst.idx.msk $0xffff, v18  }
0x487: {  	v18 =	vld [tilespmem:s17+$0xFFFFFFE0];
	_ =	sdelay $0x1  }
0x488: {  	v17 =	vadd.s32 v14, v17;
	_ =	sdelay $0x1  }
0x489: {  	s5 =	sadd.s32 $0x7, s18;
	s18 =	smov.u32 s20  }
0x48a: {  	v19 =	vmov s5;
	v18 =	vmul.f32 $5.656854150e+00, v18  }
0x48b: {  	v19 =	vshrl.u32 v19, $0x3  }
0x48c: {  	[tilespmem:v17+s16+$0x0] =	vst.idx.msk $0xffff, v18;
	v17 =	vshll.u32 v19, v1  }
0x48d: {  	v18 =	vld [tilespmem:s17+$0xFFFFFFF0];
	v17 =	vbroadcast v17, $0x0;
	_ =	sdelay $0x1  }
0x48e: {  	v19 =	vadd.s32 v15, v17;
	_ =	sdelay $0x2  }
0x48f: {  	v18 =	vmul.f32 $5.656854150e+00, v18;
	_ =	sdelay $0x1  }
0x490: {  	[tilespmem:v19+s16+$0x0] =	vst.idx.msk $0xffff, v18  }
0x491: {  	v18 =	vld [tilespmem:s17+$0x0];
	_ =	sdelay $0x1  }
.Ltmp5:
0x492: {  	v17 =	vadd.s32 v16, v17;
	(pc) =	sbr.rel @p0 .LBB2_9-.Ltmp5, $3  }
0x493: {  	_ =	sdelay $0x1  }
0x494: {  	v19 =	vmov s18;
	v18 =	vmul.f32 $5.656854150e+00, v18  }
0x495: {  	v19 =	vshrl.u32 v19, $0x3  }
0x496: {  	_ =	sdelay $0x3  }
0x497: {  	v19 =	vshll.u32 v19, v1;
	[tilespmem:v17+s16+$0x0] =	vst.idx.msk $0xffff, v18;
	s17 =	sadd.s32 $0x100, s17  }
0x498: {  	v17 =	vld [tilespmem:s17+$0xFFFFFF10];
	v18 =	vbroadcast v19, $0x0;
	_ =	sdelay $0x1  }
0x499: {  	v19 =	vadd.s32 v0, v18;
	_ =	sdelay $0x2  }
0x49a: {  	v17 =	vmul.f32 $5.656854150e+00, v17;
	_ =	sdelay $0x1  }
0x49b: {  	[tilespmem:v19+s16+$0x0] =	vst.idx.msk $0xffff, v17  }
0x49c: {  	v17 =	vld [tilespmem:s17+$0xFFFFFF20];
	_ =	sdelay $0x1  }
0x49d: {  	v18 =	vadd.s32 v2, v18;
	_ =	sdelay $0x1  }
0x49e: {  	s5 =	sadd.s32 $0x1, s18  }
0x49f: {  	v19 =	vmov s5;
	v17 =	vmul.f32 $5.656854150e+00, v17  }
0x4a0: {  	v19 =	vshrl.u32 v19, $0x3  }
0x4a1: {  	[tilespmem:v18+s16+$0x0] =	vst.idx.msk $0xffff, v17;
	v17 =	vshll.u32 v19, v1  }
0x4a2: {  	v18 =	vld [tilespmem:s17+$0xFFFFFF30];
	v17 =	vbroadcast v17, $0x0;
	_ =	sdelay $0x1  }
0x4a3: {  	v19 =	vadd.s32 v3, v17;
	_ =	sdelay $0x2  }
0x4a4: {  	v18 =	vmul.f32 $5.656854150e+00, v18;
	_ =	sdelay $0x1  }
0x4a5: {  	[tilespmem:v19+s16+$0x0] =	vst.idx.msk $0xffff, v18  }
0x4a6: {  	v18 =	vld [tilespmem:s17+$0xFFFFFF40];
	_ =	sdelay $0x1  }
0x4a7: {  	v17 =	vadd.s32 v4, v17;
	_ =	sdelay $0x1  }
0x4a8: {  	s30 =	sadd.s32 $0x2, s18  }
0x4a9: {  	v19 =	vmov s30;
	v18 =	vmul.f32 $5.656854150e+00, v18  }
0x4aa: {  	v19 =	vshrl.u32 v19, $0x3  }
0x4ab: {  	[tilespmem:v17+s16+$0x0] =	vst.idx.msk $0xffff, v18;
	v17 =	vshll.u32 v19, v1  }
0x4ac: {  	v18 =	vld [tilespmem:s17+$0xFFFFFF50];
	v17 =	vbroadcast v17, $0x0;
	_ =	sdelay $0x1  }
0x4ad: {  	v19 =	vadd.s32 v5, v17;
	_ =	sdelay $0x2  }
0x4ae: {  	v18 =	vmul.f32 $5.656854150e+00, v18;
	_ =	sdelay $0x1  }
0x4af: {  	[tilespmem:v19+s16+$0x0] =	vst.idx.msk $0xffff, v18  }
0x4b0: {  	v18 =	vld [tilespmem:s17+$0xFFFFFF60];
	_ =	sdelay $0x1  }
0x4b1: {  	v17 =	vadd.s32 v6, v17;
	_ =	sdelay $0x1  }
0x4b2: {  	s31 =	sadd.s32 $0x3, s18  }
0x4b3: {  	v19 =	vmov s31;
	v18 =	vmul.f32 $5.656854150e+00, v18  }
0x4b4: {  	v19 =	vshrl.u32 v19, $0x3  }
0x4b5: {  	[tilespmem:v17+s16+$0x0] =	vst.idx.msk $0xffff, v18;
	v17 =	vshll.u32 v19, v1  }
0x4b6: {  	v18 =	vld [tilespmem:s17+$0xFFFFFF70];
	v17 =	vbroadcast v17, $0x0;
	_ =	sdelay $0x1  }
0x4b7: {  	v19 =	vadd.s32 v7, v17;
	_ =	sdelay $0x2  }
0x4b8: {  	v18 =	vmul.f32 $5.656854150e+00, v18;
	_ =	sdelay $0x1  }
0x4b9: {  	[tilespmem:v19+s16+$0x0] =	vst.idx.msk $0xffff, v18  }
0x4ba: {  	v18 =	vld [tilespmem:s17+$0xFFFFFF80];
	_ =	sdelay $0x1  }
0x4bb: {  	v17 =	vadd.s32 v8, v17;
	_ =	sdelay $0x1  }
0x4bc: {  	s19 =	sadd.s32 $0x4, s18  }
0x4bd: {  	v19 =	vmov s19;
	v18 =	vmul.f32 $5.656854150e+00, v18  }
0x4be: {  	v19 =	vshrl.u32 v19, $0x3  }
0x4bf: {  	[tilespmem:v17+s16+$0x0] =	vst.idx.msk $0xffff, v18;
	v17 =	vshll.u32 v19, v1  }
0x4c0: {  	v18 =	vld [tilespmem:s17+$0xFFFFFF90];
	v17 =	vbroadcast v17, $0x0;
	_ =	sdelay $0x1  }
0x4c1: {  	v19 =	vadd.s32 v9, v17;
	_ =	sdelay $0x2  }
0x4c2: {  	v18 =	vmul.f32 $5.656854150e+00, v18;
	_ =	sdelay $0x1  }
0x4c3: {  	[tilespmem:v19+s16+$0x0] =	vst.idx.msk $0xffff, v18  }
0x4c4: {  	v18 =	vld [tilespmem:s17+$0xFFFFFFA0];
	_ =	sdelay $0x1  }
0x4c5: {  	v17 =	vadd.s32 v10, v17;
	_ =	sdelay $0x1  }
0x4c6: {  	s20 =	sadd.s32 $0x5, s18  }
0x4c7: {  	v19 =	vmov s20;
	v18 =	vmul.f32 $5.656854150e+00, v18  }
0x4c8: {  	v19 =	vshrl.u32 v19, $0x3  }
0x4c9: {  	[tilespmem:v17+s16+$0x0] =	vst.idx.msk $0xffff, v18;
	v17 =	vshll.u32 v19, v1  }
0x4ca: {  	v18 =	vld [tilespmem:s17+$0xFFFFFFB0];
	v17 =	vbroadcast v17, $0x0;
	_ =	sdelay $0x1  }
0x4cb: {  	v19 =	vadd.s32 v11, v17;
	_ =	sdelay $0x2  }
0x4cc: {  	v18 =	vmul.f32 $5.656854150e+00, v18;
	_ =	sdelay $0x1  }
0x4cd: {  	[tilespmem:v19+s16+$0x0] =	vst.idx.msk $0xffff, v18  }
0x4ce: {  	v18 =	vld [tilespmem:s17+$0xFFFFFFC0];
	_ =	sdelay $0x1  }
0x4cf: {  	v17 =	vadd.s32 v12, v17;
	_ =	sdelay $0x1  }
0x4d0: {  	s21 =	sadd.s32 $0x6, s18  }
0x4d1: {  	v19 =	vmov s21;
	v18 =	vmul.f32 $5.656854150e+00, v18  }
0x4d2: {  	v19 =	vshrl.u32 v19, $0x3  }
0x4d3: {  	[tilespmem:v17+s16+$0x0] =	vst.idx.msk $0xffff, v18;
	v17 =	vshll.u32 v19, v1  }
0x4d4: {  	v18 =	vld [tilespmem:s17+$0xFFFFFFD0];
	v17 =	vbroadcast v17, $0x0;
	_ =	sdelay $0x1  }
0x4d5: {  	v19 =	vadd.s32 v13, v17;
	_ =	sdelay $0x2  }
0x4d6: {  	v18 =	vmul.f32 $5.656854150e+00, v18;
	_ =	sdelay $0x1  }
0x4d7: {  	[tilespmem:v19+s16+$0x0] =	vst.idx.msk $0xffff, v18  }
0x4d8: {  	v18 =	vld [tilespmem:s17+$0xFFFFFFE0];
	_ =	sdelay $0x1  }
0x4d9: {  	v17 =	vadd.s32 v14, v17;
	_ =	sdelay $0x1  }
0x4da: {  	s29 =	sadd.s32 $0x7, s18  }
0x4db: {  	v19 =	vmov s29;
	v18 =	vmul.f32 $5.656854150e+00, v18  }
0x4dc: {  	v19 =	vshrl.u32 v19, $0x3  }
0x4dd: {  	[tilespmem:v17+s16+$0x0] =	vst.idx.msk $0xffff, v18;
	v17 =	vshll.u32 v19, v1  }
0x4de: {  	v18 =	vld [tilespmem:s17+$0xFFFFFFF0];
	v17 =	vbroadcast v17, $0x0;
	_ =	sdelay $0x1  }
0x4df: {  	v19 =	vadd.s32 v15, v17;
	_ =	sdelay $0x2  }
0x4e0: {  	v18 =	vmul.f32 $5.656854150e+00, v18  }
0x4e1: {  	s30 =	smulhi.u32 $0x51EB851F, s0  }
0x4e2: {  	[tilespmem:v19+s16+$0x0] =	vst.idx.msk $0xffff, v18  }
0x4e3: {  	s5 =	sshrl.u32 s30, $0x4;
	v18 =	vld [tilespmem:s17+$0x0]  }
0x4e4: {  	s31 =	smul.u32 $0xFFFFFFCE, s5  }
0x4e5: {  	v17 =	vadd.s32 v16, v17  }
0x4e6: {  	s5 =	sadd.s32 s9, s5;
	s18 =	sadd.s32 s0, s31  }
0x4e7: {  	s5 =	sshll.u32 s5, $0xA;
	s0 =	sshll.u32 s18, $0x13  }
0x4e8: {  	s0 =	sadd.s32 s5, s0;
	v18 =	vmul.f32 $5.656854150e+00, v18  }
0x4e9: {  	s0 =	sshrl.u32 s0, $0x3  }
0x4ea: {  	s0 =	sadd.s32 s2, s0;
	[tilespmem:v17+s16+$0x0] =	vst.idx.msk $0xffff, v18  }
0x4eb: {  	[hbm4b:s0+s3] =	stream.linear.scatter [tilespmem:s16], [sflag:$0x8], $0x80, $0x38;
	[tilespmem:$0xE800] =	vst v63  }
0x4ec: {  	s19 =	sadd.s32 $0x10, s0;
	s20 =	simm.s32 $0xD788  }
0x4ed: {  	[hbm4b:s19+s3] =	stream.linear.scatter [tilespmem:s20], [sflag:$0x8], $0x80, $0x38;
	[tilespmem:$0xE800] =	vst v63  }
0x4ee: {  	s21 =	sadd.s32 $0x20, s0;
	s29 =	simm.s32 $0xD810  }
0x4ef: {  	[hbm4b:s21+s3] =	stream.linear.scatter [tilespmem:s29], [sflag:$0x8], $0x80, $0x38;
	[tilespmem:$0xE800] =	vst v63  }
0x4f0: {  	s31 =	simm.s32 $0xD898;
	s30 =	sadd.s32 $0x30, s0  }
0x4f1: {  	[hbm4b:s30+s3] =	stream.linear.scatter [tilespmem:s31], [sflag:$0x8], $0x80, $0x38;
	[tilespmem:$0xE800] =	vst v63  }
0x4f2: {  	s18 =	simm.s32 $0xD920;
	s17 =	sadd.s32 $0x40, s0  }
0x4f3: {  	[hbm4b:s17+s3] =	stream.linear.scatter [tilespmem:s18], [sflag:$0x8], $0x80, $0x38;
	[tilespmem:$0xE800] =	vst v63  }
0x4f4: {  	s19 =	sadd.s32 $0x50, s0;
	s20 =	simm.s32 $0xD9A8  }
0x4f5: {  	[hbm4b:s19+s3] =	stream.linear.scatter [tilespmem:s20], [sflag:$0x8], $0x80, $0x38;
	[tilespmem:$0xE800] =	vst v63  }
0x4f6: {  	s21 =	sadd.s32 $0x60, s0;
	s29 =	simm.s32 $0xDA30  }
0x4f7: {  	[hbm4b:s21+s3] =	stream.linear.scatter [tilespmem:s29], [sflag:$0x8], $0x80, $0x38;
	[tilespmem:$0xE800] =	vst v63  }
0x4f8: {  	s30 =	sadd.s32 $0x70, s0;
	s31 =	simm.s32 $0xDAB8  }
0x4f9: {  	[hbm4b:s30+s3] =	stream.linear.scatter [tilespmem:s31], [sflag:$0x8], $0x80, $0x38;
	[tilespmem:$0xE800] =	vst v63  }
0x4fa: {  	s17 =	sadd.s32 $0x4000, s0;
	s18 =	simm.s32 $0xDB40  }
0x4fb: {  	[hbm4b:s17+s3] =	stream.linear.scatter [tilespmem:s18], [sflag:$0x8], $0x80, $0x38;
	[tilespmem:$0xE800] =	vst v63  }
0x4fc: {  	s19 =	sadd.s32 $0x4010, s0;
	s20 =	simm.s32 $0xDBC8  }
0x4fd: {  	[hbm4b:s19+s3] =	stream.linear.scatter [tilespmem:s20], [sflag:$0x8], $0x80, $0x38;
	[tilespmem:$0xE800] =	vst v63  }
0x4fe: {  	s21 =	sadd.s32 $0x4020, s0;
	s29 =	simm.s32 $0xDC50  }
0x4ff: {  	[hbm4b:s21+s3] =	stream.linear.scatter [tilespmem:s29], [sflag:$0x8], $0x80, $0x38;
	[tilespmem:$0xE800] =	vst v63  }
0x500: {  	s30 =	sadd.s32 $0x4030, s0;
	s31 =	simm.s32 $0xDCD8  }
0x501: {  	[hbm4b:s30+s3] =	stream.linear.scatter [tilespmem:s31], [sflag:$0x8], $0x80, $0x38;
	[tilespmem:$0xE800] =	vst v63  }
0x502: {  	s17 =	sadd.s32 $0x4040, s0;
	s18 =	simm.s32 $0xDD60  }
0x503: {  	[hbm4b:s17+s3] =	stream.linear.scatter [tilespmem:s18], [sflag:$0x8], $0x80, $0x38;
	[tilespmem:$0xE800] =	vst v63  }
0x504: {  	s19 =	sadd.s32 $0x4050, s0;
	s20 =	simm.s32 $0xDDE8  }
0x505: {  	[hbm4b:s19+s3] =	stream.linear.scatter [tilespmem:s20], [sflag:$0x8], $0x80, $0x38;
	[tilespmem:$0xE800] =	vst v63  }
0x506: {  	s21 =	sadd.s32 $0x4060, s0;
	s29 =	simm.s32 $0xDE70  }
0x507: {  	[hbm4b:s21+s3] =	stream.linear.scatter [tilespmem:s29], [sflag:$0x8], $0x80, $0x38;
	[tilespmem:$0xE800] =	vst v63  }
0x508: {  	s30 =	sadd.s32 $0x4070, s0;
	s31 =	simm.s32 $0xDEF8  }
0x509: {  	[hbm4b:s30+s3] =	stream.linear.scatter [tilespmem:s31], [sflag:$0x8], $0x80, $0x38;
	[tilespmem:$0xE800] =	vst v63  }
0x50a: {  	s17 =	sadd.s32 $0x8000, s0;
	s18 =	simm.s32 $0xDF80  }
0x50b: {  	[hbm4b:s17+s3] =	stream.linear.scatter [tilespmem:s18], [sflag:$0x8], $0x80, $0x38;
	[tilespmem:$0xE800] =	vst v63  }
0x50c: {  	s19 =	sadd.s32 $0x8010, s0;
	s20 =	simm.s32 $0xE008  }
0x50d: {  	[hbm4b:s19+s3] =	stream.linear.scatter [tilespmem:s20], [sflag:$0x8], $0x80, $0x38;
	[tilespmem:$0xE800] =	vst v63  }
0x50e: {  	s21 =	sadd.s32 $0x8020, s0;
	s29 =	simm.s32 $0xE090  }
0x50f: {  	[hbm4b:s21+s3] =	stream.linear.scatter [tilespmem:s29], [sflag:$0x8], $0x80, $0x38;
	[tilespmem:$0xE800] =	vst v63  }
0x510: {  	s30 =	sadd.s32 $0x8030, s0;
	s31 =	simm.s32 $0xE118  }
0x511: {  	[hbm4b:s30+s3] =	stream.linear.scatter [tilespmem:s31], [sflag:$0x8], $0x80, $0x38;
	[tilespmem:$0xE800] =	vst v63  }
0x512: {  	s17 =	sadd.s32 $0x8040, s0;
	s18 =	simm.s32 $0xE1A0  }
0x513: {  	[hbm4b:s17+s3] =	stream.linear.scatter [tilespmem:s18], [sflag:$0x8], $0x80, $0x38;
	[tilespmem:$0xE800] =	vst v63  }
0x514: {  	s19 =	sadd.s32 $0x8050, s0;
	s20 =	simm.s32 $0xE228  }
0x515: {  	[hbm4b:s19+s3] =	stream.linear.scatter [tilespmem:s20], [sflag:$0x8], $0x80, $0x38;
	[tilespmem:$0xE800] =	vst v63  }
0x516: {  	s21 =	sadd.s32 $0x8060, s0;
	s29 =	simm.s32 $0xE2B0  }
0x517: {  	[hbm4b:s21+s3] =	stream.linear.scatter [tilespmem:s29], [sflag:$0x8], $0x80, $0x38;
	[tilespmem:$0xE800] =	vst v63  }
0x518: {  	s30 =	sadd.s32 $0x8070, s0;
	s31 =	simm.s32 $0xE338  }
0x519: {  	[hbm4b:s30+s3] =	stream.linear.scatter [tilespmem:s31], [sflag:$0x8], $0x80, $0x38;
	[tilespmem:$0xE800] =	vst v63  }
0x51a: {  	s17 =	sadd.s32 $0xC000, s0;
	s18 =	simm.s32 $0xE3C0  }
0x51b: {  	[hbm4b:s17+s3] =	stream.linear.scatter [tilespmem:s18], [sflag:$0x8], $0x80, $0x38;
	[tilespmem:$0xE800] =	vst v63  }
0x51c: {  	s19 =	sadd.s32 $0xC010, s0  }
0x51d: {  	[hbm4b:s19+s3] =	stream.linear.scatter [tilespmem:s6], [sflag:$0x8], $0x80, $0x38;
	[tilespmem:$0xE800] =	vst v63  }
0x51e: {  	s20 =	sadd.s32 $0xC020, s0  }
0x51f: {  	[hbm4b:s20+s3] =	stream.linear.scatter [tilespmem:s10], [sflag:$0x8], $0x80, $0x38;
	[tilespmem:$0xE800] =	vst v63  }
0x520: {  	s21 =	sadd.s32 $0xC030, s0  }
0x521: {  	[hbm4b:s21+s3] =	stream.linear.scatter [tilespmem:s12], [sflag:$0x8], $0x80, $0x38;
	[tilespmem:$0xE800] =	vst v63  }
0x522: {  	s29 =	sadd.s32 $0xC040, s0  }
0x523: {  	[hbm4b:s29+s3] =	stream.linear.scatter [tilespmem:s13], [sflag:$0x8], $0x80, $0x38;
	[tilespmem:$0xE800] =	vst v63  }
0x524: {  	s30 =	sadd.s32 $0xC050, s0  }
0x525: {  	[hbm4b:s30+s3] =	stream.linear.scatter [tilespmem:s22], [sflag:$0x8], $0x80, $0x38;
	[tilespmem:$0xE800] =	vst v63  }
.Ltmp6:
0x526: {  	_ = 	snop;
	(pc) =	sbr.rel @p1 .LBB2_12-.Ltmp6, $4  }
0x527: {  	s31 =	sadd.s32 $0xC060, s0  }
0x528: {  	[hbm4b:s31+s3] =	stream.linear.scatter [tilespmem:s25], [sflag:$0x8], $0x80, $0x38;
	[tilespmem:$0xE800] =	vst v63  }
0x529: {  	s0 =	sadd.s32 $0xC070, s0  }
0x52a: {  	[hbm4b:s0+s3] =	stream.linear.scatter [tilespmem:s26], [sflag:$0x8], $0x80, $0x38;
	[tilespmem:$0xE800] =	vst v63  }
.Ltmp7:
0x52b: {  	(pc) =	sbr.rel .LBB2_2-.Ltmp7, $4  }
0x52c: {  	s0 =	sshll.u32 s28, $0x9  }
0x52d: {  	s0 =	sand.u32 $0x3FFFFE00, s0  }
0x52e: {  	s5 =	simm.s32 $0x9400;
	s28 =	sadd.s32 $0x1, s28;
	s0 =	sadd.s32 $0x380, s0  }
0x52f: {  	[tilespmem:s5], [sflag:$0x4] =	stream.indirect.gather [hbm4b:s4+s11], $0x20, s0, s11, $0xb8;
	[tilespmem:$0xE800] =	vst v63  }
.LBB2_13:
0x530: {  	_ =	sfence.sel $0x180000  }
0x531: {  	[bflag:$0x0] =	sbarrier.arrive $0xFFFF  }
0x532: {  	_ =	strace $0x90000047  }
0x533: {  	s0 =	stileid.u32;
	[bflag:$0x2] =	sbarrier.arrive $0xFFFF  }
0x534: {  	p0 =	sne.s32 s0, $0x0;
	s0 =	rddreg [dreg:$0x2]  }
0x535: {  	s0 =	sadd.s32 @!p0 $0x100000, s0  }
0x536: {  	[sflag:s0] =	ssyncadd.tile.s32 @!p0 $0x1;
	_ =	shalt  }
.Lfunc_end2:
_tile_overlayer_lowered:
.L_overlay_start_2:
0x537: {  	(tag) =	ssettag $0x2  }
0x538: {  	s0 =	rddreg [dreg:$0x0];
	s2 =	stileid.u32  }
0x539: {  	s1 =	rddreg [dreg:$0x1];
	p0 =	sne.s32 s2, $0x0  }
0x53a: {  	s3 =	rddreg [dreg:$0x2];
	[bflag:$0x3] =	sbarrier.arrive $0xFFFF;
	s2 =	simm.s32 @!p0 $0x1C09  }
0x53b: {  	[timem:s3], [sflag:s2] =	dma.local @!p0 [hbm:s0], s1  }
0x53c: {  	s0 =	simm.s32 @!p0 $0x9  }
0x53d: {  	_ =	swait.ge @!p0 [sflag:s0], s1  }
0x53e: {  	s1 =	ssub.s32 @!p0 $0x0, s1;
	[sflag:s0] =	ssyncset.done @!p0 $0x0  }
0x53f: {  	[sflag:s0] =	ssyncadd.s32 @!p0 s1  }
0x540: {  	[bflag:$0x3] =	sbarrier.arrive $0xFFFF  }
0x541: {  	_ =	shalt  }

</sc_bundles>
